<compile_context>
chip_gen: v7x
topology: tpu7x:2x2x1
jax: 0.10.2.dev20260603
libtpu: 0.0.44.dev20260713+nightly
codegen_flags: <defaults>
</compile_context>

<pallas_src>
import functools

import jax
import jax.numpy as jnp
from jax import lax
from jax.experimental import pallas as pl
from jax.experimental.pallas import tpu as pltpu
from jax.experimental.pallas import tpu_sc as plsc

_B = 16384
_D = 64
_OUT = 128

_NC = 2
_NS = 16
_NW = _NC * _NS
_PW = _B // _NW
_GRP = 16
_RING = 8
_AHEAD = 7
_NGRP = _PW // _GRP
_GPC = 128 // _GRP


def _sc_gather_t(task_ids, table_t):
    idx1d = task_ids.astype(jnp.int32)
    mesh = plsc.VectorSubcoreMesh(core_axis_name="c", subcore_axis_name="s")

    @functools.partial(
        pl.kernel,
        out_type=jax.ShapeDtypeStruct((_D, _B), jnp.float32),
        mesh=mesh,
        scratch_types=[
            pltpu.VMEM((_PW,), jnp.int32),
            pltpu.VMEM((_RING, _D, 128), jnp.float32),
            pltpu.VMEM((_D, 128), jnp.float32),
            [pltpu.SemaphoreType.DMA] * _RING,
        ],
        compiler_params=pltpu.CompilerParams(
            disable_bounds_checks=True, needs_layout_passes=False),
    )
    def gather_kernel(idx_hbm, table_hbm, out_hbm, idx_v, blk_v, chunk_v, sems):
        wid = lax.axis_index("s") * _NC + lax.axis_index("c")
        pltpu.sync_copy(idx_hbm.at[pl.ds(wid * _PW, _PW)], idx_v)

        def issue(i, slot, sem):
            bstart = pl.multiple_of(lax.shift_right_logical(i, 7) * 128, 128)
            pltpu.async_copy(
                table_hbm.at[pl.ds(0, 32), pl.ds(bstart, 128)],
                blk_v.at[slot, pl.ds(0, 32)], sem)
            pltpu.async_copy(
                table_hbm.at[pl.ds(32, 32), pl.ds(bstart, 128)],
                blk_v.at[slot, pl.ds(32, 32)], sem)

        def wait(slot, sem):
            pltpu.make_async_copy(
                table_hbm.at[:, pl.ds(0, 128)], blk_v.at[slot], sem).wait()

        def extract(i, jc, slot):
            c = jnp.broadcast_to(lax.bitwise_and(i, 127), (16,))
            col = jnp.broadcast_to(jc, (16,))
            for k in range(_D // 16):
                dvec = lax.iota(jnp.int32, 16) + k * 16
                val = plsc.load_gather(blk_v.at[slot], [dvec, c])
                plsc.store_scatter(chunk_v, [dvec, col], val)

        def group(g, _):
            vec = idx_v[pl.ds(g * _GRP, _GRP)]
            nxt = idx_v[pl.ds(jnp.minimum(g + 1, _NGRP - 1) * _GRP, _GRP)]
            not_last = g < _NGRP - 1
            jbase = (g % _GPC) * _GRP
            for u in range(_GRP):
                a = u + _AHEAD
                slot = a % _RING
                if a < _GRP:
                    issue(vec[a], slot, sems[slot])
                else:
                    @pl.when(not_last)
                    def _():
                        issue(nxt[a - _GRP], slot, sems[slot])
                wait(u % _RING, sems[u % _RING])
                extract(vec[u], jbase + u, u % _RING)

            @pl.when(g % _GPC == _GPC - 1)
            def _():
                cbase = pl.multiple_of(wid * _PW + (g // _GPC) * 128, 128)
                pltpu.sync_copy(chunk_v, out_hbm.at[:, pl.ds(cbase, 128)])
            return ()

        first = idx_v[pl.ds(0, _GRP)]
        for u in range(_AHEAD):
            issue(first[u], u % _RING, sems[u % _RING])
        lax.fori_loop(0, _NGRP, group, ())

    return gather_kernel(idx1d, table_t)


_SQRT_HALF = 0.7071067811865476


def _proj_body(e_ref, w_ref, b_ref, o_ref):
    x = lax.dot_general(
        e_ref[...], w_ref[...],
        (((0,), (1,)), ((), ())),
        preferred_element_type=jnp.float32,
    )
    x = x + b_ref[...]
    o_ref[...] = x * 0.5 * (1.0 + lax.erf(x * _SQRT_HALF))


def _tc_proj_t(emb_t, W, b):
    blk = 2048
    return pl.pallas_call(
        _proj_body,
        grid=(_B // blk,),
        in_specs=[
            pl.BlockSpec((_D, blk), lambda i: (0, i)),
            pl.BlockSpec((_OUT, _D), lambda i: (0, 0)),
            pl.BlockSpec((1, _OUT), lambda i: (0, 0)),
        ],
        out_specs=pl.BlockSpec((blk, _OUT), lambda i: (i, 0)),
        out_shape=jax.ShapeDtypeStruct((_B, _OUT), jnp.float32),
    )(emb_t, W, b.reshape(1, _OUT))


def kernel(task_ids, table, W, b):
    emb_t = _sc_gather_t(task_ids, table.T)
    proj = _tc_proj_t(emb_t, W, b)
    return (emb_t.T, proj)

# --- scband reference (transcript-rebuilt; emitter-appended) ---
"""Pipeline reference for scband-task-conditioner-76742475645271 (READ-ONLY COPY).

The authoritative reference and input builder live on the scoring server;
editing this copy changes nothing except your own understanding.
"""

import jax, jax.numpy as jnp
import numpy as np

NUM_TASKS = 1000000
TASK_EMBED_DIM = 64
OUTPUT_DIM = 128
BATCH = 16384


def setup_inputs(seed: int = 0) -> dict:
    key = jax.random.key(seed)
    k_idx, k_tab, k_w, k_b = jax.random.split(key, 4)
    task_ids = jax.random.randint(k_idx, (BATCH,), 0, NUM_TASKS, dtype=jnp.int64 if jax.config.jax_enable_x64 else jnp.int32)
    table = jax.random.normal(k_tab, (NUM_TASKS, TASK_EMBED_DIM), dtype=jnp.float32)
    # Linear(task_embed_dim, output_dim): weight [out, in], bias [out]
    bound = 1.0 / np.sqrt(TASK_EMBED_DIM)
    W = jax.random.uniform(k_w, (OUTPUT_DIM, TASK_EMBED_DIM), minval=-bound, maxval=bound, dtype=jnp.float32)
    b = jax.random.uniform(k_b, (OUTPUT_DIM,), minval=-bound, maxval=bound, dtype=jnp.float32)
    return {"task_ids": task_ids, "table": table, "W": W, "b": b}


def reference(task_ids, table, W, b):
    # embedding lookup -> gather
    task_embed = jnp.take(table, task_ids, axis=0)  # (B, task_embed_dim)
    # Linear + exact GELU (torch default approximate='none')
    task_proj = jax.nn.gelu(task_embed @ W.T + b, approximate=False)  # (B, output_dim)
    return (task_embed, task_proj)

if __name__ == "__main__":
    import jax
    _d = setup_inputs()
    print(jax.jit(kernel)(*tuple(_d.values())))

</pallas_src>

<mosaic_0001>
#map = affine_map<(d0, d1) -> (0)>
#map1 = affine_map<(d0, d1) -> (0, 0)>
module attributes {stable_mosaic.version = 14 : i64} {
  func.func @gather_kernel(%arg0: i32, %arg1: i32, %arg2: memref<16384xi32, #tpu.memory_space<hbm>>, %arg3: memref<64x1000000xf32, #tpu.memory_space<hbm>>, %arg4: memref<64x16384xf32, #tpu.memory_space<hbm>>, %arg5: memref<512xi32, #tpu.memory_space<vmem>>, %arg6: memref<8x64x128xf32, #tpu.memory_space<vmem>>, %arg7: memref<64x128xf32, #tpu.memory_space<vmem>>, %arg8: memref<!tpu.dma_semaphore, #tpu.memory_space<semaphore_mem>>, %arg9: memref<!tpu.dma_semaphore, #tpu.memory_space<semaphore_mem>>, %arg10: memref<!tpu.dma_semaphore, #tpu.memory_space<semaphore_mem>>, %arg11: memref<!tpu.dma_semaphore, #tpu.memory_space<semaphore_mem>>, %arg12: memref<!tpu.dma_semaphore, #tpu.memory_space<semaphore_mem>>, %arg13: memref<!tpu.dma_semaphore, #tpu.memory_space<semaphore_mem>>, %arg14: memref<!tpu.dma_semaphore, #tpu.memory_space<semaphore_mem>>, %arg15: memref<!tpu.dma_semaphore, #tpu.memory_space<semaphore_mem>>) attributes {dimension_semantics = [#tpu.dimension_semantics<core_parallel>, #tpu.dimension_semantics<subcore_parallel>], iteration_bounds = array<i64: 2, 16>, scalar_prefetch = 0 : i64, scratch_operands = 11 : i64, tpu.core_type = #tpu.core_type<sc_vector_subcore>, window_params = [{transform_indices = #map}, {transform_indices = #map1}, {transform_indices = #map1}]} {
    %mul3A = arith.constant 2 : i32
    %mul3A_0 = arith.muli %arg1, %mul3A : i32
    %add3A = arith.addi %mul3A_0, %arg0 : i32
    %mul3A_1 = arith.constant 512 : i32
    %mul3A_2 = arith.muli %add3A, %mul3A_1 : i32
    "tpu.region"() ({
      %run_scoped3A = tpu.sem_alloc : memref<!tpu.dma_semaphore, #tpu.memory_space<semaphore_mem>>
      %dma_start3A_234 = tpu.memref_slice %arg2[%mul3A_2] : memref<16384xi32, #tpu.memory_space<hbm>> -> memref<512xi32, #tpu.memory_space<hbm>>
      %dma_start3A_235 = tpu.memref_slice %arg2[%mul3A_2] : memref<16384xi32, #tpu.memory_space<hbm>> -> memref<512xi32, #tpu.memory_space<hbm>>
      tpu.enqueue_dma source(%dma_start3A_235 : memref<512xi32, #tpu.memory_space<hbm>>) target(%arg5 : memref<512xi32, #tpu.memory_space<vmem>>) target_semaphore(%run_scoped3A : memref<!tpu.dma_semaphore, #tpu.memory_space<semaphore_mem>>)
      %dma_wait3A = tpu.memref_slice %arg2[%mul3A_2] : memref<16384xi32, #tpu.memory_space<hbm>> -> memref<512xi32, #tpu.memory_space<hbm>>
      %dma_wait3A_236 = tpu.memref_slice %arg2[%mul3A_2] : memref<16384xi32, #tpu.memory_space<hbm>> -> memref<512xi32, #tpu.memory_space<hbm>>
      tpu.wait_dma2 semaphore(%run_scoped3A : memref<!tpu.dma_semaphore, #tpu.memory_space<semaphore_mem>>) src(%dma_wait3A_236 : memref<512xi32, #tpu.memory_space<hbm>>) dst(%arg5 : memref<512xi32, #tpu.memory_space<vmem>>)
      tpu.yield
    }) : () -> ()
    %get3A = arith.constant 0 : index
    %get3A_3 = tpu.vector_load %arg5[%get3A] {strides = array<i32>} : memref<512xi32, #tpu.memory_space<vmem>>, vector<16xi32>,
    %slice3A = vector.extract_strided_slice %get3A_3 {offsets = [0], sizes = [1], strides = [1]} : vector<16xi32> to vector<1xi32>
    %squeeze3A = vector.extract %slice3A[0] : i32 from vector<1xi32>
    %shift_right_logical3A = arith.constant 7 : i32
    %shift_right_logical3A_4 = arith.shrui %squeeze3A, %shift_right_logical3A : i32
    %mul3A_5 = arith.constant 128 : i32
    %mul3A_6 = arith.muli %shift_right_logical3A_4, %mul3A_5 : i32
    %multiple_of3A = tpu.assume_multiple %mul3A_6, 128 : i32
    %dma_start3A = arith.constant 0 : i32
    %dma_start3A_7 = arith.constant 0 : i32
    %dma_start3A_8 = arith.constant 0 : i32
    %dma_start3A_9 = tpu.memref_slice %arg6[%dma_start3A, %dma_start3A_7, %dma_start3A_8] : memref<8x64x128xf32, #tpu.memory_space<vmem>> -> memref<1x32x128xf32, #tpu.memory_space<vmem>>
    %dma_start3A_10 = tpu.memref_squeeze %dma_start3A_9 : memref<1x32x128xf32, #tpu.memory_space<vmem>> -> memref<32x128xf32, #tpu.memory_space<vmem>>
    %dma_start3A_11 = arith.constant 0 : i32
    %dma_start3A_12 = tpu.memref_slice %arg3[%dma_start3A_11, %multiple_of3A] : memref<64x1000000xf32, #tpu.memory_space<hbm>> -> memref<32x128xf32, #tpu.memory_space<hbm>>
    %dma_start3A_13 = arith.constant 0 : i32
    %dma_start3A_14 = arith.constant 0 : i32
    %dma_start3A_15 = tpu.memref_slice %arg6[%dma_start3A, %dma_start3A_13, %dma_start3A_14] : memref<8x64x128xf32, #tpu.memory_space<vmem>> -> memref<1x32x128xf32, #tpu.memory_space<vmem>>
    %dma_start3A_16 = tpu.memref_squeeze %dma_start3A_15 : memref<1x32x128xf32, #tpu.memory_space<vmem>> -> memref<32x128xf32, #tpu.memory_space<vmem>>
    %dma_start3A_17 = arith.constant 0 : i32
    %dma_start3A_18 = tpu.memref_slice %arg3[%dma_start3A_17, %multiple_of3A] : memref<64x1000000xf32, #tpu.memory_space<hbm>> -> memref<32x128xf32, #tpu.memory_space<hbm>>
    tpu.enqueue_dma source(%dma_start3A_18 : memref<32x128xf32, #tpu.memory_space<hbm>>) target(%dma_start3A_16 : memref<32x128xf32, #tpu.memory_space<vmem>>) target_semaphore(%arg8 : memref<!tpu.dma_semaphore, #tpu.memory_space<semaphore_mem>>)
    %dma_start3A_19 = arith.constant 0 : i32
    %dma_start3A_20 = arith.constant 32 : i32
    %dma_start3A_21 = arith.constant 0 : i32
    %dma_start3A_22 = tpu.memref_slice %arg6[%dma_start3A_19, %dma_start3A_20, %dma_start3A_21] : memref<8x64x128xf32, #tpu.memory_space<vmem>> -> memref<1x32x128xf32, #tpu.memory_space<vmem>>
    %dma_start3A_23 = tpu.memref_squeeze %dma_start3A_22 : memref<1x32x128xf32, #tpu.memory_space<vmem>> -> memref<32x128xf32, #tpu.memory_space<vmem>>
    %dma_start3A_24 = arith.constant 32 : i32
    %dma_start3A_25 = tpu.memref_slice %arg3[%dma_start3A_24, %multiple_of3A] : memref<64x1000000xf32, #tpu.memory_space<hbm>> -> memref<32x128xf32, #tpu.memory_space<hbm>>
    %dma_start3A_26 = arith.constant 32 : i32
    %dma_start3A_27 = arith.constant 0 : i32
    %dma_start3A_28 = tpu.memref_slice %arg6[%dma_start3A_19, %dma_start3A_26, %dma_start3A_27] : memref<8x64x128xf32, #tpu.memory_space<vmem>> -> memref<1x32x128xf32, #tpu.memory_space<vmem>>
    %dma_start3A_29 = tpu.memref_squeeze %dma_start3A_28 : memref<1x32x128xf32, #tpu.memory_space<vmem>> -> memref<32x128xf32, #tpu.memory_space<vmem>>
    %dma_start3A_30 = arith.constant 32 : i32
    %dma_start3A_31 = tpu.memref_slice %arg3[%dma_start3A_30, %multiple_of3A] : memref<64x1000000xf32, #tpu.memory_space<hbm>> -> memref<32x128xf32, #tpu.memory_space<hbm>>
    tpu.enqueue_dma source(%dma_start3A_31 : memref<32x128xf32, #tpu.memory_space<hbm>>) target(%dma_start3A_29 : memref<32x128xf32, #tpu.memory_space<vmem>>) target_semaphore(%arg8 : memref<!tpu.dma_semaphore, #tpu.memory_space<semaphore_mem>>)
    %slice3A_32 = vector.extract_strided_slice %get3A_3 {offsets = [1], sizes = [1], strides = [1]} : vector<16xi32> to vector<1xi32>
    %squeeze3A_33 = vector.extract %slice3A_32[0] : i32 from vector<1xi32>
    %shift_right_logical3A_34 = arith.constant 7 : i32
    %shift_right_logical3A_35 = arith.shrui %squeeze3A_33, %shift_right_logical3A_34 : i32
    %mul3A_36 = arith.constant 128 : i32
    %mul3A_37 = arith.muli %shift_right_logical3A_35, %mul3A_36 : i32
    %multiple_of3A_38 = tpu.assume_multiple %mul3A_37, 128 : i32
    %dma_start3A_39 = arith.constant 1 : i32
    %dma_start3A_40 = arith.constant 0 : i32
    %dma_start3A_41 = arith.constant 0 : i32
    %dma_start3A_42 = tpu.memref_slice %arg6[%dma_start3A_39, %dma_start3A_40, %dma_start3A_41] : memref<8x64x128xf32, #tpu.memory_space<vmem>> -> memref<1x32x128xf32, #tpu.memory_space<vmem>>
    %dma_start3A_43 = tpu.memref_squeeze %dma_start3A_42 : memref<1x32x128xf32, #tpu.memory_space<vmem>> -> memref<32x128xf32, #tpu.memory_space<vmem>>
    %dma_start3A_44 = arith.constant 0 : i32
    %dma_start3A_45 = tpu.memref_slice %arg3[%dma_start3A_44, %multiple_of3A_38] : memref<64x1000000xf32, #tpu.memory_space<hbm>> -> memref<32x128xf32, #tpu.memory_space<hbm>>
    %dma_start3A_46 = arith.constant 0 : i32
    %dma_start3A_47 = arith.constant 0 : i32
    %dma_start3A_48 = tpu.memref_slice %arg6[%dma_start3A_39, %dma_start3A_46, %dma_start3A_47] : memref<8x64x128xf32, #tpu.memory_space<vmem>> -> memref<1x32x128xf32, #tpu.memory_space<vmem>>
    %dma_start3A_49 = tpu.memref_squeeze %dma_start3A_48 : memref<1x32x128xf32, #tpu.memory_space<vmem>> -> memref<32x128xf32, #tpu.memory_space<vmem>>
    %dma_start3A_50 = arith.constant 0 : i32
    %dma_start3A_51 = tpu.memref_slice %arg3[%dma_start3A_50, %multiple_of3A_38] : memref<64x1000000xf32, #tpu.memory_space<hbm>> -> memref<32x128xf32, #tpu.memory_space<hbm>>
    tpu.enqueue_dma source(%dma_start3A_51 : memref<32x128xf32, #tpu.memory_space<hbm>>) target(%dma_start3A_49 : memref<32x128xf32, #tpu.memory_space<vmem>>) target_semaphore(%arg9 : memref<!tpu.dma_semaphore, #tpu.memory_space<semaphore_mem>>)
    %dma_start3A_52 = arith.constant 1 : i32
    %dma_start3A_53 = arith.constant 32 : i32
    %dma_start3A_54 = arith.constant 0 : i32
    %dma_start3A_55 = tpu.memref_slice %arg6[%dma_start3A_52, %dma_start3A_53, %dma_start3A_54] : memref<8x64x128xf32, #tpu.memory_space<vmem>> -> memref<1x32x128xf32, #tpu.memory_space<vmem>>
    %dma_start3A_56 = tpu.memref_squeeze %dma_start3A_55 : memref<1x32x128xf32, #tpu.memory_space<vmem>> -> memref<32x128xf32, #tpu.memory_space<vmem>>
    %dma_start3A_57 = arith.constant 32 : i32
    %dma_start3A_58 = tpu.memref_slice %arg3[%dma_start3A_57, %multiple_of3A_38] : memref<64x1000000xf32, #tpu.memory_space<hbm>> -> memref<32x128xf32, #tpu.memory_space<hbm>>
    %dma_start3A_59 = arith.constant 32 : i32
    %dma_start3A_60 = arith.constant 0 : i32
    %dma_start3A_61 = tpu.memref_slice %arg6[%dma_start3A_52, %dma_start3A_59, %dma_start3A_60] : memref<8x64x128xf32, #tpu.memory_space<vmem>> -> memref<1x32x128xf32, #tpu.memory_space<vmem>>
    %dma_start3A_62 = tpu.memref_squeeze %dma_start3A_61 : memref<1x32x128xf32, #tpu.memory_space<vmem>> -> memref<32x128xf32, #tpu.memory_space<vmem>>
    %dma_start3A_63 = arith.constant 32 : i32
    %dma_start3A_64 = tpu.memref_slice %arg3[%dma_start3A_63, %multiple_of3A_38] : memref<64x1000000xf32, #tpu.memory_space<hbm>> -> memref<32x128xf32, #tpu.memory_space<hbm>>
    tpu.enqueue_dma source(%dma_start3A_64 : memref<32x128xf32, #tpu.memory_space<hbm>>) target(%dma_start3A_62 : memref<32x128xf32, #tpu.memory_space<vmem>>) target_semaphore(%arg9 : memref<!tpu.dma_semaphore, #tpu.memory_space<semaphore_mem>>)
    %slice3A_65 = vector.extract_strided_slice %get3A_3 {offsets = [2], sizes = [1], strides = [1]} : vector<16xi32> to vector<1xi32>
    %squeeze3A_66 = vector.extract %slice3A_65[0] : i32 from vector<1xi32>
    %shift_right_logical3A_67 = arith.constant 7 : i32
    %shift_right_logical3A_68 = arith.shrui %squeeze3A_66, %shift_right_logical3A_67 : i32
    %mul3A_69 = arith.constant 128 : i32
    %mul3A_70 = arith.muli %shift_right_logical3A_68, %mul3A_69 : i32
    %multiple_of3A_71 = tpu.assume_multiple %mul3A_70, 128 : i32
    %dma_start3A_72 = arith.constant 2 : i32
    %dma_start3A_73 = arith.constant 0 : i32
    %dma_start3A_74 = arith.constant 0 : i32
    %dma_start3A_75 = tpu.memref_slice %arg6[%dma_start3A_72, %dma_start3A_73, %dma_start3A_74] : memref<8x64x128xf32, #tpu.memory_space<vmem>> -> memref<1x32x128xf32, #tpu.memory_space<vmem>>
    %dma_start3A_76 = tpu.memref_squeeze %dma_start3A_75 : memref<1x32x128xf32, #tpu.memory_space<vmem>> -> memref<32x128xf32, #tpu.memory_space<vmem>>
    %dma_start3A_77 = arith.constant 0 : i32
    %dma_start3A_78 = tpu.memref_slice %arg3[%dma_start3A_77, %multiple_of3A_71] : memref<64x1000000xf32, #tpu.memory_space<hbm>> -> memref<32x128xf32, #tpu.memory_space<hbm>>
    %dma_start3A_79 = arith.constant 0 : i32
    %dma_start3A_80 = arith.constant 0 : i32
    %dma_start3A_81 = tpu.memref_slice %arg6[%dma_start3A_72, %dma_start3A_79, %dma_start3A_80] : memref<8x64x128xf32, #tpu.memory_space<vmem>> -> memref<1x32x128xf32, #tpu.memory_space<vmem>>
    %dma_start3A_82 = tpu.memref_squeeze %dma_start3A_81 : memref<1x32x128xf32, #tpu.memory_space<vmem>> -> memref<32x128xf32, #tpu.memory_space<vmem>>
    %dma_start3A_83 = arith.constant 0 : i32
    %dma_start3A_84 = tpu.memref_slice %arg3[%dma_start3A_83, %multiple_of3A_71] : memref<64x1000000xf32, #tpu.memory_space<hbm>> -> memref<32x128xf32, #tpu.memory_space<hbm>>
    tpu.enqueue_dma source(%dma_start3A_84 : memref<32x128xf32, #tpu.memory_space<hbm>>) target(%dma_start3A_82 : memref<32x128xf32, #tpu.memory_space<vmem>>) target_semaphore(%arg10 : memref<!tpu.dma_semaphore, #tpu.memory_space<semaphore_mem>>)
    %dma_start3A_85 = arith.constant 2 : i32
    %dma_start3A_86 = arith.constant 32 : i32
    %dma_start3A_87 = arith.constant 0 : i32
    %dma_start3A_88 = tpu.memref_slice %arg6[%dma_start3A_85, %dma_start3A_86, %dma_start3A_87] : memref<8x64x128xf32, #tpu.memory_space<vmem>> -> memref<1x32x128xf32, #tpu.memory_space<vmem>>
    %dma_start3A_89 = tpu.memref_squeeze %dma_start3A_88 : memref<1x32x128xf32, #tpu.memory_space<vmem>> -> memref<32x128xf32, #tpu.memory_space<vmem>>
    %dma_start3A_90 = arith.constant 32 : i32
    %dma_start3A_91 = tpu.memref_slice %arg3[%dma_start3A_90, %multiple_of3A_71] : memref<64x1000000xf32, #tpu.memory_space<hbm>> -> memref<32x128xf32, #tpu.memory_space<hbm>>
    %dma_start3A_92 = arith.constant 32 : i32
    %dma_start3A_93 = arith.constant 0 : i32
    %dma_start3A_94 = tpu.memref_slice %arg6[%dma_start3A_85, %dma_start3A_92, %dma_start3A_93] : memref<8x64x128xf32, #tpu.memory_space<vmem>> -> memref<1x32x128xf32, #tpu.memory_space<vmem>>
    %dma_start3A_95 = tpu.memref_squeeze %dma_start3A_94 : memref<1x32x128xf32, #tpu.memory_space<vmem>> -> memref<32x128xf32, #tpu.memory_space<vmem>>
    %dma_start3A_96 = arith.constant 32 : i32
    %dma_start3A_97 = tpu.memref_slice %arg3[%dma_start3A_96, %multiple_of3A_71] : memref<64x1000000xf32, #tpu.memory_space<hbm>> -> memref<32x128xf32, #tpu.memory_space<hbm>>
    tpu.enqueue_dma source(%dma_start3A_97 : memref<32x128xf32, #tpu.memory_space<hbm>>) target(%dma_start3A_95 : memref<32x128xf32, #tpu.memory_space<vmem>>) target_semaphore(%arg10 : memref<!tpu.dma_semaphore, #tpu.memory_space<semaphore_mem>>)
    %slice3A_98 = vector.extract_strided_slice %get3A_3 {offsets = [3], sizes = [1], strides = [1]} : vector<16xi32> to vector<1xi32>
    %squeeze3A_99 = vector.extract %slice3A_98[0] : i32 from vector<1xi32>
    %shift_right_logical3A_100 = arith.constant 7 : i32
    %shift_right_logical3A_101 = arith.shrui %squeeze3A_99, %shift_right_logical3A_100 : i32
    %mul3A_102 = arith.constant 128 : i32
    %mul3A_103 = arith.muli %shift_right_logical3A_101, %mul3A_102 : i32
    %multiple_of3A_104 = tpu.assume_multiple %mul3A_103, 128 : i32
    %dma_start3A_105 = arith.constant 3 : i32
    %dma_start3A_106 = arith.constant 0 : i32
    %dma_start3A_107 = arith.constant 0 : i32
    %dma_start3A_108 = tpu.memref_slice %arg6[%dma_start3A_105, %dma_start3A_106, %dma_start3A_107] : memref<8x64x128xf32, #tpu.memory_space<vmem>> -> memref<1x32x128xf32, #tpu.memory_space<vmem>>
    %dma_start3A_109 = tpu.memref_squeeze %dma_start3A_108 : memref<1x32x128xf32, #tpu.memory_space<vmem>> -> memref<32x128xf32, #tpu.memory_space<vmem>>
    %dma_start3A_110 = arith.constant 0 : i32
    %dma_start3A_111 = tpu.memref_slice %arg3[%dma_start3A_110, %multiple_of3A_104] : memref<64x1000000xf32, #tpu.memory_space<hbm>> -> memref<32x128xf32, #tpu.memory_space<hbm>>
    %dma_start3A_112 = arith.constant 0 : i32
    %dma_start3A_113 = arith.constant 0 : i32
    %dma_start3A_114 = tpu.memref_slice %arg6[%dma_start3A_105, %dma_start3A_112, %dma_start3A_113] : memref<8x64x128xf32, #tpu.memory_space<vmem>> -> memref<1x32x128xf32, #tpu.memory_space<vmem>>
    %dma_start3A_115 = tpu.memref_squeeze %dma_start3A_114 : memref<1x32x128xf32, #tpu.memory_space<vmem>> -> memref<32x128xf32, #tpu.memory_space<vmem>>
    %dma_start3A_116 = arith.constant 0 : i32
    %dma_start3A_117 = tpu.memref_slice %arg3[%dma_start3A_116, %multiple_of3A_104] : memref<64x1000000xf32, #tpu.memory_space<hbm>> -> memref<32x128xf32, #tpu.memory_space<hbm>>
    tpu.enqueue_dma source(%dma_start3A_117 : memref<32x128xf32, #tpu.memory_space<hbm>>) target(%dma_start3A_115 : memref<32x128xf32, #tpu.memory_space<vmem>>) target_semaphore(%arg11 : memref<!tpu.dma_semaphore, #tpu.memory_space<semaphore_mem>>)
    %dma_start3A_118 = arith.constant 3 : i32
    %dma_start3A_119 = arith.constant 32 : i32
    %dma_start3A_120 = arith.constant 0 : i32
    %dma_start3A_121 = tpu.memref_slice %arg6[%dma_start3A_118, %dma_start3A_119, %dma_start3A_120] : memref<8x64x128xf32, #tpu.memory_space<vmem>> -> memref<1x32x128xf32, #tpu.memory_space<vmem>>
    %dma_start3A_122 = tpu.memref_squeeze %dma_start3A_121 : memref<1x32x128xf32, #tpu.memory_space<vmem>> -> memref<32x128xf32, #tpu.memory_space<vmem>>
    %dma_start3A_123 = arith.constant 32 : i32
    %dma_start3A_124 = tpu.memref_slice %arg3[%dma_start3A_123, %multiple_of3A_104] : memref<64x1000000xf32, #tpu.memory_space<hbm>> -> memref<32x128xf32, #tpu.memory_space<hbm>>
    %dma_start3A_125 = arith.constant 32 : i32
    %dma_start3A_126 = arith.constant 0 : i32
    %dma_start3A_127 = tpu.memref_slice %arg6[%dma_start3A_118, %dma_start3A_125, %dma_start3A_126] : memref<8x64x128xf32, #tpu.memory_space<vmem>> -> memref<1x32x128xf32, #tpu.memory_space<vmem>>
    %dma_start3A_128 = tpu.memref_squeeze %dma_start3A_127 : memref<1x32x128xf32, #tpu.memory_space<vmem>> -> memref<32x128xf32, #tpu.memory_space<vmem>>
    %dma_start3A_129 = arith.constant 32 : i32
    %dma_start3A_130 = tpu.memref_slice %arg3[%dma_start3A_129, %multiple_of3A_104] : memref<64x1000000xf32, #tpu.memory_space<hbm>> -> memref<32x128xf32, #tpu.memory_space<hbm>>
    tpu.enqueue_dma source(%dma_start3A_130 : memref<32x128xf32, #tpu.memory_space<hbm>>) target(%dma_start3A_128 : memref<32x128xf32, #tpu.memory_space<vmem>>) target_semaphore(%arg11 : memref<!tpu.dma_semaphore, #tpu.memory_space<semaphore_mem>>)
    %slice3A_131 = vector.extract_strided_slice %get3A_3 {offsets = [4], sizes = [1], strides = [1]} : vector<16xi32> to vector<1xi32>
    %squeeze3A_132 = vector.extract %slice3A_131[0] : i32 from vector<1xi32>
    %shift_right_logical3A_133 = arith.constant 7 : i32
    %shift_right_logical3A_134 = arith.shrui %squeeze3A_132, %shift_right_logical3A_133 : i32
    %mul3A_135 = arith.constant 128 : i32
    %mul3A_136 = arith.muli %shift_right_logical3A_134, %mul3A_135 : i32
    %multiple_of3A_137 = tpu.assume_multiple %mul3A_136, 128 : i32
    %dma_start3A_138 = arith.constant 4 : i32
    %dma_start3A_139 = arith.constant 0 : i32
    %dma_start3A_140 = arith.constant 0 : i32
    %dma_start3A_141 = tpu.memref_slice %arg6[%dma_start3A_138, %dma_start3A_139, %dma_start3A_140] : memref<8x64x128xf32, #tpu.memory_space<vmem>> -> memref<1x32x128xf32, #tpu.memory_space<vmem>>
    %dma_start3A_142 = tpu.memref_squeeze %dma_start3A_141 : memref<1x32x128xf32, #tpu.memory_space<vmem>> -> memref<32x128xf32, #tpu.memory_space<vmem>>
    %dma_start3A_143 = arith.constant 0 : i32
    %dma_start3A_144 = tpu.memref_slice %arg3[%dma_start3A_143, %multiple_of3A_137] : memref<64x1000000xf32, #tpu.memory_space<hbm>> -> memref<32x128xf32, #tpu.memory_space<hbm>>
    %dma_start3A_145 = arith.constant 0 : i32
    %dma_start3A_146 = arith.constant 0 : i32
    %dma_start3A_147 = tpu.memref_slice %arg6[%dma_start3A_138, %dma_start3A_145, %dma_start3A_146] : memref<8x64x128xf32, #tpu.memory_space<vmem>> -> memref<1x32x128xf32, #tpu.memory_space<vmem>>
    %dma_start3A_148 = tpu.memref_squeeze %dma_start3A_147 : memref<1x32x128xf32, #tpu.memory_space<vmem>> -> memref<32x128xf32, #tpu.memory_space<vmem>>
    %dma_start3A_149 = arith.constant 0 : i32
    %dma_start3A_150 = tpu.memref_slice %arg3[%dma_start3A_149, %multiple_of3A_137] : memref<64x1000000xf32, #tpu.memory_space<hbm>> -> memref<32x128xf32, #tpu.memory_space<hbm>>
    tpu.enqueue_dma source(%dma_start3A_150 : memref<32x128xf32, #tpu.memory_space<hbm>>) target(%dma_start3A_148 : memref<32x128xf32, #tpu.memory_space<vmem>>) target_semaphore(%arg12 : memref<!tpu.dma_semaphore, #tpu.memory_space<semaphore_mem>>)
    %dma_start3A_151 = arith.constant 4 : i32
    %dma_start3A_152 = arith.constant 32 : i32
    %dma_start3A_153 = arith.constant 0 : i32
    %dma_start3A_154 = tpu.memref_slice %arg6[%dma_start3A_151, %dma_start3A_152, %dma_start3A_153] : memref<8x64x128xf32, #tpu.memory_space<vmem>> -> memref<1x32x128xf32, #tpu.memory_space<vmem>>
    %dma_start3A_155 = tpu.memref_squeeze %dma_start3A_154 : memref<1x32x128xf32, #tpu.memory_space<vmem>> -> memref<32x128xf32, #tpu.memory_space<vmem>>
    %dma_start3A_156 = arith.constant 32 : i32
    %dma_start3A_157 = tpu.memref_slice %arg3[%dma_start3A_156, %multiple_of3A_137] : memref<64x1000000xf32, #tpu.memory_space<hbm>> -> memref<32x128xf32, #tpu.memory_space<hbm>>
    %dma_start3A_158 = arith.constant 32 : i32
    %dma_start3A_159 = arith.constant 0 : i32
    %dma_start3A_160 = tpu.memref_slice %arg6[%dma_start3A_151, %dma_start3A_158, %dma_start3A_159] : memref<8x64x128xf32, #tpu.memory_space<vmem>> -> memref<1x32x128xf32, #tpu.memory_space<vmem>>
    %dma_start3A_161 = tpu.memref_squeeze %dma_start3A_160 : memref<1x32x128xf32, #tpu.memory_space<vmem>> -> memref<32x128xf32, #tpu.memory_space<vmem>>
    %dma_start3A_162 = arith.constant 32 : i32
    %dma_start3A_163 = tpu.memref_slice %arg3[%dma_start3A_162, %multiple_of3A_137] : memref<64x1000000xf32, #tpu.memory_space<hbm>> -> memref<32x128xf32, #tpu.memory_space<hbm>>
    tpu.enqueue_dma source(%dma_start3A_163 : memref<32x128xf32, #tpu.memory_space<hbm>>) target(%dma_start3A_161 : memref<32x128xf32, #tpu.memory_space<vmem>>) target_semaphore(%arg12 : memref<!tpu.dma_semaphore, #tpu.memory_space<semaphore_mem>>)
    %slice3A_164 = vector.extract_strided_slice %get3A_3 {offsets = [5], sizes = [1], strides = [1]} : vector<16xi32> to vector<1xi32>
    %squeeze3A_165 = vector.extract %slice3A_164[0] : i32 from vector<1xi32>
    %shift_right_logical3A_166 = arith.constant 7 : i32
    %shift_right_logical3A_167 = arith.shrui %squeeze3A_165, %shift_right_logical3A_166 : i32
    %mul3A_168 = arith.constant 128 : i32
    %mul3A_169 = arith.muli %shift_right_logical3A_167, %mul3A_168 : i32
    %multiple_of3A_170 = tpu.assume_multiple %mul3A_169, 128 : i32
    %dma_start3A_171 = arith.constant 5 : i32
    %dma_start3A_172 = arith.constant 0 : i32
    %dma_start3A_173 = arith.constant 0 : i32
    %dma_start3A_174 = tpu.memref_slice %arg6[%dma_start3A_171, %dma_start3A_172, %dma_start3A_173] : memref<8x64x128xf32, #tpu.memory_space<vmem>> -> memref<1x32x128xf32, #tpu.memory_space<vmem>>
    %dma_start3A_175 = tpu.memref_squeeze %dma_start3A_174 : memref<1x32x128xf32, #tpu.memory_space<vmem>> -> memref<32x128xf32, #tpu.memory_space<vmem>>
    %dma_start3A_176 = arith.constant 0 : i32
    %dma_start3A_177 = tpu.memref_slice %arg3[%dma_start3A_176, %multiple_of3A_170] : memref<64x1000000xf32, #tpu.memory_space<hbm>> -> memref<32x128xf32, #tpu.memory_space<hbm>>
    %dma_start3A_178 = arith.constant 0 : i32
    %dma_start3A_179 = arith.constant 0 : i32
    %dma_start3A_180 = tpu.memref_slice %arg6[%dma_start3A_171, %dma_start3A_178, %dma_start3A_179] : memref<8x64x128xf32, #tpu.memory_space<vmem>> -> memref<1x32x128xf32, #tpu.memory_space<vmem>>
    %dma_start3A_181 = tpu.memref_squeeze %dma_start3A_180 : memref<1x32x128xf32, #tpu.memory_space<vmem>> -> memref<32x128xf32, #tpu.memory_space<vmem>>
    %dma_start3A_182 = arith.constant 0 : i32
    %dma_start3A_183 = tpu.memref_slice %arg3[%dma_start3A_182, %multiple_of3A_170] : memref<64x1000000xf32, #tpu.memory_space<hbm>> -> memref<32x128xf32, #tpu.memory_space<hbm>>
    tpu.enqueue_dma source(%dma_start3A_183 : memref<32x128xf32, #tpu.memory_space<hbm>>) target(%dma_start3A_181 : memref<32x128xf32, #tpu.memory_space<vmem>>) target_semaphore(%arg13 : memref<!tpu.dma_semaphore, #tpu.memory_space<semaphore_mem>>)
    %dma_start3A_184 = arith.constant 5 : i32
    %dma_start3A_185 = arith.constant 32 : i32
    %dma_start3A_186 = arith.constant 0 : i32
    %dma_start3A_187 = tpu.memref_slice %arg6[%dma_start3A_184, %dma_start3A_185, %dma_start3A_186] : memref<8x64x128xf32, #tpu.memory_space<vmem>> -> memref<1x32x128xf32, #tpu.memory_space<vmem>>
    %dma_start3A_188 = tpu.memref_squeeze %dma_start3A_187 : memref<1x32x128xf32, #tpu.memory_space<vmem>> -> memref<32x128xf32, #tpu.memory_space<vmem>>
    %dma_start3A_189 = arith.constant 32 : i32
    %dma_start3A_190 = tpu.memref_slice %arg3[%dma_start3A_189, %multiple_of3A_170] : memref<64x1000000xf32, #tpu.memory_space<hbm>> -> memref<32x128xf32, #tpu.memory_space<hbm>>
    %dma_start3A_191 = arith.constant 32 : i32
    %dma_start3A_192 = arith.constant 0 : i32
    %dma_start3A_193 = tpu.memref_slice %arg6[%dma_start3A_184, %dma_start3A_191, %dma_start3A_192] : memref<8x64x128xf32, #tpu.memory_space<vmem>> -> memref<1x32x128xf32, #tpu.memory_space<vmem>>
    %dma_start3A_194 = tpu.memref_squeeze %dma_start3A_193 : memref<1x32x128xf32, #tpu.memory_space<vmem>> -> memref<32x128xf32, #tpu.memory_space<vmem>>
    %dma_start3A_195 = arith.constant 32 : i32
    %dma_start3A_196 = tpu.memref_slice %arg3[%dma_start3A_195, %multiple_of3A_170] : memref<64x1000000xf32, #tpu.memory_space<hbm>> -> memref<32x128xf32, #tpu.memory_space<hbm>>
    tpu.enqueue_dma source(%dma_start3A_196 : memref<32x128xf32, #tpu.memory_space<hbm>>) target(%dma_start3A_194 : memref<32x128xf32, #tpu.memory_space<vmem>>) target_semaphore(%arg13 : memref<!tpu.dma_semaphore, #tpu.memory_space<semaphore_mem>>)
    %slice3A_197 = vector.extract_strided_slice %get3A_3 {offsets = [6], sizes = [1], strides = [1]} : vector<16xi32> to vector<1xi32>
    %squeeze3A_198 = vector.extract %slice3A_197[0] : i32 from vector<1xi32>
    %shift_right_logical3A_199 = arith.constant 7 : i32
    %shift_right_logical3A_200 = arith.shrui %squeeze3A_198, %shift_right_logical3A_199 : i32
    %mul3A_201 = arith.constant 128 : i32
    %mul3A_202 = arith.muli %shift_right_logical3A_200, %mul3A_201 : i32
    %multiple_of3A_203 = tpu.assume_multiple %mul3A_202, 128 : i32
    %dma_start3A_204 = arith.constant 6 : i32
    %dma_start3A_205 = arith.constant 0 : i32
    %dma_start3A_206 = arith.constant 0 : i32
    %dma_start3A_207 = tpu.memref_slice %arg6[%dma_start3A_204, %dma_start3A_205, %dma_start3A_206] : memref<8x64x128xf32, #tpu.memory_space<vmem>> -> memref<1x32x128xf32, #tpu.memory_space<vmem>>
    %dma_start3A_208 = tpu.memref_squeeze %dma_start3A_207 : memref<1x32x128xf32, #tpu.memory_space<vmem>> -> memref<32x128xf32, #tpu.memory_space<vmem>>
    %dma_start3A_209 = arith.constant 0 : i32
    %dma_start3A_210 = tpu.memref_slice %arg3[%dma_start3A_209, %multiple_of3A_203] : memref<64x1000000xf32, #tpu.memory_space<hbm>> -> memref<32x128xf32, #tpu.memory_space<hbm>>
    %dma_start3A_211 = arith.constant 0 : i32
    %dma_start3A_212 = arith.constant 0 : i32
    %dma_start3A_213 = tpu.memref_slice %arg6[%dma_start3A_204, %dma_start3A_211, %dma_start3A_212] : memref<8x64x128xf32, #tpu.memory_space<vmem>> -> memref<1x32x128xf32, #tpu.memory_space<vmem>>
    %dma_start3A_214 = tpu.memref_squeeze %dma_start3A_213 : memref<1x32x128xf32, #tpu.memory_space<vmem>> -> memref<32x128xf32, #tpu.memory_space<vmem>>
    %dma_start3A_215 = arith.constant 0 : i32
    %dma_start3A_216 = tpu.memref_slice %arg3[%dma_start3A_215, %multiple_of3A_203] : memref<64x1000000xf32, #tpu.memory_space<hbm>> -> memref<32x128xf32, #tpu.memory_space<hbm>>
    tpu.enqueue_dma source(%dma_start3A_216 : memref<32x128xf32, #tpu.memory_space<hbm>>) target(%dma_start3A_214 : memref<32x128xf32, #tpu.memory_space<vmem>>) target_semaphore(%arg14 : memref<!tpu.dma_semaphore, #tpu.memory_space<semaphore_mem>>)
    %dma_start3A_217 = arith.constant 6 : i32
    %dma_start3A_218 = arith.constant 32 : i32
    %dma_start3A_219 = arith.constant 0 : i32
    %dma_start3A_220 = tpu.memref_slice %arg6[%dma_start3A_217, %dma_start3A_218, %dma_start3A_219] : memref<8x64x128xf32, #tpu.memory_space<vmem>> -> memref<1x32x128xf32, #tpu.memory_space<vmem>>
    %dma_start3A_221 = tpu.memref_squeeze %dma_start3A_220 : memref<1x32x128xf32, #tpu.memory_space<vmem>> -> memref<32x128xf32, #tpu.memory_space<vmem>>
    %dma_start3A_222 = arith.constant 32 : i32
    %dma_start3A_223 = tpu.memref_slice %arg3[%dma_start3A_222, %multiple_of3A_203] : memref<64x1000000xf32, #tpu.memory_space<hbm>> -> memref<32x128xf32, #tpu.memory_space<hbm>>
    %dma_start3A_224 = arith.constant 32 : i32
    %dma_start3A_225 = arith.constant 0 : i32
    %dma_start3A_226 = tpu.memref_slice %arg6[%dma_start3A_217, %dma_start3A_224, %dma_start3A_225] : memref<8x64x128xf32, #tpu.memory_space<vmem>> -> memref<1x32x128xf32, #tpu.memory_space<vmem>>
    %dma_start3A_227 = tpu.memref_squeeze %dma_start3A_226 : memref<1x32x128xf32, #tpu.memory_space<vmem>> -> memref<32x128xf32, #tpu.memory_space<vmem>>
    %dma_start3A_228 = arith.constant 32 : i32
    %dma_start3A_229 = tpu.memref_slice %arg3[%dma_start3A_228, %multiple_of3A_203] : memref<64x1000000xf32, #tpu.memory_space<hbm>> -> memref<32x128xf32, #tpu.memory_space<hbm>>
    tpu.enqueue_dma source(%dma_start3A_229 : memref<32x128xf32, #tpu.memory_space<hbm>>) target(%dma_start3A_227 : memref<32x128xf32, #tpu.memory_space<vmem>>) target_semaphore(%arg14 : memref<!tpu.dma_semaphore, #tpu.memory_space<semaphore_mem>>)
    %scan3A = arith.constant 0 : i32
    %scan3A_230 = arith.constant 32 : i32
    %scan3A_231 = arith.addi %scan3A, %scan3A_230 : i32
    %scan3A_232 = arith.constant 1 : i32
    scf.for %scan3A_234 = %scan3A to %scan3A_231 step %scan3A_232  : i32 {
      %mul3A_235 = arith.constant 16 : i32
      %mul3A_236 = arith.muli %scan3A_234, %mul3A_235 : i32
      %get3A_237 = arith.index_cast %mul3A_236 : i32 to index
      %get3A_238 = tpu.vector_load %arg5[%get3A_237] {strides = array<i32>} : memref<512xi32, #tpu.memory_space<vmem>>, vector<16xi32>,
      %add3A_239 = arith.constant 1 : i32
      %add3A_240 = arith.addi %scan3A_234, %add3A_239 : i32
      %min3A = arith.constant 31 : i32
      %min3A_241 = arith.minsi %add3A_240, %min3A : i32
      %mul3A_242 = arith.constant 16 : i32
      %mul3A_243 = arith.muli %min3A_241, %mul3A_242 : i32
      %get3A_244 = arith.index_cast %mul3A_243 : i32 to index
      %get3A_245 = tpu.vector_load %arg5[%get3A_244] {strides = array<i32>} : memref<512xi32, #tpu.memory_space<vmem>>, vector<16xi32>,
      %lt3A = arith.constant 31 : i32
      %lt3A_246 = arith.cmpi slt, %scan3A_234, %lt3A : i32
      %jit3A = arith.constant 8 : i32
      %eq3A = arith.constant 0 : i32
      %eq3A_247 = arith.cmpi eq, %jit3A, %eq3A : i32
      %jit3A_248 = arith.constant 1 : i32
      %select_n3A = arith.select %eq3A_247, %jit3A_248, %jit3A : i32
      %rem3A = arith.remsi %scan3A_234, %select_n3A : i32
      %ne3A = arith.constant 0 : i32
      %ne3A_249 = arith.cmpi ne, %rem3A, %ne3A : i32
      %lt3A_250 = arith.constant 0 : i32
      %lt3A_251 = arith.cmpi slt, %rem3A, %lt3A_250 : i32
      %lt3A_252 = arith.constant 0 : i32
      %lt3A_253 = arith.cmpi slt, %select_n3A, %lt3A_252 : i32
      %ne3A_254 = arith.xori %lt3A_251, %lt3A_253 : i1
      %and3A = arith.andi %ne3A_254, %ne3A_249 : i1
      %add3A_255 = arith.addi %rem3A, %select_n3A : i32
      %select_n3A_256 = arith.select %and3A, %add3A_255, %rem3A : i32
      %mul3A_257 = arith.constant 16 : i32
      %mul3A_258 = arith.muli %select_n3A_256, %mul3A_257 : i32
      %slice3A_259 = vector.extract_strided_slice %get3A_238 {offsets = [7], sizes = [1], strides = [1]} : vector<16xi32> to vector<1xi32>
      %squeeze3A_260 = vector.extract %slice3A_259[0] : i32 from vector<1xi32>
      %shift_right_logical3A_261 = arith.constant 7 : i32
      %shift_right_logical3A_262 = arith.shrui %squeeze3A_260, %shift_right_logical3A_261 : i32
      %mul3A_263 = arith.constant 128 : i32
      %mul3A_264 = arith.muli %shift_right_logical3A_262, %mul3A_263 : i32
      %multiple_of3A_265 = tpu.assume_multiple %mul3A_264, 128 : i32
      %dma_start3A_266 = arith.constant 7 : i32
      %dma_start3A_267 = arith.constant 0 : i32
      %dma_start3A_268 = arith.constant 0 : i32
      %dma_start3A_269 = tpu.memref_slice %arg6[%dma_start3A_266, %dma_start3A_267, %dma_start3A_268] : memref<8x64x128xf32, #tpu.memory_space<vmem>> -> memref<1x32x128xf32, #tpu.memory_space<vmem>>
      %dma_start3A_270 = tpu.memref_squeeze %dma_start3A_269 : memref<1x32x128xf32, #tpu.memory_space<vmem>> -> memref<32x128xf32, #tpu.memory_space<vmem>>
      %dma_start3A_271 = arith.constant 0 : i32
      %dma_start3A_272 = tpu.memref_slice %arg3[%dma_start3A_271, %multiple_of3A_265] : memref<64x1000000xf32, #tpu.memory_space<hbm>> -> memref<32x128xf32, #tpu.memory_space<hbm>>
      %dma_start3A_273 = arith.constant 0 : i32
      %dma_start3A_274 = arith.constant 0 : i32
      %dma_start3A_275 = tpu.memref_slice %arg6[%dma_start3A_266, %dma_start3A_273, %dma_start3A_274] : memref<8x64x128xf32, #tpu.memory_space<vmem>> -> memref<1x32x128xf32, #tpu.memory_space<vmem>>
      %dma_start3A_276 = tpu.memref_squeeze %dma_start3A_275 : memref<1x32x128xf32, #tpu.memory_space<vmem>> -> memref<32x128xf32, #tpu.memory_space<vmem>>
      %dma_start3A_277 = arith.constant 0 : i32
      %dma_start3A_278 = tpu.memref_slice %arg3[%dma_start3A_277, %multiple_of3A_265] : memref<64x1000000xf32, #tpu.memory_space<hbm>> -> memref<32x128xf32, #tpu.memory_space<hbm>>
      tpu.enqueue_dma source(%dma_start3A_278 : memref<32x128xf32, #tpu.memory_space<hbm>>) target(%dma_start3A_276 : memref<32x128xf32, #tpu.memory_space<vmem>>) target_semaphore(%arg15 : memref<!tpu.dma_semaphore, #tpu.memory_space<semaphore_mem>>)
      %dma_start3A_279 = arith.constant 7 : i32
      %dma_start3A_280 = arith.constant 32 : i32
      %dma_start3A_281 = arith.constant 0 : i32
      %dma_start3A_282 = tpu.memref_slice %arg6[%dma_start3A_279, %dma_start3A_280, %dma_start3A_281] : memref<8x64x128xf32, #tpu.memory_space<vmem>> -> memref<1x32x128xf32, #tpu.memory_space<vmem>>
      %dma_start3A_283 = tpu.memref_squeeze %dma_start3A_282 : memref<1x32x128xf32, #tpu.memory_space<vmem>> -> memref<32x128xf32, #tpu.memory_space<vmem>>
      %dma_start3A_284 = arith.constant 32 : i32
      %dma_start3A_285 = tpu.memref_slice %arg3[%dma_start3A_284, %multiple_of3A_265] : memref<64x1000000xf32, #tpu.memory_space<hbm>> -> memref<32x128xf32, #tpu.memory_space<hbm>>
      %dma_start3A_286 = arith.constant 32 : i32
      %dma_start3A_287 = arith.constant 0 : i32
      %dma_start3A_288 = tpu.memref_slice %arg6[%dma_start3A_279, %dma_start3A_286, %dma_start3A_287] : memref<8x64x128xf32, #tpu.memory_space<vmem>> -> memref<1x32x128xf32, #tpu.memory_space<vmem>>
      %dma_start3A_289 = tpu.memref_squeeze %dma_start3A_288 : memref<1x32x128xf32, #tpu.memory_space<vmem>> -> memref<32x128xf32, #tpu.memory_space<vmem>>
      %dma_start3A_290 = arith.constant 32 : i32
      %dma_start3A_291 = tpu.memref_slice %arg3[%dma_start3A_290, %multiple_of3A_265] : memref<64x1000000xf32, #tpu.memory_space<hbm>> -> memref<32x128xf32, #tpu.memory_space<hbm>>
      tpu.enqueue_dma source(%dma_start3A_291 : memref<32x128xf32, #tpu.memory_space<hbm>>) target(%dma_start3A_289 : memref<32x128xf32, #tpu.memory_space<vmem>>) target_semaphore(%arg15 : memref<!tpu.dma_semaphore, #tpu.memory_space<semaphore_mem>>)
      %dma_wait3A = arith.constant 0 : i32
      %dma_wait3A_292 = arith.constant 0 : i32
      %dma_wait3A_293 = arith.constant 0 : i32
      %dma_wait3A_294 = tpu.memref_slice %arg6[%dma_wait3A, %dma_wait3A_292, %dma_wait3A_293] : memref<8x64x128xf32, #tpu.memory_space<vmem>> -> memref<1x64x128xf32, #tpu.memory_space<vmem>>
      %dma_wait3A_295 = tpu.memref_squeeze %dma_wait3A_294 : memref<1x64x128xf32, #tpu.memory_space<vmem>> -> memref<64x128xf32, #tpu.memory_space<vmem>>
      %dma_wait3A_296 = arith.constant 0 : i32
      %dma_wait3A_297 = arith.constant 0 : i32
      %dma_wait3A_298 = tpu.memref_slice %arg3[%dma_wait3A_296, %dma_wait3A_297] : memref<64x1000000xf32, #tpu.memory_space<hbm>> -> memref<64x128xf32, #tpu.memory_space<hbm>>
      %dma_wait3A_299 = arith.constant 0 : i32
      %dma_wait3A_300 = arith.constant 0 : i32
      %dma_wait3A_301 = tpu.memref_slice %arg6[%dma_wait3A, %dma_wait3A_299, %dma_wait3A_300] : memref<8x64x128xf32, #tpu.memory_space<vmem>> -> memref<1x64x128xf32, #tpu.memory_space<vmem>>
      %dma_wait3A_302 = tpu.memref_squeeze %dma_wait3A_301 : memref<1x64x128xf32, #tpu.memory_space<vmem>> -> memref<64x128xf32, #tpu.memory_space<vmem>>
      %dma_wait3A_303 = arith.constant 0 : i32
      %dma_wait3A_304 = arith.constant 0 : i32
      %dma_wait3A_305 = tpu.memref_slice %arg3[%dma_wait3A_303, %dma_wait3A_304] : memref<64x1000000xf32, #tpu.memory_space<hbm>> -> memref<64x128xf32, #tpu.memory_space<hbm>>
      tpu.wait_dma2 semaphore(%arg8 : memref<!tpu.dma_semaphore, #tpu.memory_space<semaphore_mem>>) src(%dma_wait3A_305 : memref<64x128xf32, #tpu.memory_space<hbm>>) dst(%dma_wait3A_302 : memref<64x128xf32, #tpu.memory_space<vmem>>)
      %slice3A_306 = vector.extract_strided_slice %get3A_238 {offsets = [0], sizes = [1], strides = [1]} : vector<16xi32> to vector<1xi32>
      %squeeze3A_307 = vector.extract %slice3A_306[0] : i32 from vector<1xi32>
      %add3A_308 = arith.constant 0 : i32
      %add3A_309 = arith.addi %mul3A_258, %add3A_308 : i32
      %and3A_310 = arith.constant 127 : i32
      %and3A_311 = arith.andi %squeeze3A_307, %and3A_310 : i32
      %broadcast_in_dim3A = vector.broadcast %and3A_311 : i32 to vector<16xi32>
      %broadcast_in_dim3A_312 = vector.broadcast %add3A_309 : i32 to vector<16xi32>
      %iota3A = tpu.iota {dimensions = array<i32: 0>} : vector<16xi32>
      %add3A_313 = arith.constant 0 : i32
      %add3A_314 = vector.broadcast %add3A_313 : i32 to vector<16xi32>
      %add3A_315 = arith.addi %iota3A, %add3A_314 : vector<16xi32>
      %gather3A = arith.constant 0 : i32
      %gather3A_316 = arith.constant 0 : i32
      %gather3A_317 = arith.constant 0 : i32
      %gather3A_318 = tpu.memref_slice %arg6[%gather3A, %gather3A_316, %gather3A_317] : memref<8x64x128xf32, #tpu.memory_space<vmem>> -> memref<1x64x128xf32, #tpu.memory_space<vmem>>
      %gather3A_319 = tpu.memref_squeeze %gather3A_318 : memref<1x64x128xf32, #tpu.memory_space<vmem>> -> memref<64x128xf32, #tpu.memory_space<vmem>>
      %gather3A_320 = tpu.vector_load_idx %gather3A_319[%add3A_315, %broadcast_in_dim3A] : memref<64x128xf32, #tpu.memory_space<vmem>>[vector<16xi32>, vector<16xi32>], vector<16xf32>,
      tpu.vector_store_idx %arg7[%add3A_315, %broadcast_in_dim3A_312], %gather3A_320 : memref<64x128xf32, #tpu.memory_space<vmem>>[vector<16xi32>, vector<16xi32>], vector<16xf32>,
      %iota3A_321 = tpu.iota {dimensions = array<i32: 0>} : vector<16xi32>
      %add3A_322 = arith.constant 16 : i32
      %add3A_323 = vector.broadcast %add3A_322 : i32 to vector<16xi32>
      %add3A_324 = arith.addi %iota3A_321, %add3A_323 : vector<16xi32>
      %gather3A_325 = arith.constant 0 : i32
      %gather3A_326 = arith.constant 0 : i32
      %gather3A_327 = arith.constant 0 : i32
      %gather3A_328 = tpu.memref_slice %arg6[%gather3A_325, %gather3A_326, %gather3A_327] : memref<8x64x128xf32, #tpu.memory_space<vmem>> -> memref<1x64x128xf32, #tpu.memory_space<vmem>>
      %gather3A_329 = tpu.memref_squeeze %gather3A_328 : memref<1x64x128xf32, #tpu.memory_space<vmem>> -> memref<64x128xf32, #tpu.memory_space<vmem>>
      %gather3A_330 = tpu.vector_load_idx %gather3A_329[%add3A_324, %broadcast_in_dim3A] : memref<64x128xf32, #tpu.memory_space<vmem>>[vector<16xi32>, vector<16xi32>], vector<16xf32>,
      tpu.vector_store_idx %arg7[%add3A_324, %broadcast_in_dim3A_312], %gather3A_330 : memref<64x128xf32, #tpu.memory_space<vmem>>[vector<16xi32>, vector<16xi32>], vector<16xf32>,
      %iota3A_331 = tpu.iota {dimensions = array<i32: 0>} : vector<16xi32>
      %add3A_332 = arith.constant 32 : i32
      %add3A_333 = vector.broadcast %add3A_332 : i32 to vector<16xi32>
      %add3A_334 = arith.addi %iota3A_331, %add3A_333 : vector<16xi32>
      %gather3A_335 = arith.constant 0 : i32
      %gather3A_336 = arith.constant 0 : i32
      %gather3A_337 = arith.constant 0 : i32
      %gather3A_338 = tpu.memref_slice %arg6[%gather3A_335, %gather3A_336, %gather3A_337] : memref<8x64x128xf32, #tpu.memory_space<vmem>> -> memref<1x64x128xf32, #tpu.memory_space<vmem>>
      %gather3A_339 = tpu.memref_squeeze %gather3A_338 : memref<1x64x128xf32, #tpu.memory_space<vmem>> -> memref<64x128xf32, #tpu.memory_space<vmem>>
      %gather3A_340 = tpu.vector_load_idx %gather3A_339[%add3A_334, %broadcast_in_dim3A] : memref<64x128xf32, #tpu.memory_space<vmem>>[vector<16xi32>, vector<16xi32>], vector<16xf32>,
      tpu.vector_store_idx %arg7[%add3A_334, %broadcast_in_dim3A_312], %gather3A_340 : memref<64x128xf32, #tpu.memory_space<vmem>>[vector<16xi32>, vector<16xi32>], vector<16xf32>,
      %iota3A_341 = tpu.iota {dimensions = array<i32: 0>} : vector<16xi32>
      %add3A_342 = arith.constant 48 : i32
      %add3A_343 = vector.broadcast %add3A_342 : i32 to vector<16xi32>
      %add3A_344 = arith.addi %iota3A_341, %add3A_343 : vector<16xi32>
      %gather3A_345 = arith.constant 0 : i32
      %gather3A_346 = arith.constant 0 : i32
      %gather3A_347 = arith.constant 0 : i32
      %gather3A_348 = tpu.memref_slice %arg6[%gather3A_345, %gather3A_346, %gather3A_347] : memref<8x64x128xf32, #tpu.memory_space<vmem>> -> memref<1x64x128xf32, #tpu.memory_space<vmem>>
      %gather3A_349 = tpu.memref_squeeze %gather3A_348 : memref<1x64x128xf32, #tpu.memory_space<vmem>> -> memref<64x128xf32, #tpu.memory_space<vmem>>
      %gather3A_350 = tpu.vector_load_idx %gather3A_349[%add3A_344, %broadcast_in_dim3A] : memref<64x128xf32, #tpu.memory_space<vmem>>[vector<16xi32>, vector<16xi32>], vector<16xf32>,
      tpu.vector_store_idx %arg7[%add3A_344, %broadcast_in_dim3A_312], %gather3A_350 : memref<64x128xf32, #tpu.memory_space<vmem>>[vector<16xi32>, vector<16xi32>], vector<16xf32>,
      %slice3A_351 = vector.extract_strided_slice %get3A_238 {offsets = [8], sizes = [1], strides = [1]} : vector<16xi32> to vector<1xi32>
      %squeeze3A_352 = vector.extract %slice3A_351[0] : i32 from vector<1xi32>
      %shift_right_logical3A_353 = arith.constant 7 : i32
      %shift_right_logical3A_354 = arith.shrui %squeeze3A_352, %shift_right_logical3A_353 : i32
      %mul3A_355 = arith.constant 128 : i32
      %mul3A_356 = arith.muli %shift_right_logical3A_354, %mul3A_355 : i32
      %multiple_of3A_357 = tpu.assume_multiple %mul3A_356, 128 : i32
      %dma_start3A_358 = arith.constant 0 : i32
      %dma_start3A_359 = arith.constant 0 : i32
      %dma_start3A_360 = arith.constant 0 : i32
      %dma_start3A_361 = tpu.memref_slice %arg6[%dma_start3A_358, %dma_start3A_359, %dma_start3A_360] : memref<8x64x128xf32, #tpu.memory_space<vmem>> -> memref<1x32x128xf32, #tpu.memory_space<vmem>>
      %dma_start3A_362 = tpu.memref_squeeze %dma_start3A_361 : memref<1x32x128xf32, #tpu.memory_space<vmem>> -> memref<32x128xf32, #tpu.memory_space<vmem>>
      %dma_start3A_363 = arith.constant 0 : i32
      %dma_start3A_364 = tpu.memref_slice %arg3[%dma_start3A_363, %multiple_of3A_357] : memref<64x1000000xf32, #tpu.memory_space<hbm>> -> memref<32x128xf32, #tpu.memory_space<hbm>>
      %dma_start3A_365 = arith.constant 0 : i32
      %dma_start3A_366 = arith.constant 0 : i32
      %dma_start3A_367 = tpu.memref_slice %arg6[%dma_start3A_358, %dma_start3A_365, %dma_start3A_366] : memref<8x64x128xf32, #tpu.memory_space<vmem>> -> memref<1x32x128xf32, #tpu.memory_space<vmem>>
      %dma_start3A_368 = tpu.memref_squeeze %dma_start3A_367 : memref<1x32x128xf32, #tpu.memory_space<vmem>> -> memref<32x128xf32, #tpu.memory_space<vmem>>
      %dma_start3A_369 = arith.constant 0 : i32
      %dma_start3A_370 = tpu.memref_slice %arg3[%dma_start3A_369, %multiple_of3A_357] : memref<64x1000000xf32, #tpu.memory_space<hbm>> -> memref<32x128xf32, #tpu.memory_space<hbm>>
      tpu.enqueue_dma source(%dma_start3A_370 : memref<32x128xf32, #tpu.memory_space<hbm>>) target(%dma_start3A_368 : memref<32x128xf32, #tpu.memory_space<vmem>>) target_semaphore(%arg8 : memref<!tpu.dma_semaphore, #tpu.memory_space<semaphore_mem>>)
      %dma_start3A_371 = arith.constant 0 : i32
      %dma_start3A_372 = arith.constant 32 : i32
      %dma_start3A_373 = arith.constant 0 : i32
      %dma_start3A_374 = tpu.memref_slice %arg6[%dma_start3A_371, %dma_start3A_372, %dma_start3A_373] : memref<8x64x128xf32, #tpu.memory_space<vmem>> -> memref<1x32x128xf32, #tpu.memory_space<vmem>>
      %dma_start3A_375 = tpu.memref_squeeze %dma_start3A_374 : memref<1x32x128xf32, #tpu.memory_space<vmem>> -> memref<32x128xf32, #tpu.memory_space<vmem>>
      %dma_start3A_376 = arith.constant 32 : i32
      %dma_start3A_377 = tpu.memref_slice %arg3[%dma_start3A_376, %multiple_of3A_357] : memref<64x1000000xf32, #tpu.memory_space<hbm>> -> memref<32x128xf32, #tpu.memory_space<hbm>>
      %dma_start3A_378 = arith.constant 32 : i32
      %dma_start3A_379 = arith.constant 0 : i32
      %dma_start3A_380 = tpu.memref_slice %arg6[%dma_start3A_371, %dma_start3A_378, %dma_start3A_379] : memref<8x64x128xf32, #tpu.memory_space<vmem>> -> memref<1x32x128xf32, #tpu.memory_space<vmem>>
      %dma_start3A_381 = tpu.memref_squeeze %dma_start3A_380 : memref<1x32x128xf32, #tpu.memory_space<vmem>> -> memref<32x128xf32, #tpu.memory_space<vmem>>
      %dma_start3A_382 = arith.constant 32 : i32
      %dma_start3A_383 = tpu.memref_slice %arg3[%dma_start3A_382, %multiple_of3A_357] : memref<64x1000000xf32, #tpu.memory_space<hbm>> -> memref<32x128xf32, #tpu.memory_space<hbm>>
      tpu.enqueue_dma source(%dma_start3A_383 : memref<32x128xf32, #tpu.memory_space<hbm>>) target(%dma_start3A_381 : memref<32x128xf32, #tpu.memory_space<vmem>>) target_semaphore(%arg8 : memref<!tpu.dma_semaphore, #tpu.memory_space<semaphore_mem>>)
      %dma_wait3A_384 = arith.constant 1 : i32
      %dma_wait3A_385 = arith.constant 0 : i32
      %dma_wait3A_386 = arith.constant 0 : i32
      %dma_wait3A_387 = tpu.memref_slice %arg6[%dma_wait3A_384, %dma_wait3A_385, %dma_wait3A_386] : memref<8x64x128xf32, #tpu.memory_space<vmem>> -> memref<1x64x128xf32, #tpu.memory_space<vmem>>
      %dma_wait3A_388 = tpu.memref_squeeze %dma_wait3A_387 : memref<1x64x128xf32, #tpu.memory_space<vmem>> -> memref<64x128xf32, #tpu.memory_space<vmem>>
      %dma_wait3A_389 = arith.constant 0 : i32
      %dma_wait3A_390 = arith.constant 0 : i32
      %dma_wait3A_391 = tpu.memref_slice %arg3[%dma_wait3A_389, %dma_wait3A_390] : memref<64x1000000xf32, #tpu.memory_space<hbm>> -> memref<64x128xf32, #tpu.memory_space<hbm>>
      %dma_wait3A_392 = arith.constant 0 : i32
      %dma_wait3A_393 = arith.constant 0 : i32
      %dma_wait3A_394 = tpu.memref_slice %arg6[%dma_wait3A_384, %dma_wait3A_392, %dma_wait3A_393] : memref<8x64x128xf32, #tpu.memory_space<vmem>> -> memref<1x64x128xf32, #tpu.memory_space<vmem>>
      %dma_wait3A_395 = tpu.memref_squeeze %dma_wait3A_394 : memref<1x64x128xf32, #tpu.memory_space<vmem>> -> memref<64x128xf32, #tpu.memory_space<vmem>>
      %dma_wait3A_396 = arith.constant 0 : i32
      %dma_wait3A_397 = arith.constant 0 : i32
      %dma_wait3A_398 = tpu.memref_slice %arg3[%dma_wait3A_396, %dma_wait3A_397] : memref<64x1000000xf32, #tpu.memory_space<hbm>> -> memref<64x128xf32, #tpu.memory_space<hbm>>
      tpu.wait_dma2 semaphore(%arg9 : memref<!tpu.dma_semaphore, #tpu.memory_space<semaphore_mem>>) src(%dma_wait3A_398 : memref<64x128xf32, #tpu.memory_space<hbm>>) dst(%dma_wait3A_395 : memref<64x128xf32, #tpu.memory_space<vmem>>)
      %slice3A_399 = vector.extract_strided_slice %get3A_238 {offsets = [1], sizes = [1], strides = [1]} : vector<16xi32> to vector<1xi32>
      %squeeze3A_400 = vector.extract %slice3A_399[0] : i32 from vector<1xi32>
      %add3A_401 = arith.constant 1 : i32
      %add3A_402 = arith.addi %mul3A_258, %add3A_401 : i32
      %and3A_403 = arith.constant 127 : i32
      %and3A_404 = arith.andi %squeeze3A_400, %and3A_403 : i32
      %broadcast_in_dim3A_405 = vector.broadcast %and3A_404 : i32 to vector<16xi32>
      %broadcast_in_dim3A_406 = vector.broadcast %add3A_402 : i32 to vector<16xi32>
      %iota3A_407 = tpu.iota {dimensions = array<i32: 0>} : vector<16xi32>
      %add3A_408 = arith.constant 0 : i32
      %add3A_409 = vector.broadcast %add3A_408 : i32 to vector<16xi32>
      %add3A_410 = arith.addi %iota3A_407, %add3A_409 : vector<16xi32>
      %gather3A_411 = arith.constant 1 : i32
      %gather3A_412 = arith.constant 0 : i32
      %gather3A_413 = arith.constant 0 : i32
      %gather3A_414 = tpu.memref_slice %arg6[%gather3A_411, %gather3A_412, %gather3A_413] : memref<8x64x128xf32, #tpu.memory_space<vmem>> -> memref<1x64x128xf32, #tpu.memory_space<vmem>>
      %gather3A_415 = tpu.memref_squeeze %gather3A_414 : memref<1x64x128xf32, #tpu.memory_space<vmem>> -> memref<64x128xf32, #tpu.memory_space<vmem>>
      %gather3A_416 = tpu.vector_load_idx %gather3A_415[%add3A_410, %broadcast_in_dim3A_405] : memref<64x128xf32, #tpu.memory_space<vmem>>[vector<16xi32>, vector<16xi32>], vector<16xf32>,
      tpu.vector_store_idx %arg7[%add3A_410, %broadcast_in_dim3A_406], %gather3A_416 : memref<64x128xf32, #tpu.memory_space<vmem>>[vector<16xi32>, vector<16xi32>], vector<16xf32>,
      %iota3A_417 = tpu.iota {dimensions = array<i32: 0>} : vector<16xi32>
      %add3A_418 = arith.constant 16 : i32
      %add3A_419 = vector.broadcast %add3A_418 : i32 to vector<16xi32>
      %add3A_420 = arith.addi %iota3A_417, %add3A_419 : vector<16xi32>
      %gather3A_421 = arith.constant 1 : i32
      %gather3A_422 = arith.constant 0 : i32
      %gather3A_423 = arith.constant 0 : i32
      %gather3A_424 = tpu.memref_slice %arg6[%gather3A_421, %gather3A_422, %gather3A_423] : memref<8x64x128xf32, #tpu.memory_space<vmem>> -> memref<1x64x128xf32, #tpu.memory_space<vmem>>
      %gather3A_425 = tpu.memref_squeeze %gather3A_424 : memref<1x64x128xf32, #tpu.memory_space<vmem>> -> memref<64x128xf32, #tpu.memory_space<vmem>>
      %gather3A_426 = tpu.vector_load_idx %gather3A_425[%add3A_420, %broadcast_in_dim3A_405] : memref<64x128xf32, #tpu.memory_space<vmem>>[vector<16xi32>, vector<16xi32>], vector<16xf32>,
      tpu.vector_store_idx %arg7[%add3A_420, %broadcast_in_dim3A_406], %gather3A_426 : memref<64x128xf32, #tpu.memory_space<vmem>>[vector<16xi32>, vector<16xi32>], vector<16xf32>,
      %iota3A_427 = tpu.iota {dimensions = array<i32: 0>} : vector<16xi32>
      %add3A_428 = arith.constant 32 : i32
      %add3A_429 = vector.broadcast %add3A_428 : i32 to vector<16xi32>
      %add3A_430 = arith.addi %iota3A_427, %add3A_429 : vector<16xi32>
      %gather3A_431 = arith.constant 1 : i32
      %gather3A_432 = arith.constant 0 : i32
      %gather3A_433 = arith.constant 0 : i32
      %gather3A_434 = tpu.memref_slice %arg6[%gather3A_431, %gather3A_432, %gather3A_433] : memref<8x64x128xf32, #tpu.memory_space<vmem>> -> memref<1x64x128xf32, #tpu.memory_space<vmem>>
      %gather3A_435 = tpu.memref_squeeze %gather3A_434 : memref<1x64x128xf32, #tpu.memory_space<vmem>> -> memref<64x128xf32, #tpu.memory_space<vmem>>
      %gather3A_436 = tpu.vector_load_idx %gather3A_435[%add3A_430, %broadcast_in_dim3A_405] : memref<64x128xf32, #tpu.memory_space<vmem>>[vector<16xi32>, vector<16xi32>], vector<16xf32>,
      tpu.vector_store_idx %arg7[%add3A_430, %broadcast_in_dim3A_406], %gather3A_436 : memref<64x128xf32, #tpu.memory_space<vmem>>[vector<16xi32>, vector<16xi32>], vector<16xf32>,
      %iota3A_437 = tpu.iota {dimensions = array<i32: 0>} : vector<16xi32>
      %add3A_438 = arith.constant 48 : i32
      %add3A_439 = vector.broadcast %add3A_438 : i32 to vector<16xi32>
      %add3A_440 = arith.addi %iota3A_437, %add3A_439 : vector<16xi32>
      %gather3A_441 = arith.constant 1 : i32
      %gather3A_442 = arith.constant 0 : i32
      %gather3A_443 = arith.constant 0 : i32
      %gather3A_444 = tpu.memref_slice %arg6[%gather3A_441, %gather3A_442, %gather3A_443] : memref<8x64x128xf32, #tpu.memory_space<vmem>> -> memref<1x64x128xf32, #tpu.memory_space<vmem>>
      %gather3A_445 = tpu.memref_squeeze %gather3A_444 : memref<1x64x128xf32, #tpu.memory_space<vmem>> -> memref<64x128xf32, #tpu.memory_space<vmem>>
      %gather3A_446 = tpu.vector_load_idx %gather3A_445[%add3A_440, %broadcast_in_dim3A_405] : memref<64x128xf32, #tpu.memory_space<vmem>>[vector<16xi32>, vector<16xi32>], vector<16xf32>,
      tpu.vector_store_idx %arg7[%add3A_440, %broadcast_in_dim3A_406], %gather3A_446 : memref<64x128xf32, #tpu.memory_space<vmem>>[vector<16xi32>, vector<16xi32>], vector<16xf32>,
      %slice3A_447 = vector.extract_strided_slice %get3A_238 {offsets = [9], sizes = [1], strides = [1]} : vector<16xi32> to vector<1xi32>
      %squeeze3A_448 = vector.extract %slice3A_447[0] : i32 from vector<1xi32>
      %shift_right_logical3A_449 = arith.constant 7 : i32
      %shift_right_logical3A_450 = arith.shrui %squeeze3A_448, %shift_right_logical3A_449 : i32
      %mul3A_451 = arith.constant 128 : i32
      %mul3A_452 = arith.muli %shift_right_logical3A_450, %mul3A_451 : i32
      %multiple_of3A_453 = tpu.assume_multiple %mul3A_452, 128 : i32
      %dma_start3A_454 = arith.constant 1 : i32
      %dma_start3A_455 = arith.constant 0 : i32
      %dma_start3A_456 = arith.constant 0 : i32
      %dma_start3A_457 = tpu.memref_slice %arg6[%dma_start3A_454, %dma_start3A_455, %dma_start3A_456] : memref<8x64x128xf32, #tpu.memory_space<vmem>> -> memref<1x32x128xf32, #tpu.memory_space<vmem>>
      %dma_start3A_458 = tpu.memref_squeeze %dma_start3A_457 : memref<1x32x128xf32, #tpu.memory_space<vmem>> -> memref<32x128xf32, #tpu.memory_space<vmem>>
      %dma_start3A_459 = arith.constant 0 : i32
      %dma_start3A_460 = tpu.memref_slice %arg3[%dma_start3A_459, %multiple_of3A_453] : memref<64x1000000xf32, #tpu.memory_space<hbm>> -> memref<32x128xf32, #tpu.memory_space<hbm>>
      %dma_start3A_461 = arith.constant 0 : i32
      %dma_start3A_462 = arith.constant 0 : i32
      %dma_start3A_463 = tpu.memref_slice %arg6[%dma_start3A_454, %dma_start3A_461, %dma_start3A_462] : memref<8x64x128xf32, #tpu.memory_space<vmem>> -> memref<1x32x128xf32, #tpu.memory_space<vmem>>
      %dma_start3A_464 = tpu.memref_squeeze %dma_start3A_463 : memref<1x32x128xf32, #tpu.memory_space<vmem>> -> memref<32x128xf32, #tpu.memory_space<vmem>>
      %dma_start3A_465 = arith.constant 0 : i32
      %dma_start3A_466 = tpu.memref_slice %arg3[%dma_start3A_465, %multiple_of3A_453] : memref<64x1000000xf32, #tpu.memory_space<hbm>> -> memref<32x128xf32, #tpu.memory_space<hbm>>
      tpu.enqueue_dma source(%dma_start3A_466 : memref<32x128xf32, #tpu.memory_space<hbm>>) target(%dma_start3A_464 : memref<32x128xf32, #tpu.memory_space<vmem>>) target_semaphore(%arg9 : memref<!tpu.dma_semaphore, #tpu.memory_space<semaphore_mem>>)
      %dma_start3A_467 = arith.constant 1 : i32
      %dma_start3A_468 = arith.constant 32 : i32
      %dma_start3A_469 = arith.constant 0 : i32
      %dma_start3A_470 = tpu.memref_slice %arg6[%dma_start3A_467, %dma_start3A_468, %dma_start3A_469] : memref<8x64x128xf32, #tpu.memory_space<vmem>> -> memref<1x32x128xf32, #tpu.memory_space<vmem>>
      %dma_start3A_471 = tpu.memref_squeeze %dma_start3A_470 : memref<1x32x128xf32, #tpu.memory_space<vmem>> -> memref<32x128xf32, #tpu.memory_space<vmem>>
      %dma_start3A_472 = arith.constant 32 : i32
      %dma_start3A_473 = tpu.memref_slice %arg3[%dma_start3A_472, %multiple_of3A_453] : memref<64x1000000xf32, #tpu.memory_space<hbm>> -> memref<32x128xf32, #tpu.memory_space<hbm>>
      %dma_start3A_474 = arith.constant 32 : i32
      %dma_start3A_475 = arith.constant 0 : i32
      %dma_start3A_476 = tpu.memref_slice %arg6[%dma_start3A_467, %dma_start3A_474, %dma_start3A_475] : memref<8x64x128xf32, #tpu.memory_space<vmem>> -> memref<1x32x128xf32, #tpu.memory_space<vmem>>
      %dma_start3A_477 = tpu.memref_squeeze %dma_start3A_476 : memref<1x32x128xf32, #tpu.memory_space<vmem>> -> memref<32x128xf32, #tpu.memory_space<vmem>>
      %dma_start3A_478 = arith.constant 32 : i32
      %dma_start3A_479 = tpu.memref_slice %arg3[%dma_start3A_478, %multiple_of3A_453] : memref<64x1000000xf32, #tpu.memory_space<hbm>> -> memref<32x128xf32, #tpu.memory_space<hbm>>
      tpu.enqueue_dma source(%dma_start3A_479 : memref<32x128xf32, #tpu.memory_space<hbm>>) target(%dma_start3A_477 : memref<32x128xf32, #tpu.memory_space<vmem>>) target_semaphore(%arg9 : memref<!tpu.dma_semaphore, #tpu.memory_space<semaphore_mem>>)
      %dma_wait3A_480 = arith.constant 2 : i32
      %dma_wait3A_481 = arith.constant 0 : i32
      %dma_wait3A_482 = arith.constant 0 : i32
      %dma_wait3A_483 = tpu.memref_slice %arg6[%dma_wait3A_480, %dma_wait3A_481, %dma_wait3A_482] : memref<8x64x128xf32, #tpu.memory_space<vmem>> -> memref<1x64x128xf32, #tpu.memory_space<vmem>>
      %dma_wait3A_484 = tpu.memref_squeeze %dma_wait3A_483 : memref<1x64x128xf32, #tpu.memory_space<vmem>> -> memref<64x128xf32, #tpu.memory_space<vmem>>
      %dma_wait3A_485 = arith.constant 0 : i32
      %dma_wait3A_486 = arith.constant 0 : i32
      %dma_wait3A_487 = tpu.memref_slice %arg3[%dma_wait3A_485, %dma_wait3A_486] : memref<64x1000000xf32, #tpu.memory_space<hbm>> -> memref<64x128xf32, #tpu.memory_space<hbm>>
      %dma_wait3A_488 = arith.constant 0 : i32
      %dma_wait3A_489 = arith.constant 0 : i32
      %dma_wait3A_490 = tpu.memref_slice %arg6[%dma_wait3A_480, %dma_wait3A_488, %dma_wait3A_489] : memref<8x64x128xf32, #tpu.memory_space<vmem>> -> memref<1x64x128xf32, #tpu.memory_space<vmem>>
      %dma_wait3A_491 = tpu.memref_squeeze %dma_wait3A_490 : memref<1x64x128xf32, #tpu.memory_space<vmem>> -> memref<64x128xf32, #tpu.memory_space<vmem>>
      %dma_wait3A_492 = arith.constant 0 : i32
      %dma_wait3A_493 = arith.constant 0 : i32
      %dma_wait3A_494 = tpu.memref_slice %arg3[%dma_wait3A_492, %dma_wait3A_493] : memref<64x1000000xf32, #tpu.memory_space<hbm>> -> memref<64x128xf32, #tpu.memory_space<hbm>>
      tpu.wait_dma2 semaphore(%arg10 : memref<!tpu.dma_semaphore, #tpu.memory_space<semaphore_mem>>) src(%dma_wait3A_494 : memref<64x128xf32, #tpu.memory_space<hbm>>) dst(%dma_wait3A_491 : memref<64x128xf32, #tpu.memory_space<vmem>>)
      %slice3A_495 = vector.extract_strided_slice %get3A_238 {offsets = [2], sizes = [1], strides = [1]} : vector<16xi32> to vector<1xi32>
      %squeeze3A_496 = vector.extract %slice3A_495[0] : i32 from vector<1xi32>
      %add3A_497 = arith.constant 2 : i32
      %add3A_498 = arith.addi %mul3A_258, %add3A_497 : i32
      %and3A_499 = arith.constant 127 : i32
      %and3A_500 = arith.andi %squeeze3A_496, %and3A_499 : i32
      %broadcast_in_dim3A_501 = vector.broadcast %and3A_500 : i32 to vector<16xi32>
      %broadcast_in_dim3A_502 = vector.broadcast %add3A_498 : i32 to vector<16xi32>
      %iota3A_503 = tpu.iota {dimensions = array<i32: 0>} : vector<16xi32>
      %add3A_504 = arith.constant 0 : i32
      %add3A_505 = vector.broadcast %add3A_504 : i32 to vector<16xi32>
      %add3A_506 = arith.addi %iota3A_503, %add3A_505 : vector<16xi32>
      %gather3A_507 = arith.constant 2 : i32
      %gather3A_508 = arith.constant 0 : i32
      %gather3A_509 = arith.constant 0 : i32
      %gather3A_510 = tpu.memref_slice %arg6[%gather3A_507, %gather3A_508, %gather3A_509] : memref<8x64x128xf32, #tpu.memory_space<vmem>> -> memref<1x64x128xf32, #tpu.memory_space<vmem>>
      %gather3A_511 = tpu.memref_squeeze %gather3A_510 : memref<1x64x128xf32, #tpu.memory_space<vmem>> -> memref<64x128xf32, #tpu.memory_space<vmem>>
      %gather3A_512 = tpu.vector_load_idx %gather3A_511[%add3A_506, %broadcast_in_dim3A_501] : memref<64x128xf32, #tpu.memory_space<vmem>>[vector<16xi32>, vector<16xi32>], vector<16xf32>,
      tpu.vector_store_idx %arg7[%add3A_506, %broadcast_in_dim3A_502], %gather3A_512 : memref<64x128xf32, #tpu.memory_space<vmem>>[vector<16xi32>, vector<16xi32>], vector<16xf32>,
      %iota3A_513 = tpu.iota {dimensions = array<i32: 0>} : vector<16xi32>
      %add3A_514 = arith.constant 16 : i32
      %add3A_515 = vector.broadcast %add3A_514 : i32 to vector<16xi32>
      %add3A_516 = arith.addi %iota3A_513, %add3A_515 : vector<16xi32>
      %gather3A_517 = arith.constant 2 : i32
      %gather3A_518 = arith.constant 0 : i32
      %gather3A_519 = arith.constant 0 : i32
      %gather3A_520 = tpu.memref_slice %arg6[%gather3A_517, %gather3A_518, %gather3A_519] : memref<8x64x128xf32, #tpu.memory_space<vmem>> -> memref<1x64x128xf32, #tpu.memory_space<vmem>>
      %gather3A_521 = tpu.memref_squeeze %gather3A_520 : memref<1x64x128xf32, #tpu.memory_space<vmem>> -> memref<64x128xf32, #tpu.memory_space<vmem>>
      %gather3A_522 = tpu.vector_load_idx %gather3A_521[%add3A_516, %broadcast_in_dim3A_501] : memref<64x128xf32, #tpu.memory_space<vmem>>[vector<16xi32>, vector<16xi32>], vector<16xf32>,
      tpu.vector_store_idx %arg7[%add3A_516, %broadcast_in_dim3A_502], %gather3A_522 : memref<64x128xf32, #tpu.memory_space<vmem>>[vector<16xi32>, vector<16xi32>], vector<16xf32>,
      %iota3A_523 = tpu.iota {dimensions = array<i32: 0>} : vector<16xi32>
      %add3A_524 = arith.constant 32 : i32
      %add3A_525 = vector.broadcast %add3A_524 : i32 to vector<16xi32>
      %add3A_526 = arith.addi %iota3A_523, %add3A_525 : vector<16xi32>
      %gather3A_527 = arith.constant 2 : i32
      %gather3A_528 = arith.constant 0 : i32
      %gather3A_529 = arith.constant 0 : i32
      %gather3A_530 = tpu.memref_slice %arg6[%gather3A_527, %gather3A_528, %gather3A_529] : memref<8x64x128xf32, #tpu.memory_space<vmem>> -> memref<1x64x128xf32, #tpu.memory_space<vmem>>
      %gather3A_531 = tpu.memref_squeeze %gather3A_530 : memref<1x64x128xf32, #tpu.memory_space<vmem>> -> memref<64x128xf32, #tpu.memory_space<vmem>>
      %gather3A_532 = tpu.vector_load_idx %gather3A_531[%add3A_526, %broadcast_in_dim3A_501] : memref<64x128xf32, #tpu.memory_space<vmem>>[vector<16xi32>, vector<16xi32>], vector<16xf32>,
      tpu.vector_store_idx %arg7[%add3A_526, %broadcast_in_dim3A_502], %gather3A_532 : memref<64x128xf32, #tpu.memory_space<vmem>>[vector<16xi32>, vector<16xi32>], vector<16xf32>,
      %iota3A_533 = tpu.iota {dimensions = array<i32: 0>} : vector<16xi32>
      %add3A_534 = arith.constant 48 : i32
      %add3A_535 = vector.broadcast %add3A_534 : i32 to vector<16xi32>
      %add3A_536 = arith.addi %iota3A_533, %add3A_535 : vector<16xi32>
      %gather3A_537 = arith.constant 2 : i32
      %gather3A_538 = arith.constant 0 : i32
      %gather3A_539 = arith.constant 0 : i32
      %gather3A_540 = tpu.memref_slice %arg6[%gather3A_537, %gather3A_538, %gather3A_539] : memref<8x64x128xf32, #tpu.memory_space<vmem>> -> memref<1x64x128xf32, #tpu.memory_space<vmem>>
      %gather3A_541 = tpu.memref_squeeze %gather3A_540 : memref<1x64x128xf32, #tpu.memory_space<vmem>> -> memref<64x128xf32, #tpu.memory_space<vmem>>
      %gather3A_542 = tpu.vector_load_idx %gather3A_541[%add3A_536, %broadcast_in_dim3A_501] : memref<64x128xf32, #tpu.memory_space<vmem>>[vector<16xi32>, vector<16xi32>], vector<16xf32>,
      tpu.vector_store_idx %arg7[%add3A_536, %broadcast_in_dim3A_502], %gather3A_542 : memref<64x128xf32, #tpu.memory_space<vmem>>[vector<16xi32>, vector<16xi32>], vector<16xf32>,
      %slice3A_543 = vector.extract_strided_slice %get3A_238 {offsets = [10], sizes = [1], strides = [1]} : vector<16xi32> to vector<1xi32>
      %squeeze3A_544 = vector.extract %slice3A_543[0] : i32 from vector<1xi32>
      %shift_right_logical3A_545 = arith.constant 7 : i32
      %shift_right_logical3A_546 = arith.shrui %squeeze3A_544, %shift_right_logical3A_545 : i32
      %mul3A_547 = arith.constant 128 : i32
      %mul3A_548 = arith.muli %shift_right_logical3A_546, %mul3A_547 : i32
      %multiple_of3A_549 = tpu.assume_multiple %mul3A_548, 128 : i32
      %dma_start3A_550 = arith.constant 2 : i32
      %dma_start3A_551 = arith.constant 0 : i32
      %dma_start3A_552 = arith.constant 0 : i32
      %dma_start3A_553 = tpu.memref_slice %arg6[%dma_start3A_550, %dma_start3A_551, %dma_start3A_552] : memref<8x64x128xf32, #tpu.memory_space<vmem>> -> memref<1x32x128xf32, #tpu.memory_space<vmem>>
      %dma_start3A_554 = tpu.memref_squeeze %dma_start3A_553 : memref<1x32x128xf32, #tpu.memory_space<vmem>> -> memref<32x128xf32, #tpu.memory_space<vmem>>
      %dma_start3A_555 = arith.constant 0 : i32
      %dma_start3A_556 = tpu.memref_slice %arg3[%dma_start3A_555, %multiple_of3A_549] : memref<64x1000000xf32, #tpu.memory_space<hbm>> -> memref<32x128xf32, #tpu.memory_space<hbm>>
      %dma_start3A_557 = arith.constant 0 : i32
      %dma_start3A_558 = arith.constant 0 : i32
      %dma_start3A_559 = tpu.memref_slice %arg6[%dma_start3A_550, %dma_start3A_557, %dma_start3A_558] : memref<8x64x128xf32, #tpu.memory_space<vmem>> -> memref<1x32x128xf32, #tpu.memory_space<vmem>>
      %dma_start3A_560 = tpu.memref_squeeze %dma_start3A_559 : memref<1x32x128xf32, #tpu.memory_space<vmem>> -> memref<32x128xf32, #tpu.memory_space<vmem>>
      %dma_start3A_561 = arith.constant 0 : i32
      %dma_start3A_562 = tpu.memref_slice %arg3[%dma_start3A_561, %multiple_of3A_549] : memref<64x1000000xf32, #tpu.memory_space<hbm>> -> memref<32x128xf32, #tpu.memory_space<hbm>>
      tpu.enqueue_dma source(%dma_start3A_562 : memref<32x128xf32, #tpu.memory_space<hbm>>) target(%dma_start3A_560 : memref<32x128xf32, #tpu.memory_space<vmem>>) target_semaphore(%arg10 : memref<!tpu.dma_semaphore, #tpu.memory_space<semaphore_mem>>)
      %dma_start3A_563 = arith.constant 2 : i32
      %dma_start3A_564 = arith.constant 32 : i32
      %dma_start3A_565 = arith.constant 0 : i32
      %dma_start3A_566 = tpu.memref_slice %arg6[%dma_start3A_563, %dma_start3A_564, %dma_start3A_565] : memref<8x64x128xf32, #tpu.memory_space<vmem>> -> memref<1x32x128xf32, #tpu.memory_space<vmem>>
      %dma_start3A_567 = tpu.memref_squeeze %dma_start3A_566 : memref<1x32x128xf32, #tpu.memory_space<vmem>> -> memref<32x128xf32, #tpu.memory_space<vmem>>
      %dma_start3A_568 = arith.constant 32 : i32
      %dma_start3A_569 = tpu.memref_slice %arg3[%dma_start3A_568, %multiple_of3A_549] : memref<64x1000000xf32, #tpu.memory_space<hbm>> -> memref<32x128xf32, #tpu.memory_space<hbm>>
      %dma_start3A_570 = arith.constant 32 : i32
      %dma_start3A_571 = arith.constant 0 : i32
      %dma_start3A_572 = tpu.memref_slice %arg6[%dma_start3A_563, %dma_start3A_570, %dma_start3A_571] : memref<8x64x128xf32, #tpu.memory_space<vmem>> -> memref<1x32x128xf32, #tpu.memory_space<vmem>>
      %dma_start3A_573 = tpu.memref_squeeze %dma_start3A_572 : memref<1x32x128xf32, #tpu.memory_space<vmem>> -> memref<32x128xf32, #tpu.memory_space<vmem>>
      %dma_start3A_574 = arith.constant 32 : i32
      %dma_start3A_575 = tpu.memref_slice %arg3[%dma_start3A_574, %multiple_of3A_549] : memref<64x1000000xf32, #tpu.memory_space<hbm>> -> memref<32x128xf32, #tpu.memory_space<hbm>>
      tpu.enqueue_dma source(%dma_start3A_575 : memref<32x128xf32, #tpu.memory_space<hbm>>) target(%dma_start3A_573 : memref<32x128xf32, #tpu.memory_space<vmem>>) target_semaphore(%arg10 : memref<!tpu.dma_semaphore, #tpu.memory_space<semaphore_mem>>)
      %dma_wait3A_576 = arith.constant 3 : i32
      %dma_wait3A_577 = arith.constant 0 : i32
      %dma_wait3A_578 = arith.constant 0 : i32
      %dma_wait3A_579 = tpu.memref_slice %arg6[%dma_wait3A_576, %dma_wait3A_577, %dma_wait3A_578] : memref<8x64x128xf32, #tpu.memory_space<vmem>> -> memref<1x64x128xf32, #tpu.memory_space<vmem>>
      %dma_wait3A_580 = tpu.memref_squeeze %dma_wait3A_579 : memref<1x64x128xf32, #tpu.memory_space<vmem>> -> memref<64x128xf32, #tpu.memory_space<vmem>>
      %dma_wait3A_581 = arith.constant 0 : i32
      %dma_wait3A_582 = arith.constant 0 : i32
      %dma_wait3A_583 = tpu.memref_slice %arg3[%dma_wait3A_581, %dma_wait3A_582] : memref<64x1000000xf32, #tpu.memory_space<hbm>> -> memref<64x128xf32, #tpu.memory_space<hbm>>
      %dma_wait3A_584 = arith.constant 0 : i32
      %dma_wait3A_585 = arith.constant 0 : i32
      %dma_wait3A_586 = tpu.memref_slice %arg6[%dma_wait3A_576, %dma_wait3A_584, %dma_wait3A_585] : memref<8x64x128xf32, #tpu.memory_space<vmem>> -> memref<1x64x128xf32, #tpu.memory_space<vmem>>
      %dma_wait3A_587 = tpu.memref_squeeze %dma_wait3A_586 : memref<1x64x128xf32, #tpu.memory_space<vmem>> -> memref<64x128xf32, #tpu.memory_space<vmem>>
      %dma_wait3A_588 = arith.constant 0 : i32
      %dma_wait3A_589 = arith.constant 0 : i32
      %dma_wait3A_590 = tpu.memref_slice %arg3[%dma_wait3A_588, %dma_wait3A_589] : memref<64x1000000xf32, #tpu.memory_space<hbm>> -> memref<64x128xf32, #tpu.memory_space<hbm>>
      tpu.wait_dma2 semaphore(%arg11 : memref<!tpu.dma_semaphore, #tpu.memory_space<semaphore_mem>>) src(%dma_wait3A_590 : memref<64x128xf32, #tpu.memory_space<hbm>>) dst(%dma_wait3A_587 : memref<64x128xf32, #tpu.memory_space<vmem>>)
      %slice3A_591 = vector.extract_strided_slice %get3A_238 {offsets = [3], sizes = [1], strides = [1]} : vector<16xi32> to vector<1xi32>
      %squeeze3A_592 = vector.extract %slice3A_591[0] : i32 from vector<1xi32>
      %add3A_593 = arith.constant 3 : i32
      %add3A_594 = arith.addi %mul3A_258, %add3A_593 : i32
      %and3A_595 = arith.constant 127 : i32
      %and3A_596 = arith.andi %squeeze3A_592, %and3A_595 : i32
      %broadcast_in_dim3A_597 = vector.broadcast %and3A_596 : i32 to vector<16xi32>
      %broadcast_in_dim3A_598 = vector.broadcast %add3A_594 : i32 to vector<16xi32>
      %iota3A_599 = tpu.iota {dimensions = array<i32: 0>} : vector<16xi32>
      %add3A_600 = arith.constant 0 : i32
      %add3A_601 = vector.broadcast %add3A_600 : i32 to vector<16xi32>
      %add3A_602 = arith.addi %iota3A_599, %add3A_601 : vector<16xi32>
      %gather3A_603 = arith.constant 3 : i32
      %gather3A_604 = arith.constant 0 : i32
      %gather3A_605 = arith.constant 0 : i32
      %gather3A_606 = tpu.memref_slice %arg6[%gather3A_603, %gather3A_604, %gather3A_605] : memref<8x64x128xf32, #tpu.memory_space<vmem>> -> memref<1x64x128xf32, #tpu.memory_space<vmem>>
      %gather3A_607 = tpu.memref_squeeze %gather3A_606 : memref<1x64x128xf32, #tpu.memory_space<vmem>> -> memref<64x128xf32, #tpu.memory_space<vmem>>
      %gather3A_608 = tpu.vector_load_idx %gather3A_607[%add3A_602, %broadcast_in_dim3A_597] : memref<64x128xf32, #tpu.memory_space<vmem>>[vector<16xi32>, vector<16xi32>], vector<16xf32>,
      tpu.vector_store_idx %arg7[%add3A_602, %broadcast_in_dim3A_598], %gather3A_608 : memref<64x128xf32, #tpu.memory_space<vmem>>[vector<16xi32>, vector<16xi32>], vector<16xf32>,
      %iota3A_609 = tpu.iota {dimensions = array<i32: 0>} : vector<16xi32>
      %add3A_610 = arith.constant 16 : i32
      %add3A_611 = vector.broadcast %add3A_610 : i32 to vector<16xi32>
      %add3A_612 = arith.addi %iota3A_609, %add3A_611 : vector<16xi32>
      %gather3A_613 = arith.constant 3 : i32
      %gather3A_614 = arith.constant 0 : i32
      %gather3A_615 = arith.constant 0 : i32
      %gather3A_616 = tpu.memref_slice %arg6[%gather3A_613, %gather3A_614, %gather3A_615] : memref<8x64x128xf32, #tpu.memory_space<vmem>> -> memref<1x64x128xf32, #tpu.memory_space<vmem>>
      %gather3A_617 = tpu.memref_squeeze %gather3A_616 : memref<1x64x128xf32, #tpu.memory_space<vmem>> -> memref<64x128xf32, #tpu.memory_space<vmem>>
      %gather3A_618 = tpu.vector_load_idx %gather3A_617[%add3A_612, %broadcast_in_dim3A_597] : memref<64x128xf32, #tpu.memory_space<vmem>>[vector<16xi32>, vector<16xi32>], vector<16xf32>,
      tpu.vector_store_idx %arg7[%add3A_612, %broadcast_in_dim3A_598], %gather3A_618 : memref<64x128xf32, #tpu.memory_space<vmem>>[vector<16xi32>, vector<16xi32>], vector<16xf32>,
      %iota3A_619 = tpu.iota {dimensions = array<i32: 0>} : vector<16xi32>
      %add3A_620 = arith.constant 32 : i32
      %add3A_621 = vector.broadcast %add3A_620 : i32 to vector<16xi32>
      %add3A_622 = arith.addi %iota3A_619, %add3A_621 : vector<16xi32>
      %gather3A_623 = arith.constant 3 : i32
      %gather3A_624 = arith.constant 0 : i32
      %gather3A_625 = arith.constant 0 : i32
      %gather3A_626 = tpu.memref_slice %arg6[%gather3A_623, %gather3A_624, %gather3A_625] : memref<8x64x128xf32, #tpu.memory_space<vmem>> -> memref<1x64x128xf32, #tpu.memory_space<vmem>>
      %gather3A_627 = tpu.memref_squeeze %gather3A_626 : memref<1x64x128xf32, #tpu.memory_space<vmem>> -> memref<64x128xf32, #tpu.memory_space<vmem>>
      %gather3A_628 = tpu.vector_load_idx %gather3A_627[%add3A_622, %broadcast_in_dim3A_597] : memref<64x128xf32, #tpu.memory_space<vmem>>[vector<16xi32>, vector<16xi32>], vector<16xf32>,
      tpu.vector_store_idx %arg7[%add3A_622, %broadcast_in_dim3A_598], %gather3A_628 : memref<64x128xf32, #tpu.memory_space<vmem>>[vector<16xi32>, vector<16xi32>], vector<16xf32>,
      %iota3A_629 = tpu.iota {dimensions = array<i32: 0>} : vector<16xi32>
      %add3A_630 = arith.constant 48 : i32
      %add3A_631 = vector.broadcast %add3A_630 : i32 to vector<16xi32>
      %add3A_632 = arith.addi %iota3A_629, %add3A_631 : vector<16xi32>
      %gather3A_633 = arith.constant 3 : i32
      %gather3A_634 = arith.constant 0 : i32
      %gather3A_635 = arith.constant 0 : i32
      %gather3A_636 = tpu.memref_slice %arg6[%gather3A_633, %gather3A_634, %gather3A_635] : memref<8x64x128xf32, #tpu.memory_space<vmem>> -> memref<1x64x128xf32, #tpu.memory_space<vmem>>
      %gather3A_637 = tpu.memref_squeeze %gather3A_636 : memref<1x64x128xf32, #tpu.memory_space<vmem>> -> memref<64x128xf32, #tpu.memory_space<vmem>>
      %gather3A_638 = tpu.vector_load_idx %gather3A_637[%add3A_632, %broadcast_in_dim3A_597] : memref<64x128xf32, #tpu.memory_space<vmem>>[vector<16xi32>, vector<16xi32>], vector<16xf32>,
      tpu.vector_store_idx %arg7[%add3A_632, %broadcast_in_dim3A_598], %gather3A_638 : memref<64x128xf32, #tpu.memory_space<vmem>>[vector<16xi32>, vector<16xi32>], vector<16xf32>,
      %slice3A_639 = vector.extract_strided_slice %get3A_238 {offsets = [11], sizes = [1], strides = [1]} : vector<16xi32> to vector<1xi32>
      %squeeze3A_640 = vector.extract %slice3A_639[0] : i32 from vector<1xi32>
      %shift_right_logical3A_641 = arith.constant 7 : i32
      %shift_right_logical3A_642 = arith.shrui %squeeze3A_640, %shift_right_logical3A_641 : i32
      %mul3A_643 = arith.constant 128 : i32
      %mul3A_644 = arith.muli %shift_right_logical3A_642, %mul3A_643 : i32
      %multiple_of3A_645 = tpu.assume_multiple %mul3A_644, 128 : i32
      %dma_start3A_646 = arith.constant 3 : i32
      %dma_start3A_647 = arith.constant 0 : i32
      %dma_start3A_648 = arith.constant 0 : i32
      %dma_start3A_649 = tpu.memref_slice %arg6[%dma_start3A_646, %dma_start3A_647, %dma_start3A_648] : memref<8x64x128xf32, #tpu.memory_space<vmem>> -> memref<1x32x128xf32, #tpu.memory_space<vmem>>
      %dma_start3A_650 = tpu.memref_squeeze %dma_start3A_649 : memref<1x32x128xf32, #tpu.memory_space<vmem>> -> memref<32x128xf32, #tpu.memory_space<vmem>>
      %dma_start3A_651 = arith.constant 0 : i32
      %dma_start3A_652 = tpu.memref_slice %arg3[%dma_start3A_651, %multiple_of3A_645] : memref<64x1000000xf32, #tpu.memory_space<hbm>> -> memref<32x128xf32, #tpu.memory_space<hbm>>
      %dma_start3A_653 = arith.constant 0 : i32
      %dma_start3A_654 = arith.constant 0 : i32
      %dma_start3A_655 = tpu.memref_slice %arg6[%dma_start3A_646, %dma_start3A_653, %dma_start3A_654] : memref<8x64x128xf32, #tpu.memory_space<vmem>> -> memref<1x32x128xf32, #tpu.memory_space<vmem>>
      %dma_start3A_656 = tpu.memref_squeeze %dma_start3A_655 : memref<1x32x128xf32, #tpu.memory_space<vmem>> -> memref<32x128xf32, #tpu.memory_space<vmem>>
      %dma_start3A_657 = arith.constant 0 : i32
      %dma_start3A_658 = tpu.memref_slice %arg3[%dma_start3A_657, %multiple_of3A_645] : memref<64x1000000xf32, #tpu.memory_space<hbm>> -> memref<32x128xf32, #tpu.memory_space<hbm>>
      tpu.enqueue_dma source(%dma_start3A_658 : memref<32x128xf32, #tpu.memory_space<hbm>>) target(%dma_start3A_656 : memref<32x128xf32, #tpu.memory_space<vmem>>) target_semaphore(%arg11 : memref<!tpu.dma_semaphore, #tpu.memory_space<semaphore_mem>>)
      %dma_start3A_659 = arith.constant 3 : i32
      %dma_start3A_660 = arith.constant 32 : i32
      %dma_start3A_661 = arith.constant 0 : i32
      %dma_start3A_662 = tpu.memref_slice %arg6[%dma_start3A_659, %dma_start3A_660, %dma_start3A_661] : memref<8x64x128xf32, #tpu.memory_space<vmem>> -> memref<1x32x128xf32, #tpu.memory_space<vmem>>
      %dma_start3A_663 = tpu.memref_squeeze %dma_start3A_662 : memref<1x32x128xf32, #tpu.memory_space<vmem>> -> memref<32x128xf32, #tpu.memory_space<vmem>>
      %dma_start3A_664 = arith.constant 32 : i32
      %dma_start3A_665 = tpu.memref_slice %arg3[%dma_start3A_664, %multiple_of3A_645] : memref<64x1000000xf32, #tpu.memory_space<hbm>> -> memref<32x128xf32, #tpu.memory_space<hbm>>
      %dma_start3A_666 = arith.constant 32 : i32
      %dma_start3A_667 = arith.constant 0 : i32
      %dma_start3A_668 = tpu.memref_slice %arg6[%dma_start3A_659, %dma_start3A_666, %dma_start3A_667] : memref<8x64x128xf32, #tpu.memory_space<vmem>> -> memref<1x32x128xf32, #tpu.memory_space<vmem>>
      %dma_start3A_669 = tpu.memref_squeeze %dma_start3A_668 : memref<1x32x128xf32, #tpu.memory_space<vmem>> -> memref<32x128xf32, #tpu.memory_space<vmem>>
      %dma_start3A_670 = arith.constant 32 : i32
      %dma_start3A_671 = tpu.memref_slice %arg3[%dma_start3A_670, %multiple_of3A_645] : memref<64x1000000xf32, #tpu.memory_space<hbm>> -> memref<32x128xf32, #tpu.memory_space<hbm>>
      tpu.enqueue_dma source(%dma_start3A_671 : memref<32x128xf32, #tpu.memory_space<hbm>>) target(%dma_start3A_669 : memref<32x128xf32, #tpu.memory_space<vmem>>) target_semaphore(%arg11 : memref<!tpu.dma_semaphore, #tpu.memory_space<semaphore_mem>>)
      %dma_wait3A_672 = arith.constant 4 : i32
      %dma_wait3A_673 = arith.constant 0 : i32
      %dma_wait3A_674 = arith.constant 0 : i32
      %dma_wait3A_675 = tpu.memref_slice %arg6[%dma_wait3A_672, %dma_wait3A_673, %dma_wait3A_674] : memref<8x64x128xf32, #tpu.memory_space<vmem>> -> memref<1x64x128xf32, #tpu.memory_space<vmem>>
      %dma_wait3A_676 = tpu.memref_squeeze %dma_wait3A_675 : memref<1x64x128xf32, #tpu.memory_space<vmem>> -> memref<64x128xf32, #tpu.memory_space<vmem>>
      %dma_wait3A_677 = arith.constant 0 : i32
      %dma_wait3A_678 = arith.constant 0 : i32
      %dma_wait3A_679 = tpu.memref_slice %arg3[%dma_wait3A_677, %dma_wait3A_678] : memref<64x1000000xf32, #tpu.memory_space<hbm>> -> memref<64x128xf32, #tpu.memory_space<hbm>>
      %dma_wait3A_680 = arith.constant 0 : i32
      %dma_wait3A_681 = arith.constant 0 : i32
      %dma_wait3A_682 = tpu.memref_slice %arg6[%dma_wait3A_672, %dma_wait3A_680, %dma_wait3A_681] : memref<8x64x128xf32, #tpu.memory_space<vmem>> -> memref<1x64x128xf32, #tpu.memory_space<vmem>>
      %dma_wait3A_683 = tpu.memref_squeeze %dma_wait3A_682 : memref<1x64x128xf32, #tpu.memory_space<vmem>> -> memref<64x128xf32, #tpu.memory_space<vmem>>
      %dma_wait3A_684 = arith.constant 0 : i32
      %dma_wait3A_685 = arith.constant 0 : i32
      %dma_wait3A_686 = tpu.memref_slice %arg3[%dma_wait3A_684, %dma_wait3A_685] : memref<64x1000000xf32, #tpu.memory_space<hbm>> -> memref<64x128xf32, #tpu.memory_space<hbm>>
      tpu.wait_dma2 semaphore(%arg12 : memref<!tpu.dma_semaphore, #tpu.memory_space<semaphore_mem>>) src(%dma_wait3A_686 : memref<64x128xf32, #tpu.memory_space<hbm>>) dst(%dma_wait3A_683 : memref<64x128xf32, #tpu.memory_space<vmem>>)
      %slice3A_687 = vector.extract_strided_slice %get3A_238 {offsets = [4], sizes = [1], strides = [1]} : vector<16xi32> to vector<1xi32>
      %squeeze3A_688 = vector.extract %slice3A_687[0] : i32 from vector<1xi32>
      %add3A_689 = arith.constant 4 : i32
      %add3A_690 = arith.addi %mul3A_258, %add3A_689 : i32
      %and3A_691 = arith.constant 127 : i32
      %and3A_692 = arith.andi %squeeze3A_688, %and3A_691 : i32
      %broadcast_in_dim3A_693 = vector.broadcast %and3A_692 : i32 to vector<16xi32>
      %broadcast_in_dim3A_694 = vector.broadcast %add3A_690 : i32 to vector<16xi32>
      %iota3A_695 = tpu.iota {dimensions = array<i32: 0>} : vector<16xi32>
      %add3A_696 = arith.constant 0 : i32
      %add3A_697 = vector.broadcast %add3A_696 : i32 to vector<16xi32>
      %add3A_698 = arith.addi %iota3A_695, %add3A_697 : vector<16xi32>
      %gather3A_699 = arith.constant 4 : i32
      %gather3A_700 = arith.constant 0 : i32
      %gather3A_701 = arith.constant 0 : i32
      %gather3A_702 = tpu.memref_slice %arg6[%gather3A_699, %gather3A_700, %gather3A_701] : memref<8x64x128xf32, #tpu.memory_space<vmem>> -> memref<1x64x128xf32, #tpu.memory_space<vmem>>
      %gather3A_703 = tpu.memref_squeeze %gather3A_702 : memref<1x64x128xf32, #tpu.memory_space<vmem>> -> memref<64x128xf32, #tpu.memory_space<vmem>>
      %gather3A_704 = tpu.vector_load_idx %gather3A_703[%add3A_698, %broadcast_in_dim3A_693] : memref<64x128xf32, #tpu.memory_space<vmem>>[vector<16xi32>, vector<16xi32>], vector<16xf32>,
      tpu.vector_store_idx %arg7[%add3A_698, %broadcast_in_dim3A_694], %gather3A_704 : memref<64x128xf32, #tpu.memory_space<vmem>>[vector<16xi32>, vector<16xi32>], vector<16xf32>,
      %iota3A_705 = tpu.iota {dimensions = array<i32: 0>} : vector<16xi32>
      %add3A_706 = arith.constant 16 : i32
      %add3A_707 = vector.broadcast %add3A_706 : i32 to vector<16xi32>
      %add3A_708 = arith.addi %iota3A_705, %add3A_707 : vector<16xi32>
      %gather3A_709 = arith.constant 4 : i32
      %gather3A_710 = arith.constant 0 : i32
      %gather3A_711 = arith.constant 0 : i32
      %gather3A_712 = tpu.memref_slice %arg6[%gather3A_709, %gather3A_710, %gather3A_711] : memref<8x64x128xf32, #tpu.memory_space<vmem>> -> memref<1x64x128xf32, #tpu.memory_space<vmem>>
      %gather3A_713 = tpu.memref_squeeze %gather3A_712 : memref<1x64x128xf32, #tpu.memory_space<vmem>> -> memref<64x128xf32, #tpu.memory_space<vmem>>
      %gather3A_714 = tpu.vector_load_idx %gather3A_713[%add3A_708, %broadcast_in_dim3A_693] : memref<64x128xf32, #tpu.memory_space<vmem>>[vector<16xi32>, vector<16xi32>], vector<16xf32>,
      tpu.vector_store_idx %arg7[%add3A_708, %broadcast_in_dim3A_694], %gather3A_714 : memref<64x128xf32, #tpu.memory_space<vmem>>[vector<16xi32>, vector<16xi32>], vector<16xf32>,
      %iota3A_715 = tpu.iota {dimensions = array<i32: 0>} : vector<16xi32>
      %add3A_716 = arith.constant 32 : i32
      %add3A_717 = vector.broadcast %add3A_716 : i32 to vector<16xi32>
      %add3A_718 = arith.addi %iota3A_715, %add3A_717 : vector<16xi32>
      %gather3A_719 = arith.constant 4 : i32
      %gather3A_720 = arith.constant 0 : i32
      %gather3A_721 = arith.constant 0 : i32
      %gather3A_722 = tpu.memref_slice %arg6[%gather3A_719, %gather3A_720, %gather3A_721] : memref<8x64x128xf32, #tpu.memory_space<vmem>> -> memref<1x64x128xf32, #tpu.memory_space<vmem>>
      %gather3A_723 = tpu.memref_squeeze %gather3A_722 : memref<1x64x128xf32, #tpu.memory_space<vmem>> -> memref<64x128xf32, #tpu.memory_space<vmem>>
      %gather3A_724 = tpu.vector_load_idx %gather3A_723[%add3A_718, %broadcast_in_dim3A_693] : memref<64x128xf32, #tpu.memory_space<vmem>>[vector<16xi32>, vector<16xi32>], vector<16xf32>,
      tpu.vector_store_idx %arg7[%add3A_718, %broadcast_in_dim3A_694], %gather3A_724 : memref<64x128xf32, #tpu.memory_space<vmem>>[vector<16xi32>, vector<16xi32>], vector<16xf32>,
      %iota3A_725 = tpu.iota {dimensions = array<i32: 0>} : vector<16xi32>
      %add3A_726 = arith.constant 48 : i32
      %add3A_727 = vector.broadcast %add3A_726 : i32 to vector<16xi32>
      %add3A_728 = arith.addi %iota3A_725, %add3A_727 : vector<16xi32>
      %gather3A_729 = arith.constant 4 : i32
      %gather3A_730 = arith.constant 0 : i32
      %gather3A_731 = arith.constant 0 : i32
      %gather3A_732 = tpu.memref_slice %arg6[%gather3A_729, %gather3A_730, %gather3A_731] : memref<8x64x128xf32, #tpu.memory_space<vmem>> -> memref<1x64x128xf32, #tpu.memory_space<vmem>>
      %gather3A_733 = tpu.memref_squeeze %gather3A_732 : memref<1x64x128xf32, #tpu.memory_space<vmem>> -> memref<64x128xf32, #tpu.memory_space<vmem>>
      %gather3A_734 = tpu.vector_load_idx %gather3A_733[%add3A_728, %broadcast_in_dim3A_693] : memref<64x128xf32, #tpu.memory_space<vmem>>[vector<16xi32>, vector<16xi32>], vector<16xf32>,
      tpu.vector_store_idx %arg7[%add3A_728, %broadcast_in_dim3A_694], %gather3A_734 : memref<64x128xf32, #tpu.memory_space<vmem>>[vector<16xi32>, vector<16xi32>], vector<16xf32>,
      %slice3A_735 = vector.extract_strided_slice %get3A_238 {offsets = [12], sizes = [1], strides = [1]} : vector<16xi32> to vector<1xi32>
      %squeeze3A_736 = vector.extract %slice3A_735[0] : i32 from vector<1xi32>
      %shift_right_logical3A_737 = arith.constant 7 : i32
      %shift_right_logical3A_738 = arith.shrui %squeeze3A_736, %shift_right_logical3A_737 : i32
      %mul3A_739 = arith.constant 128 : i32
      %mul3A_740 = arith.muli %shift_right_logical3A_738, %mul3A_739 : i32
      %multiple_of3A_741 = tpu.assume_multiple %mul3A_740, 128 : i32
      %dma_start3A_742 = arith.constant 4 : i32
      %dma_start3A_743 = arith.constant 0 : i32
      %dma_start3A_744 = arith.constant 0 : i32
      %dma_start3A_745 = tpu.memref_slice %arg6[%dma_start3A_742, %dma_start3A_743, %dma_start3A_744] : memref<8x64x128xf32, #tpu.memory_space<vmem>> -> memref<1x32x128xf32, #tpu.memory_space<vmem>>
      %dma_start3A_746 = tpu.memref_squeeze %dma_start3A_745 : memref<1x32x128xf32, #tpu.memory_space<vmem>> -> memref<32x128xf32, #tpu.memory_space<vmem>>
      %dma_start3A_747 = arith.constant 0 : i32
      %dma_start3A_748 = tpu.memref_slice %arg3[%dma_start3A_747, %multiple_of3A_741] : memref<64x1000000xf32, #tpu.memory_space<hbm>> -> memref<32x128xf32, #tpu.memory_space<hbm>>
      %dma_start3A_749 = arith.constant 0 : i32
      %dma_start3A_750 = arith.constant 0 : i32
      %dma_start3A_751 = tpu.memref_slice %arg6[%dma_start3A_742, %dma_start3A_749, %dma_start3A_750] : memref<8x64x128xf32, #tpu.memory_space<vmem>> -> memref<1x32x128xf32, #tpu.memory_space<vmem>>
      %dma_start3A_752 = tpu.memref_squeeze %dma_start3A_751 : memref<1x32x128xf32, #tpu.memory_space<vmem>> -> memref<32x128xf32, #tpu.memory_space<vmem>>
      %dma_start3A_753 = arith.constant 0 : i32
      %dma_start3A_754 = tpu.memref_slice %arg3[%dma_start3A_753, %multiple_of3A_741] : memref<64x1000000xf32, #tpu.memory_space<hbm>> -> memref<32x128xf32, #tpu.memory_space<hbm>>
      tpu.enqueue_dma source(%dma_start3A_754 : memref<32x128xf32, #tpu.memory_space<hbm>>) target(%dma_start3A_752 : memref<32x128xf32, #tpu.memory_space<vmem>>) target_semaphore(%arg12 : memref<!tpu.dma_semaphore, #tpu.memory_space<semaphore_mem>>)
      %dma_start3A_755 = arith.constant 4 : i32
      %dma_start3A_756 = arith.constant 32 : i32
      %dma_start3A_757 = arith.constant 0 : i32
      %dma_start3A_758 = tpu.memref_slice %arg6[%dma_start3A_755, %dma_start3A_756, %dma_start3A_757] : memref<8x64x128xf32, #tpu.memory_space<vmem>> -> memref<1x32x128xf32, #tpu.memory_space<vmem>>
      %dma_start3A_759 = tpu.memref_squeeze %dma_start3A_758 : memref<1x32x128xf32, #tpu.memory_space<vmem>> -> memref<32x128xf32, #tpu.memory_space<vmem>>
      %dma_start3A_760 = arith.constant 32 : i32
      %dma_start3A_761 = tpu.memref_slice %arg3[%dma_start3A_760, %multiple_of3A_741] : memref<64x1000000xf32, #tpu.memory_space<hbm>> -> memref<32x128xf32, #tpu.memory_space<hbm>>
      %dma_start3A_762 = arith.constant 32 : i32
      %dma_start3A_763 = arith.constant 0 : i32
      %dma_start3A_764 = tpu.memref_slice %arg6[%dma_start3A_755, %dma_start3A_762, %dma_start3A_763] : memref<8x64x128xf32, #tpu.memory_space<vmem>> -> memref<1x32x128xf32, #tpu.memory_space<vmem>>
      %dma_start3A_765 = tpu.memref_squeeze %dma_start3A_764 : memref<1x32x128xf32, #tpu.memory_space<vmem>> -> memref<32x128xf32, #tpu.memory_space<vmem>>
      %dma_start3A_766 = arith.constant 32 : i32
      %dma_start3A_767 = tpu.memref_slice %arg3[%dma_start3A_766, %multiple_of3A_741] : memref<64x1000000xf32, #tpu.memory_space<hbm>> -> memref<32x128xf32, #tpu.memory_space<hbm>>
      tpu.enqueue_dma source(%dma_start3A_767 : memref<32x128xf32, #tpu.memory_space<hbm>>) target(%dma_start3A_765 : memref<32x128xf32, #tpu.memory_space<vmem>>) target_semaphore(%arg12 : memref<!tpu.dma_semaphore, #tpu.memory_space<semaphore_mem>>)
      %dma_wait3A_768 = arith.constant 5 : i32
      %dma_wait3A_769 = arith.constant 0 : i32
      %dma_wait3A_770 = arith.constant 0 : i32
      %dma_wait3A_771 = tpu.memref_slice %arg6[%dma_wait3A_768, %dma_wait3A_769, %dma_wait3A_770] : memref<8x64x128xf32, #tpu.memory_space<vmem>> -> memref<1x64x128xf32, #tpu.memory_space<vmem>>
      %dma_wait3A_772 = tpu.memref_squeeze %dma_wait3A_771 : memref<1x64x128xf32, #tpu.memory_space<vmem>> -> memref<64x128xf32, #tpu.memory_space<vmem>>
      %dma_wait3A_773 = arith.constant 0 : i32
      %dma_wait3A_774 = arith.constant 0 : i32
      %dma_wait3A_775 = tpu.memref_slice %arg3[%dma_wait3A_773, %dma_wait3A_774] : memref<64x1000000xf32, #tpu.memory_space<hbm>> -> memref<64x128xf32, #tpu.memory_space<hbm>>
      %dma_wait3A_776 = arith.constant 0 : i32
      %dma_wait3A_777 = arith.constant 0 : i32
      %dma_wait3A_778 = tpu.memref_slice %arg6[%dma_wait3A_768, %dma_wait3A_776, %dma_wait3A_777] : memref<8x64x128xf32, #tpu.memory_space<vmem>> -> memref<1x64x128xf32, #tpu.memory_space<vmem>>
      %dma_wait3A_779 = tpu.memref_squeeze %dma_wait3A_778 : memref<1x64x128xf32, #tpu.memory_space<vmem>> -> memref<64x128xf32, #tpu.memory_space<vmem>>
      %dma_wait3A_780 = arith.constant 0 : i32
      %dma_wait3A_781 = arith.constant 0 : i32
      %dma_wait3A_782 = tpu.memref_slice %arg3[%dma_wait3A_780, %dma_wait3A_781] : memref<64x1000000xf32, #tpu.memory_space<hbm>> -> memref<64x128xf32, #tpu.memory_space<hbm>>
      tpu.wait_dma2 semaphore(%arg13 : memref<!tpu.dma_semaphore, #tpu.memory_space<semaphore_mem>>) src(%dma_wait3A_782 : memref<64x128xf32, #tpu.memory_space<hbm>>) dst(%dma_wait3A_779 : memref<64x128xf32, #tpu.memory_space<vmem>>)
      %slice3A_783 = vector.extract_strided_slice %get3A_238 {offsets = [5], sizes = [1], strides = [1]} : vector<16xi32> to vector<1xi32>
      %squeeze3A_784 = vector.extract %slice3A_783[0] : i32 from vector<1xi32>
      %add3A_785 = arith.constant 5 : i32
      %add3A_786 = arith.addi %mul3A_258, %add3A_785 : i32
      %and3A_787 = arith.constant 127 : i32
      %and3A_788 = arith.andi %squeeze3A_784, %and3A_787 : i32
      %broadcast_in_dim3A_789 = vector.broadcast %and3A_788 : i32 to vector<16xi32>
      %broadcast_in_dim3A_790 = vector.broadcast %add3A_786 : i32 to vector<16xi32>
      %iota3A_791 = tpu.iota {dimensions = array<i32: 0>} : vector<16xi32>
      %add3A_792 = arith.constant 0 : i32
      %add3A_793 = vector.broadcast %add3A_792 : i32 to vector<16xi32>
      %add3A_794 = arith.addi %iota3A_791, %add3A_793 : vector<16xi32>
      %gather3A_795 = arith.constant 5 : i32
      %gather3A_796 = arith.constant 0 : i32
      %gather3A_797 = arith.constant 0 : i32
      %gather3A_798 = tpu.memref_slice %arg6[%gather3A_795, %gather3A_796, %gather3A_797] : memref<8x64x128xf32, #tpu.memory_space<vmem>> -> memref<1x64x128xf32, #tpu.memory_space<vmem>>
      %gather3A_799 = tpu.memref_squeeze %gather3A_798 : memref<1x64x128xf32, #tpu.memory_space<vmem>> -> memref<64x128xf32, #tpu.memory_space<vmem>>
      %gather3A_800 = tpu.vector_load_idx %gather3A_799[%add3A_794, %broadcast_in_dim3A_789] : memref<64x128xf32, #tpu.memory_space<vmem>>[vector<16xi32>, vector<16xi32>], vector<16xf32>,
      tpu.vector_store_idx %arg7[%add3A_794, %broadcast_in_dim3A_790], %gather3A_800 : memref<64x128xf32, #tpu.memory_space<vmem>>[vector<16xi32>, vector<16xi32>], vector<16xf32>,
      %iota3A_801 = tpu.iota {dimensions = array<i32: 0>} : vector<16xi32>
      %add3A_802 = arith.constant 16 : i32
      %add3A_803 = vector.broadcast %add3A_802 : i32 to vector<16xi32>
      %add3A_804 = arith.addi %iota3A_801, %add3A_803 : vector<16xi32>
      %gather3A_805 = arith.constant 5 : i32
      %gather3A_806 = arith.constant 0 : i32
      %gather3A_807 = arith.constant 0 : i32
      %gather3A_808 = tpu.memref_slice %arg6[%gather3A_805, %gather3A_806, %gather3A_807] : memref<8x64x128xf32, #tpu.memory_space<vmem>> -> memref<1x64x128xf32, #tpu.memory_space<vmem>>
      %gather3A_809 = tpu.memref_squeeze %gather3A_808 : memref<1x64x128xf32, #tpu.memory_space<vmem>> -> memref<64x128xf32, #tpu.memory_space<vmem>>
      %gather3A_810 = tpu.vector_load_idx %gather3A_809[%add3A_804, %broadcast_in_dim3A_789] : memref<64x128xf32, #tpu.memory_space<vmem>>[vector<16xi32>, vector<16xi32>], vector<16xf32>,
      tpu.vector_store_idx %arg7[%add3A_804, %broadcast_in_dim3A_790], %gather3A_810 : memref<64x128xf32, #tpu.memory_space<vmem>>[vector<16xi32>, vector<16xi32>], vector<16xf32>,
      %iota3A_811 = tpu.iota {dimensions = array<i32: 0>} : vector<16xi32>
      %add3A_812 = arith.constant 32 : i32
      %add3A_813 = vector.broadcast %add3A_812 : i32 to vector<16xi32>
      %add3A_814 = arith.addi %iota3A_811, %add3A_813 : vector<16xi32>
      %gather3A_815 = arith.constant 5 : i32
      %gather3A_816 = arith.constant 0 : i32
      %gather3A_817 = arith.constant 0 : i32
      %gather3A_818 = tpu.memref_slice %arg6[%gather3A_815, %gather3A_816, %gather3A_817] : memref<8x64x128xf32, #tpu.memory_space<vmem>> -> memref<1x64x128xf32, #tpu.memory_space<vmem>>
      %gather3A_819 = tpu.memref_squeeze %gather3A_818 : memref<1x64x128xf32, #tpu.memory_space<vmem>> -> memref<64x128xf32, #tpu.memory_space<vmem>>
      %gather3A_820 = tpu.vector_load_idx %gather3A_819[%add3A_814, %broadcast_in_dim3A_789] : memref<64x128xf32, #tpu.memory_space<vmem>>[vector<16xi32>, vector<16xi32>], vector<16xf32>,
      tpu.vector_store_idx %arg7[%add3A_814, %broadcast_in_dim3A_790], %gather3A_820 : memref<64x128xf32, #tpu.memory_space<vmem>>[vector<16xi32>, vector<16xi32>], vector<16xf32>,
      %iota3A_821 = tpu.iota {dimensions = array<i32: 0>} : vector<16xi32>
      %add3A_822 = arith.constant 48 : i32
      %add3A_823 = vector.broadcast %add3A_822 : i32 to vector<16xi32>
      %add3A_824 = arith.addi %iota3A_821, %add3A_823 : vector<16xi32>
      %gather3A_825 = arith.constant 5 : i32
      %gather3A_826 = arith.constant 0 : i32
      %gather3A_827 = arith.constant 0 : i32
      %gather3A_828 = tpu.memref_slice %arg6[%gather3A_825, %gather3A_826, %gather3A_827] : memref<8x64x128xf32, #tpu.memory_space<vmem>> -> memref<1x64x128xf32, #tpu.memory_space<vmem>>
      %gather3A_829 = tpu.memref_squeeze %gather3A_828 : memref<1x64x128xf32, #tpu.memory_space<vmem>> -> memref<64x128xf32, #tpu.memory_space<vmem>>
      %gather3A_830 = tpu.vector_load_idx %gather3A_829[%add3A_824, %broadcast_in_dim3A_789] : memref<64x128xf32, #tpu.memory_space<vmem>>[vector<16xi32>, vector<16xi32>], vector<16xf32>,
      tpu.vector_store_idx %arg7[%add3A_824, %broadcast_in_dim3A_790], %gather3A_830 : memref<64x128xf32, #tpu.memory_space<vmem>>[vector<16xi32>, vector<16xi32>], vector<16xf32>,
      %slice3A_831 = vector.extract_strided_slice %get3A_238 {offsets = [13], sizes = [1], strides = [1]} : vector<16xi32> to vector<1xi32>
      %squeeze3A_832 = vector.extract %slice3A_831[0] : i32 from vector<1xi32>
      %shift_right_logical3A_833 = arith.constant 7 : i32
      %shift_right_logical3A_834 = arith.shrui %squeeze3A_832, %shift_right_logical3A_833 : i32
      %mul3A_835 = arith.constant 128 : i32
      %mul3A_836 = arith.muli %shift_right_logical3A_834, %mul3A_835 : i32
      %multiple_of3A_837 = tpu.assume_multiple %mul3A_836, 128 : i32
      %dma_start3A_838 = arith.constant 5 : i32
      %dma_start3A_839 = arith.constant 0 : i32
      %dma_start3A_840 = arith.constant 0 : i32
      %dma_start3A_841 = tpu.memref_slice %arg6[%dma_start3A_838, %dma_start3A_839, %dma_start3A_840] : memref<8x64x128xf32, #tpu.memory_space<vmem>> -> memref<1x32x128xf32, #tpu.memory_space<vmem>>
      %dma_start3A_842 = tpu.memref_squeeze %dma_start3A_841 : memref<1x32x128xf32, #tpu.memory_space<vmem>> -> memref<32x128xf32, #tpu.memory_space<vmem>>
      %dma_start3A_843 = arith.constant 0 : i32
      %dma_start3A_844 = tpu.memref_slice %arg3[%dma_start3A_843, %multiple_of3A_837] : memref<64x1000000xf32, #tpu.memory_space<hbm>> -> memref<32x128xf32, #tpu.memory_space<hbm>>
      %dma_start3A_845 = arith.constant 0 : i32
      %dma_start3A_846 = arith.constant 0 : i32
      %dma_start3A_847 = tpu.memref_slice %arg6[%dma_start3A_838, %dma_start3A_845, %dma_start3A_846] : memref<8x64x128xf32, #tpu.memory_space<vmem>> -> memref<1x32x128xf32, #tpu.memory_space<vmem>>
      %dma_start3A_848 = tpu.memref_squeeze %dma_start3A_847 : memref<1x32x128xf32, #tpu.memory_space<vmem>> -> memref<32x128xf32, #tpu.memory_space<vmem>>
      %dma_start3A_849 = arith.constant 0 : i32
      %dma_start3A_850 = tpu.memref_slice %arg3[%dma_start3A_849, %multiple_of3A_837] : memref<64x1000000xf32, #tpu.memory_space<hbm>> -> memref<32x128xf32, #tpu.memory_space<hbm>>
      tpu.enqueue_dma source(%dma_start3A_850 : memref<32x128xf32, #tpu.memory_space<hbm>>) target(%dma_start3A_848 : memref<32x128xf32, #tpu.memory_space<vmem>>) target_semaphore(%arg13 : memref<!tpu.dma_semaphore, #tpu.memory_space<semaphore_mem>>)
      %dma_start3A_851 = arith.constant 5 : i32
      %dma_start3A_852 = arith.constant 32 : i32
      %dma_start3A_853 = arith.constant 0 : i32
      %dma_start3A_854 = tpu.memref_slice %arg6[%dma_start3A_851, %dma_start3A_852, %dma_start3A_853] : memref<8x64x128xf32, #tpu.memory_space<vmem>> -> memref<1x32x128xf32, #tpu.memory_space<vmem>>
      %dma_start3A_855 = tpu.memref_squeeze %dma_start3A_854 : memref<1x32x128xf32, #tpu.memory_space<vmem>> -> memref<32x128xf32, #tpu.memory_space<vmem>>
      %dma_start3A_856 = arith.constant 32 : i32
      %dma_start3A_857 = tpu.memref_slice %arg3[%dma_start3A_856, %multiple_of3A_837] : memref<64x1000000xf32, #tpu.memory_space<hbm>> -> memref<32x128xf32, #tpu.memory_space<hbm>>
      %dma_start3A_858 = arith.constant 32 : i32
      %dma_start3A_859 = arith.constant 0 : i32
      %dma_start3A_860 = tpu.memref_slice %arg6[%dma_start3A_851, %dma_start3A_858, %dma_start3A_859] : memref<8x64x128xf32, #tpu.memory_space<vmem>> -> memref<1x32x128xf32, #tpu.memory_space<vmem>>
      %dma_start3A_861 = tpu.memref_squeeze %dma_start3A_860 : memref<1x32x128xf32, #tpu.memory_space<vmem>> -> memref<32x128xf32, #tpu.memory_space<vmem>>
      %dma_start3A_862 = arith.constant 32 : i32
      %dma_start3A_863 = tpu.memref_slice %arg3[%dma_start3A_862, %multiple_of3A_837] : memref<64x1000000xf32, #tpu.memory_space<hbm>> -> memref<32x128xf32, #tpu.memory_space<hbm>>
      tpu.enqueue_dma source(%dma_start3A_863 : memref<32x128xf32, #tpu.memory_space<hbm>>) target(%dma_start3A_861 : memref<32x128xf32, #tpu.memory_space<vmem>>) target_semaphore(%arg13 : memref<!tpu.dma_semaphore, #tpu.memory_space<semaphore_mem>>)
      %dma_wait3A_864 = arith.constant 6 : i32
      %dma_wait3A_865 = arith.constant 0 : i32
      %dma_wait3A_866 = arith.constant 0 : i32
      %dma_wait3A_867 = tpu.memref_slice %arg6[%dma_wait3A_864, %dma_wait3A_865, %dma_wait3A_866] : memref<8x64x128xf32, #tpu.memory_space<vmem>> -> memref<1x64x128xf32, #tpu.memory_space<vmem>>
      %dma_wait3A_868 = tpu.memref_squeeze %dma_wait3A_867 : memref<1x64x128xf32, #tpu.memory_space<vmem>> -> memref<64x128xf32, #tpu.memory_space<vmem>>
      %dma_wait3A_869 = arith.constant 0 : i32
      %dma_wait3A_870 = arith.constant 0 : i32
      %dma_wait3A_871 = tpu.memref_slice %arg3[%dma_wait3A_869, %dma_wait3A_870] : memref<64x1000000xf32, #tpu.memory_space<hbm>> -> memref<64x128xf32, #tpu.memory_space<hbm>>
      %dma_wait3A_872 = arith.constant 0 : i32
      %dma_wait3A_873 = arith.constant 0 : i32
      %dma_wait3A_874 = tpu.memref_slice %arg6[%dma_wait3A_864, %dma_wait3A_872, %dma_wait3A_873] : memref<8x64x128xf32, #tpu.memory_space<vmem>> -> memref<1x64x128xf32, #tpu.memory_space<vmem>>
      %dma_wait3A_875 = tpu.memref_squeeze %dma_wait3A_874 : memref<1x64x128xf32, #tpu.memory_space<vmem>> -> memref<64x128xf32, #tpu.memory_space<vmem>>
      %dma_wait3A_876 = arith.constant 0 : i32
      %dma_wait3A_877 = arith.constant 0 : i32
      %dma_wait3A_878 = tpu.memref_slice %arg3[%dma_wait3A_876, %dma_wait3A_877] : memref<64x1000000xf32, #tpu.memory_space<hbm>> -> memref<64x128xf32, #tpu.memory_space<hbm>>
      tpu.wait_dma2 semaphore(%arg14 : memref<!tpu.dma_semaphore, #tpu.memory_space<semaphore_mem>>) src(%dma_wait3A_878 : memref<64x128xf32, #tpu.memory_space<hbm>>) dst(%dma_wait3A_875 : memref<64x128xf32, #tpu.memory_space<vmem>>)
      %slice3A_879 = vector.extract_strided_slice %get3A_238 {offsets = [6], sizes = [1], strides = [1]} : vector<16xi32> to vector<1xi32>
      %squeeze3A_880 = vector.extract %slice3A_879[0] : i32 from vector<1xi32>
      %add3A_881 = arith.constant 6 : i32
      %add3A_882 = arith.addi %mul3A_258, %add3A_881 : i32
      %and3A_883 = arith.constant 127 : i32
      %and3A_884 = arith.andi %squeeze3A_880, %and3A_883 : i32
      %broadcast_in_dim3A_885 = vector.broadcast %and3A_884 : i32 to vector<16xi32>
      %broadcast_in_dim3A_886 = vector.broadcast %add3A_882 : i32 to vector<16xi32>
      %iota3A_887 = tpu.iota {dimensions = array<i32: 0>} : vector<16xi32>
      %add3A_888 = arith.constant 0 : i32
      %add3A_889 = vector.broadcast %add3A_888 : i32 to vector<16xi32>
      %add3A_890 = arith.addi %iota3A_887, %add3A_889 : vector<16xi32>
      %gather3A_891 = arith.constant 6 : i32
      %gather3A_892 = arith.constant 0 : i32
      %gather3A_893 = arith.constant 0 : i32
      %gather3A_894 = tpu.memref_slice %arg6[%gather3A_891, %gather3A_892, %gather3A_893] : memref<8x64x128xf32, #tpu.memory_space<vmem>> -> memref<1x64x128xf32, #tpu.memory_space<vmem>>
      %gather3A_895 = tpu.memref_squeeze %gather3A_894 : memref<1x64x128xf32, #tpu.memory_space<vmem>> -> memref<64x128xf32, #tpu.memory_space<vmem>>
      %gather3A_896 = tpu.vector_load_idx %gather3A_895[%add3A_890, %broadcast_in_dim3A_885] : memref<64x128xf32, #tpu.memory_space<vmem>>[vector<16xi32>, vector<16xi32>], vector<16xf32>,
      tpu.vector_store_idx %arg7[%add3A_890, %broadcast_in_dim3A_886], %gather3A_896 : memref<64x128xf32, #tpu.memory_space<vmem>>[vector<16xi32>, vector<16xi32>], vector<16xf32>,
      %iota3A_897 = tpu.iota {dimensions = array<i32: 0>} : vector<16xi32>
      %add3A_898 = arith.constant 16 : i32
      %add3A_899 = vector.broadcast %add3A_898 : i32 to vector<16xi32>
      %add3A_900 = arith.addi %iota3A_897, %add3A_899 : vector<16xi32>
      %gather3A_901 = arith.constant 6 : i32
      %gather3A_902 = arith.constant 0 : i32
      %gather3A_903 = arith.constant 0 : i32
      %gather3A_904 = tpu.memref_slice %arg6[%gather3A_901, %gather3A_902, %gather3A_903] : memref<8x64x128xf32, #tpu.memory_space<vmem>> -> memref<1x64x128xf32, #tpu.memory_space<vmem>>
      %gather3A_905 = tpu.memref_squeeze %gather3A_904 : memref<1x64x128xf32, #tpu.memory_space<vmem>> -> memref<64x128xf32, #tpu.memory_space<vmem>>
      %gather3A_906 = tpu.vector_load_idx %gather3A_905[%add3A_900, %broadcast_in_dim3A_885] : memref<64x128xf32, #tpu.memory_space<vmem>>[vector<16xi32>, vector<16xi32>], vector<16xf32>,
      tpu.vector_store_idx %arg7[%add3A_900, %broadcast_in_dim3A_886], %gather3A_906 : memref<64x128xf32, #tpu.memory_space<vmem>>[vector<16xi32>, vector<16xi32>], vector<16xf32>,
      %iota3A_907 = tpu.iota {dimensions = array<i32: 0>} : vector<16xi32>
      %add3A_908 = arith.constant 32 : i32
      %add3A_909 = vector.broadcast %add3A_908 : i32 to vector<16xi32>
      %add3A_910 = arith.addi %iota3A_907, %add3A_909 : vector<16xi32>
      %gather3A_911 = arith.constant 6 : i32
      %gather3A_912 = arith.constant 0 : i32
      %gather3A_913 = arith.constant 0 : i32
      %gather3A_914 = tpu.memref_slice %arg6[%gather3A_911, %gather3A_912, %gather3A_913] : memref<8x64x128xf32, #tpu.memory_space<vmem>> -> memref<1x64x128xf32, #tpu.memory_space<vmem>>
      %gather3A_915 = tpu.memref_squeeze %gather3A_914 : memref<1x64x128xf32, #tpu.memory_space<vmem>> -> memref<64x128xf32, #tpu.memory_space<vmem>>
      %gather3A_916 = tpu.vector_load_idx %gather3A_915[%add3A_910, %broadcast_in_dim3A_885] : memref<64x128xf32, #tpu.memory_space<vmem>>[vector<16xi32>, vector<16xi32>], vector<16xf32>,
      tpu.vector_store_idx %arg7[%add3A_910, %broadcast_in_dim3A_886], %gather3A_916 : memref<64x128xf32, #tpu.memory_space<vmem>>[vector<16xi32>, vector<16xi32>], vector<16xf32>,
      %iota3A_917 = tpu.iota {dimensions = array<i32: 0>} : vector<16xi32>
      %add3A_918 = arith.constant 48 : i32
      %add3A_919 = vector.broadcast %add3A_918 : i32 to vector<16xi32>
      %add3A_920 = arith.addi %iota3A_917, %add3A_919 : vector<16xi32>
      %gather3A_921 = arith.constant 6 : i32
      %gather3A_922 = arith.constant 0 : i32
      %gather3A_923 = arith.constant 0 : i32
      %gather3A_924 = tpu.memref_slice %arg6[%gather3A_921, %gather3A_922, %gather3A_923] : memref<8x64x128xf32, #tpu.memory_space<vmem>> -> memref<1x64x128xf32, #tpu.memory_space<vmem>>
      %gather3A_925 = tpu.memref_squeeze %gather3A_924 : memref<1x64x128xf32, #tpu.memory_space<vmem>> -> memref<64x128xf32, #tpu.memory_space<vmem>>
      %gather3A_926 = tpu.vector_load_idx %gather3A_925[%add3A_920, %broadcast_in_dim3A_885] : memref<64x128xf32, #tpu.memory_space<vmem>>[vector<16xi32>, vector<16xi32>], vector<16xf32>,
      tpu.vector_store_idx %arg7[%add3A_920, %broadcast_in_dim3A_886], %gather3A_926 : memref<64x128xf32, #tpu.memory_space<vmem>>[vector<16xi32>, vector<16xi32>], vector<16xf32>,
      %slice3A_927 = vector.extract_strided_slice %get3A_238 {offsets = [14], sizes = [1], strides = [1]} : vector<16xi32> to vector<1xi32>
      %squeeze3A_928 = vector.extract %slice3A_927[0] : i32 from vector<1xi32>
      %shift_right_logical3A_929 = arith.constant 7 : i32
      %shift_right_logical3A_930 = arith.shrui %squeeze3A_928, %shift_right_logical3A_929 : i32
      %mul3A_931 = arith.constant 128 : i32
      %mul3A_932 = arith.muli %shift_right_logical3A_930, %mul3A_931 : i32
      %multiple_of3A_933 = tpu.assume_multiple %mul3A_932, 128 : i32
      %dma_start3A_934 = arith.constant 6 : i32
      %dma_start3A_935 = arith.constant 0 : i32
      %dma_start3A_936 = arith.constant 0 : i32
      %dma_start3A_937 = tpu.memref_slice %arg6[%dma_start3A_934, %dma_start3A_935, %dma_start3A_936] : memref<8x64x128xf32, #tpu.memory_space<vmem>> -> memref<1x32x128xf32, #tpu.memory_space<vmem>>
      %dma_start3A_938 = tpu.memref_squeeze %dma_start3A_937 : memref<1x32x128xf32, #tpu.memory_space<vmem>> -> memref<32x128xf32, #tpu.memory_space<vmem>>
      %dma_start3A_939 = arith.constant 0 : i32
      %dma_start3A_940 = tpu.memref_slice %arg3[%dma_start3A_939, %multiple_of3A_933] : memref<64x1000000xf32, #tpu.memory_space<hbm>> -> memref<32x128xf32, #tpu.memory_space<hbm>>
      %dma_start3A_941 = arith.constant 0 : i32
      %dma_start3A_942 = arith.constant 0 : i32
      %dma_start3A_943 = tpu.memref_slice %arg6[%dma_start3A_934, %dma_start3A_941, %dma_start3A_942] : memref<8x64x128xf32, #tpu.memory_space<vmem>> -> memref<1x32x128xf32, #tpu.memory_space<vmem>>
      %dma_start3A_944 = tpu.memref_squeeze %dma_start3A_943 : memref<1x32x128xf32, #tpu.memory_space<vmem>> -> memref<32x128xf32, #tpu.memory_space<vmem>>
      %dma_start3A_945 = arith.constant 0 : i32
      %dma_start3A_946 = tpu.memref_slice %arg3[%dma_start3A_945, %multiple_of3A_933] : memref<64x1000000xf32, #tpu.memory_space<hbm>> -> memref<32x128xf32, #tpu.memory_space<hbm>>
      tpu.enqueue_dma source(%dma_start3A_946 : memref<32x128xf32, #tpu.memory_space<hbm>>) target(%dma_start3A_944 : memref<32x128xf32, #tpu.memory_space<vmem>>) target_semaphore(%arg14 : memref<!tpu.dma_semaphore, #tpu.memory_space<semaphore_mem>>)
      %dma_start3A_947 = arith.constant 6 : i32
      %dma_start3A_948 = arith.constant 32 : i32
      %dma_start3A_949 = arith.constant 0 : i32
      %dma_start3A_950 = tpu.memref_slice %arg6[%dma_start3A_947, %dma_start3A_948, %dma_start3A_949] : memref<8x64x128xf32, #tpu.memory_space<vmem>> -> memref<1x32x128xf32, #tpu.memory_space<vmem>>
      %dma_start3A_951 = tpu.memref_squeeze %dma_start3A_950 : memref<1x32x128xf32, #tpu.memory_space<vmem>> -> memref<32x128xf32, #tpu.memory_space<vmem>>
      %dma_start3A_952 = arith.constant 32 : i32
      %dma_start3A_953 = tpu.memref_slice %arg3[%dma_start3A_952, %multiple_of3A_933] : memref<64x1000000xf32, #tpu.memory_space<hbm>> -> memref<32x128xf32, #tpu.memory_space<hbm>>
      %dma_start3A_954 = arith.constant 32 : i32
      %dma_start3A_955 = arith.constant 0 : i32
      %dma_start3A_956 = tpu.memref_slice %arg6[%dma_start3A_947, %dma_start3A_954, %dma_start3A_955] : memref<8x64x128xf32, #tpu.memory_space<vmem>> -> memref<1x32x128xf32, #tpu.memory_space<vmem>>
      %dma_start3A_957 = tpu.memref_squeeze %dma_start3A_956 : memref<1x32x128xf32, #tpu.memory_space<vmem>> -> memref<32x128xf32, #tpu.memory_space<vmem>>
      %dma_start3A_958 = arith.constant 32 : i32
      %dma_start3A_959 = tpu.memref_slice %arg3[%dma_start3A_958, %multiple_of3A_933] : memref<64x1000000xf32, #tpu.memory_space<hbm>> -> memref<32x128xf32, #tpu.memory_space<hbm>>
      tpu.enqueue_dma source(%dma_start3A_959 : memref<32x128xf32, #tpu.memory_space<hbm>>) target(%dma_start3A_957 : memref<32x128xf32, #tpu.memory_space<vmem>>) target_semaphore(%arg14 : memref<!tpu.dma_semaphore, #tpu.memory_space<semaphore_mem>>)
      %dma_wait3A_960 = arith.constant 7 : i32
      %dma_wait3A_961 = arith.constant 0 : i32
      %dma_wait3A_962 = arith.constant 0 : i32
      %dma_wait3A_963 = tpu.memref_slice %arg6[%dma_wait3A_960, %dma_wait3A_961, %dma_wait3A_962] : memref<8x64x128xf32, #tpu.memory_space<vmem>> -> memref<1x64x128xf32, #tpu.memory_space<vmem>>
      %dma_wait3A_964 = tpu.memref_squeeze %dma_wait3A_963 : memref<1x64x128xf32, #tpu.memory_space<vmem>> -> memref<64x128xf32, #tpu.memory_space<vmem>>
      %dma_wait3A_965 = arith.constant 0 : i32
      %dma_wait3A_966 = arith.constant 0 : i32
      %dma_wait3A_967 = tpu.memref_slice %arg3[%dma_wait3A_965, %dma_wait3A_966] : memref<64x1000000xf32, #tpu.memory_space<hbm>> -> memref<64x128xf32, #tpu.memory_space<hbm>>
      %dma_wait3A_968 = arith.constant 0 : i32
      %dma_wait3A_969 = arith.constant 0 : i32
      %dma_wait3A_970 = tpu.memref_slice %arg6[%dma_wait3A_960, %dma_wait3A_968, %dma_wait3A_969] : memref<8x64x128xf32, #tpu.memory_space<vmem>> -> memref<1x64x128xf32, #tpu.memory_space<vmem>>
      %dma_wait3A_971 = tpu.memref_squeeze %dma_wait3A_970 : memref<1x64x128xf32, #tpu.memory_space<vmem>> -> memref<64x128xf32, #tpu.memory_space<vmem>>
      %dma_wait3A_972 = arith.constant 0 : i32
      %dma_wait3A_973 = arith.constant 0 : i32
      %dma_wait3A_974 = tpu.memref_slice %arg3[%dma_wait3A_972, %dma_wait3A_973] : memref<64x1000000xf32, #tpu.memory_space<hbm>> -> memref<64x128xf32, #tpu.memory_space<hbm>>
      tpu.wait_dma2 semaphore(%arg15 : memref<!tpu.dma_semaphore, #tpu.memory_space<semaphore_mem>>) src(%dma_wait3A_974 : memref<64x128xf32, #tpu.memory_space<hbm>>) dst(%dma_wait3A_971 : memref<64x128xf32, #tpu.memory_space<vmem>>)
      %slice3A_975 = vector.extract_strided_slice %get3A_238 {offsets = [7], sizes = [1], strides = [1]} : vector<16xi32> to vector<1xi32>
      %squeeze3A_976 = vector.extract %slice3A_975[0] : i32 from vector<1xi32>
      %add3A_977 = arith.constant 7 : i32
      %add3A_978 = arith.addi %mul3A_258, %add3A_977 : i32
      %and3A_979 = arith.constant 127 : i32
      %and3A_980 = arith.andi %squeeze3A_976, %and3A_979 : i32
      %broadcast_in_dim3A_981 = vector.broadcast %and3A_980 : i32 to vector<16xi32>
      %broadcast_in_dim3A_982 = vector.broadcast %add3A_978 : i32 to vector<16xi32>
      %iota3A_983 = tpu.iota {dimensions = array<i32: 0>} : vector<16xi32>
      %add3A_984 = arith.constant 0 : i32
      %add3A_985 = vector.broadcast %add3A_984 : i32 to vector<16xi32>
      %add3A_986 = arith.addi %iota3A_983, %add3A_985 : vector<16xi32>
      %gather3A_987 = arith.constant 7 : i32
      %gather3A_988 = arith.constant 0 : i32
      %gather3A_989 = arith.constant 0 : i32
      %gather3A_990 = tpu.memref_slice %arg6[%gather3A_987, %gather3A_988, %gather3A_989] : memref<8x64x128xf32, #tpu.memory_space<vmem>> -> memref<1x64x128xf32, #tpu.memory_space<vmem>>
      %gather3A_991 = tpu.memref_squeeze %gather3A_990 : memref<1x64x128xf32, #tpu.memory_space<vmem>> -> memref<64x128xf32, #tpu.memory_space<vmem>>
      %gather3A_992 = tpu.vector_load_idx %gather3A_991[%add3A_986, %broadcast_in_dim3A_981] : memref<64x128xf32, #tpu.memory_space<vmem>>[vector<16xi32>, vector<16xi32>], vector<16xf32>,
      tpu.vector_store_idx %arg7[%add3A_986, %broadcast_in_dim3A_982], %gather3A_992 : memref<64x128xf32, #tpu.memory_space<vmem>>[vector<16xi32>, vector<16xi32>], vector<16xf32>,
      %iota3A_993 = tpu.iota {dimensions = array<i32: 0>} : vector<16xi32>
      %add3A_994 = arith.constant 16 : i32
      %add3A_995 = vector.broadcast %add3A_994 : i32 to vector<16xi32>
      %add3A_996 = arith.addi %iota3A_993, %add3A_995 : vector<16xi32>
      %gather3A_997 = arith.constant 7 : i32
      %gather3A_998 = arith.constant 0 : i32
      %gather3A_999 = arith.constant 0 : i32
      %gather3A_1000 = tpu.memref_slice %arg6[%gather3A_997, %gather3A_998, %gather3A_999] : memref<8x64x128xf32, #tpu.memory_space<vmem>> -> memref<1x64x128xf32, #tpu.memory_space<vmem>>
      %gather3A_1001 = tpu.memref_squeeze %gather3A_1000 : memref<1x64x128xf32, #tpu.memory_space<vmem>> -> memref<64x128xf32, #tpu.memory_space<vmem>>
      %gather3A_1002 = tpu.vector_load_idx %gather3A_1001[%add3A_996, %broadcast_in_dim3A_981] : memref<64x128xf32, #tpu.memory_space<vmem>>[vector<16xi32>, vector<16xi32>], vector<16xf32>,
      tpu.vector_store_idx %arg7[%add3A_996, %broadcast_in_dim3A_982], %gather3A_1002 : memref<64x128xf32, #tpu.memory_space<vmem>>[vector<16xi32>, vector<16xi32>], vector<16xf32>,
      %iota3A_1003 = tpu.iota {dimensions = array<i32: 0>} : vector<16xi32>
      %add3A_1004 = arith.constant 32 : i32
      %add3A_1005 = vector.broadcast %add3A_1004 : i32 to vector<16xi32>
      %add3A_1006 = arith.addi %iota3A_1003, %add3A_1005 : vector<16xi32>
      %gather3A_1007 = arith.constant 7 : i32
      %gather3A_1008 = arith.constant 0 : i32
      %gather3A_1009 = arith.constant 0 : i32
      %gather3A_1010 = tpu.memref_slice %arg6[%gather3A_1007, %gather3A_1008, %gather3A_1009] : memref<8x64x128xf32, #tpu.memory_space<vmem>> -> memref<1x64x128xf32, #tpu.memory_space<vmem>>
      %gather3A_1011 = tpu.memref_squeeze %gather3A_1010 : memref<1x64x128xf32, #tpu.memory_space<vmem>> -> memref<64x128xf32, #tpu.memory_space<vmem>>
      %gather3A_1012 = tpu.vector_load_idx %gather3A_1011[%add3A_1006, %broadcast_in_dim3A_981] : memref<64x128xf32, #tpu.memory_space<vmem>>[vector<16xi32>, vector<16xi32>], vector<16xf32>,
      tpu.vector_store_idx %arg7[%add3A_1006, %broadcast_in_dim3A_982], %gather3A_1012 : memref<64x128xf32, #tpu.memory_space<vmem>>[vector<16xi32>, vector<16xi32>], vector<16xf32>,
      %iota3A_1013 = tpu.iota {dimensions = array<i32: 0>} : vector<16xi32>
      %add3A_1014 = arith.constant 48 : i32
      %add3A_1015 = vector.broadcast %add3A_1014 : i32 to vector<16xi32>
      %add3A_1016 = arith.addi %iota3A_1013, %add3A_1015 : vector<16xi32>
      %gather3A_1017 = arith.constant 7 : i32
      %gather3A_1018 = arith.constant 0 : i32
      %gather3A_1019 = arith.constant 0 : i32
      %gather3A_1020 = tpu.memref_slice %arg6[%gather3A_1017, %gather3A_1018, %gather3A_1019] : memref<8x64x128xf32, #tpu.memory_space<vmem>> -> memref<1x64x128xf32, #tpu.memory_space<vmem>>
      %gather3A_1021 = tpu.memref_squeeze %gather3A_1020 : memref<1x64x128xf32, #tpu.memory_space<vmem>> -> memref<64x128xf32, #tpu.memory_space<vmem>>
      %gather3A_1022 = tpu.vector_load_idx %gather3A_1021[%add3A_1016, %broadcast_in_dim3A_981] : memref<64x128xf32, #tpu.memory_space<vmem>>[vector<16xi32>, vector<16xi32>], vector<16xf32>,
      tpu.vector_store_idx %arg7[%add3A_1016, %broadcast_in_dim3A_982], %gather3A_1022 : memref<64x128xf32, #tpu.memory_space<vmem>>[vector<16xi32>, vector<16xi32>], vector<16xf32>,
      %slice3A_1023 = vector.extract_strided_slice %get3A_238 {offsets = [15], sizes = [1], strides = [1]} : vector<16xi32> to vector<1xi32>
      %squeeze3A_1024 = vector.extract %slice3A_1023[0] : i32 from vector<1xi32>
      %shift_right_logical3A_1025 = arith.constant 7 : i32
      %shift_right_logical3A_1026 = arith.shrui %squeeze3A_1024, %shift_right_logical3A_1025 : i32
      %mul3A_1027 = arith.constant 128 : i32
      %mul3A_1028 = arith.muli %shift_right_logical3A_1026, %mul3A_1027 : i32
      %multiple_of3A_1029 = tpu.assume_multiple %mul3A_1028, 128 : i32
      %dma_start3A_1030 = arith.constant 7 : i32
      %dma_start3A_1031 = arith.constant 0 : i32
      %dma_start3A_1032 = arith.constant 0 : i32
      %dma_start3A_1033 = tpu.memref_slice %arg6[%dma_start3A_1030, %dma_start3A_1031, %dma_start3A_1032] : memref<8x64x128xf32, #tpu.memory_space<vmem>> -> memref<1x32x128xf32, #tpu.memory_space<vmem>>
      %dma_start3A_1034 = tpu.memref_squeeze %dma_start3A_1033 : memref<1x32x128xf32, #tpu.memory_space<vmem>> -> memref<32x128xf32, #tpu.memory_space<vmem>>
      %dma_start3A_1035 = arith.constant 0 : i32
      %dma_start3A_1036 = tpu.memref_slice %arg3[%dma_start3A_1035, %multiple_of3A_1029] : memref<64x1000000xf32, #tpu.memory_space<hbm>> -> memref<32x128xf32, #tpu.memory_space<hbm>>
      %dma_start3A_1037 = arith.constant 0 : i32
      %dma_start3A_1038 = arith.constant 0 : i32
      %dma_start3A_1039 = tpu.memref_slice %arg6[%dma_start3A_1030, %dma_start3A_1037, %dma_start3A_1038] : memref<8x64x128xf32, #tpu.memory_space<vmem>> -> memref<1x32x128xf32, #tpu.memory_space<vmem>>
      %dma_start3A_1040 = tpu.memref_squeeze %dma_start3A_1039 : memref<1x32x128xf32, #tpu.memory_space<vmem>> -> memref<32x128xf32, #tpu.memory_space<vmem>>
      %dma_start3A_1041 = arith.constant 0 : i32
      %dma_start3A_1042 = tpu.memref_slice %arg3[%dma_start3A_1041, %multiple_of3A_1029] : memref<64x1000000xf32, #tpu.memory_space<hbm>> -> memref<32x128xf32, #tpu.memory_space<hbm>>
      tpu.enqueue_dma source(%dma_start3A_1042 : memref<32x128xf32, #tpu.memory_space<hbm>>) target(%dma_start3A_1040 : memref<32x128xf32, #tpu.memory_space<vmem>>) target_semaphore(%arg15 : memref<!tpu.dma_semaphore, #tpu.memory_space<semaphore_mem>>)
      %dma_start3A_1043 = arith.constant 7 : i32
      %dma_start3A_1044 = arith.constant 32 : i32
      %dma_start3A_1045 = arith.constant 0 : i32
      %dma_start3A_1046 = tpu.memref_slice %arg6[%dma_start3A_1043, %dma_start3A_1044, %dma_start3A_1045] : memref<8x64x128xf32, #tpu.memory_space<vmem>> -> memref<1x32x128xf32, #tpu.memory_space<vmem>>
      %dma_start3A_1047 = tpu.memref_squeeze %dma_start3A_1046 : memref<1x32x128xf32, #tpu.memory_space<vmem>> -> memref<32x128xf32, #tpu.memory_space<vmem>>
      %dma_start3A_1048 = arith.constant 32 : i32
      %dma_start3A_1049 = tpu.memref_slice %arg3[%dma_start3A_1048, %multiple_of3A_1029] : memref<64x1000000xf32, #tpu.memory_space<hbm>> -> memref<32x128xf32, #tpu.memory_space<hbm>>
      %dma_start3A_1050 = arith.constant 32 : i32
      %dma_start3A_1051 = arith.constant 0 : i32
      %dma_start3A_1052 = tpu.memref_slice %arg6[%dma_start3A_1043, %dma_start3A_1050, %dma_start3A_1051] : memref<8x64x128xf32, #tpu.memory_space<vmem>> -> memref<1x32x128xf32, #tpu.memory_space<vmem>>
      %dma_start3A_1053 = tpu.memref_squeeze %dma_start3A_1052 : memref<1x32x128xf32, #tpu.memory_space<vmem>> -> memref<32x128xf32, #tpu.memory_space<vmem>>
      %dma_start3A_1054 = arith.constant 32 : i32
      %dma_start3A_1055 = tpu.memref_slice %arg3[%dma_start3A_1054, %multiple_of3A_1029] : memref<64x1000000xf32, #tpu.memory_space<hbm>> -> memref<32x128xf32, #tpu.memory_space<hbm>>
      tpu.enqueue_dma source(%dma_start3A_1055 : memref<32x128xf32, #tpu.memory_space<hbm>>) target(%dma_start3A_1053 : memref<32x128xf32, #tpu.memory_space<vmem>>) target_semaphore(%arg15 : memref<!tpu.dma_semaphore, #tpu.memory_space<semaphore_mem>>)
      %dma_wait3A_1056 = arith.constant 0 : i32
      %dma_wait3A_1057 = arith.constant 0 : i32
      %dma_wait3A_1058 = arith.constant 0 : i32
      %dma_wait3A_1059 = tpu.memref_slice %arg6[%dma_wait3A_1056, %dma_wait3A_1057, %dma_wait3A_1058] : memref<8x64x128xf32, #tpu.memory_space<vmem>> -> memref<1x64x128xf32, #tpu.memory_space<vmem>>
      %dma_wait3A_1060 = tpu.memref_squeeze %dma_wait3A_1059 : memref<1x64x128xf32, #tpu.memory_space<vmem>> -> memref<64x128xf32, #tpu.memory_space<vmem>>
      %dma_wait3A_1061 = arith.constant 0 : i32
      %dma_wait3A_1062 = arith.constant 0 : i32
      %dma_wait3A_1063 = tpu.memref_slice %arg3[%dma_wait3A_1061, %dma_wait3A_1062] : memref<64x1000000xf32, #tpu.memory_space<hbm>> -> memref<64x128xf32, #tpu.memory_space<hbm>>
      %dma_wait3A_1064 = arith.constant 0 : i32
      %dma_wait3A_1065 = arith.constant 0 : i32
      %dma_wait3A_1066 = tpu.memref_slice %arg6[%dma_wait3A_1056, %dma_wait3A_1064, %dma_wait3A_1065] : memref<8x64x128xf32, #tpu.memory_space<vmem>> -> memref<1x64x128xf32, #tpu.memory_space<vmem>>
      %dma_wait3A_1067 = tpu.memref_squeeze %dma_wait3A_1066 : memref<1x64x128xf32, #tpu.memory_space<vmem>> -> memref<64x128xf32, #tpu.memory_space<vmem>>
      %dma_wait3A_1068 = arith.constant 0 : i32
      %dma_wait3A_1069 = arith.constant 0 : i32
      %dma_wait3A_1070 = tpu.memref_slice %arg3[%dma_wait3A_1068, %dma_wait3A_1069] : memref<64x1000000xf32, #tpu.memory_space<hbm>> -> memref<64x128xf32, #tpu.memory_space<hbm>>
      tpu.wait_dma2 semaphore(%arg8 : memref<!tpu.dma_semaphore, #tpu.memory_space<semaphore_mem>>) src(%dma_wait3A_1070 : memref<64x128xf32, #tpu.memory_space<hbm>>) dst(%dma_wait3A_1067 : memref<64x128xf32, #tpu.memory_space<vmem>>)
      %slice3A_1071 = vector.extract_strided_slice %get3A_238 {offsets = [8], sizes = [1], strides = [1]} : vector<16xi32> to vector<1xi32>
      %squeeze3A_1072 = vector.extract %slice3A_1071[0] : i32 from vector<1xi32>
      %add3A_1073 = arith.constant 8 : i32
      %add3A_1074 = arith.addi %mul3A_258, %add3A_1073 : i32
      %and3A_1075 = arith.constant 127 : i32
      %and3A_1076 = arith.andi %squeeze3A_1072, %and3A_1075 : i32
      %broadcast_in_dim3A_1077 = vector.broadcast %and3A_1076 : i32 to vector<16xi32>
      %broadcast_in_dim3A_1078 = vector.broadcast %add3A_1074 : i32 to vector<16xi32>
      %iota3A_1079 = tpu.iota {dimensions = array<i32: 0>} : vector<16xi32>
      %add3A_1080 = arith.constant 0 : i32
      %add3A_1081 = vector.broadcast %add3A_1080 : i32 to vector<16xi32>
      %add3A_1082 = arith.addi %iota3A_1079, %add3A_1081 : vector<16xi32>
      %gather3A_1083 = arith.constant 0 : i32
      %gather3A_1084 = arith.constant 0 : i32
      %gather3A_1085 = arith.constant 0 : i32
      %gather3A_1086 = tpu.memref_slice %arg6[%gather3A_1083, %gather3A_1084, %gather3A_1085] : memref<8x64x128xf32, #tpu.memory_space<vmem>> -> memref<1x64x128xf32, #tpu.memory_space<vmem>>
      %gather3A_1087 = tpu.memref_squeeze %gather3A_1086 : memref<1x64x128xf32, #tpu.memory_space<vmem>> -> memref<64x128xf32, #tpu.memory_space<vmem>>
      %gather3A_1088 = tpu.vector_load_idx %gather3A_1087[%add3A_1082, %broadcast_in_dim3A_1077] : memref<64x128xf32, #tpu.memory_space<vmem>>[vector<16xi32>, vector<16xi32>], vector<16xf32>,
      tpu.vector_store_idx %arg7[%add3A_1082, %broadcast_in_dim3A_1078], %gather3A_1088 : memref<64x128xf32, #tpu.memory_space<vmem>>[vector<16xi32>, vector<16xi32>], vector<16xf32>,
      %iota3A_1089 = tpu.iota {dimensions = array<i32: 0>} : vector<16xi32>
      %add3A_1090 = arith.constant 16 : i32
      %add3A_1091 = vector.broadcast %add3A_1090 : i32 to vector<16xi32>
      %add3A_1092 = arith.addi %iota3A_1089, %add3A_1091 : vector<16xi32>
      %gather3A_1093 = arith.constant 0 : i32
      %gather3A_1094 = arith.constant 0 : i32
      %gather3A_1095 = arith.constant 0 : i32
      %gather3A_1096 = tpu.memref_slice %arg6[%gather3A_1093, %gather3A_1094, %gather3A_1095] : memref<8x64x128xf32, #tpu.memory_space<vmem>> -> memref<1x64x128xf32, #tpu.memory_space<vmem>>
      %gather3A_1097 = tpu.memref_squeeze %gather3A_1096 : memref<1x64x128xf32, #tpu.memory_space<vmem>> -> memref<64x128xf32, #tpu.memory_space<vmem>>
      %gather3A_1098 = tpu.vector_load_idx %gather3A_1097[%add3A_1092, %broadcast_in_dim3A_1077] : memref<64x128xf32, #tpu.memory_space<vmem>>[vector<16xi32>, vector<16xi32>], vector<16xf32>,
      tpu.vector_store_idx %arg7[%add3A_1092, %broadcast_in_dim3A_1078], %gather3A_1098 : memref<64x128xf32, #tpu.memory_space<vmem>>[vector<16xi32>, vector<16xi32>], vector<16xf32>,
      %iota3A_1099 = tpu.iota {dimensions = array<i32: 0>} : vector<16xi32>
      %add3A_1100 = arith.constant 32 : i32
      %add3A_1101 = vector.broadcast %add3A_1100 : i32 to vector<16xi32>
      %add3A_1102 = arith.addi %iota3A_1099, %add3A_1101 : vector<16xi32>
      %gather3A_1103 = arith.constant 0 : i32
      %gather3A_1104 = arith.constant 0 : i32
      %gather3A_1105 = arith.constant 0 : i32
      %gather3A_1106 = tpu.memref_slice %arg6[%gather3A_1103, %gather3A_1104, %gather3A_1105] : memref<8x64x128xf32, #tpu.memory_space<vmem>> -> memref<1x64x128xf32, #tpu.memory_space<vmem>>
      %gather3A_1107 = tpu.memref_squeeze %gather3A_1106 : memref<1x64x128xf32, #tpu.memory_space<vmem>> -> memref<64x128xf32, #tpu.memory_space<vmem>>
      %gather3A_1108 = tpu.vector_load_idx %gather3A_1107[%add3A_1102, %broadcast_in_dim3A_1077] : memref<64x128xf32, #tpu.memory_space<vmem>>[vector<16xi32>, vector<16xi32>], vector<16xf32>,
      tpu.vector_store_idx %arg7[%add3A_1102, %broadcast_in_dim3A_1078], %gather3A_1108 : memref<64x128xf32, #tpu.memory_space<vmem>>[vector<16xi32>, vector<16xi32>], vector<16xf32>,
      %iota3A_1109 = tpu.iota {dimensions = array<i32: 0>} : vector<16xi32>
      %add3A_1110 = arith.constant 48 : i32
      %add3A_1111 = vector.broadcast %add3A_1110 : i32 to vector<16xi32>
      %add3A_1112 = arith.addi %iota3A_1109, %add3A_1111 : vector<16xi32>
      %gather3A_1113 = arith.constant 0 : i32
      %gather3A_1114 = arith.constant 0 : i32
      %gather3A_1115 = arith.constant 0 : i32
      %gather3A_1116 = tpu.memref_slice %arg6[%gather3A_1113, %gather3A_1114, %gather3A_1115] : memref<8x64x128xf32, #tpu.memory_space<vmem>> -> memref<1x64x128xf32, #tpu.memory_space<vmem>>
      %gather3A_1117 = tpu.memref_squeeze %gather3A_1116 : memref<1x64x128xf32, #tpu.memory_space<vmem>> -> memref<64x128xf32, #tpu.memory_space<vmem>>
      %gather3A_1118 = tpu.vector_load_idx %gather3A_1117[%add3A_1112, %broadcast_in_dim3A_1077] : memref<64x128xf32, #tpu.memory_space<vmem>>[vector<16xi32>, vector<16xi32>], vector<16xf32>,
      tpu.vector_store_idx %arg7[%add3A_1112, %broadcast_in_dim3A_1078], %gather3A_1118 : memref<64x128xf32, #tpu.memory_space<vmem>>[vector<16xi32>, vector<16xi32>], vector<16xf32>,
      %convert_element_type3A = arith.extui %lt3A_246 : i1 to i32
      %cond3A = arith.constant 0 : i32
      %cond3A_1119 = arith.cmpi ne, %convert_element_type3A, %cond3A : i32
      scf.if %cond3A_1119 {
        %slice3A_1600 = vector.extract_strided_slice %get3A_245 {offsets = [0], sizes = [1], strides = [1]} : vector<16xi32> to vector<1xi32>
        %squeeze3A_1601 = vector.extract %slice3A_1600[0] : i32 from vector<1xi32>
        %shift_right_logical3A_1602 = arith.constant 7 : i32
        %shift_right_logical3A_1603 = arith.shrui %squeeze3A_1601, %shift_right_logical3A_1602 : i32
        %mul3A_1604 = arith.constant 128 : i32
        %mul3A_1605 = arith.muli %shift_right_logical3A_1603, %mul3A_1604 : i32
        %multiple_of3A_1606 = tpu.assume_multiple %mul3A_1605, 128 : i32
        %dma_start3A_1607 = arith.constant 0 : i32
        %dma_start3A_1608 = arith.constant 0 : i32
        %dma_start3A_1609 = arith.constant 0 : i32
        %dma_start3A_1610 = tpu.memref_slice %arg6[%dma_start3A_1607, %dma_start3A_1608, %dma_start3A_1609] : memref<8x64x128xf32, #tpu.memory_space<vmem>> -> memref<1x32x128xf32, #tpu.memory_space<vmem>>
        %dma_start3A_1611 = tpu.memref_squeeze %dma_start3A_1610 : memref<1x32x128xf32, #tpu.memory_space<vmem>> -> memref<32x128xf32, #tpu.memory_space<vmem>>
        %dma_start3A_1612 = arith.constant 0 : i32
        %dma_start3A_1613 = tpu.memref_slice %arg3[%dma_start3A_1612, %multiple_of3A_1606] : memref<64x1000000xf32, #tpu.memory_space<hbm>> -> memref<32x128xf32, #tpu.memory_space<hbm>>
        %dma_start3A_1614 = arith.constant 0 : i32
        %dma_start3A_1615 = arith.constant 0 : i32
        %dma_start3A_1616 = tpu.memref_slice %arg6[%dma_start3A_1607, %dma_start3A_1614, %dma_start3A_1615] : memref<8x64x128xf32, #tpu.memory_space<vmem>> -> memref<1x32x128xf32, #tpu.memory_space<vmem>>
        %dma_start3A_1617 = tpu.memref_squeeze %dma_start3A_1616 : memref<1x32x128xf32, #tpu.memory_space<vmem>> -> memref<32x128xf32, #tpu.memory_space<vmem>>
        %dma_start3A_1618 = arith.constant 0 : i32
        %dma_start3A_1619 = tpu.memref_slice %arg3[%dma_start3A_1618, %multiple_of3A_1606] : memref<64x1000000xf32, #tpu.memory_space<hbm>> -> memref<32x128xf32, #tpu.memory_space<hbm>>
        tpu.enqueue_dma source(%dma_start3A_1619 : memref<32x128xf32, #tpu.memory_space<hbm>>) target(%dma_start3A_1617 : memref<32x128xf32, #tpu.memory_space<vmem>>) target_semaphore(%arg8 : memref<!tpu.dma_semaphore, #tpu.memory_space<semaphore_mem>>)
        %dma_start3A_1620 = arith.constant 0 : i32
        %dma_start3A_1621 = arith.constant 32 : i32
        %dma_start3A_1622 = arith.constant 0 : i32
        %dma_start3A_1623 = tpu.memref_slice %arg6[%dma_start3A_1620, %dma_start3A_1621, %dma_start3A_1622] : memref<8x64x128xf32, #tpu.memory_space<vmem>> -> memref<1x32x128xf32, #tpu.memory_space<vmem>>
        %dma_start3A_1624 = tpu.memref_squeeze %dma_start3A_1623 : memref<1x32x128xf32, #tpu.memory_space<vmem>> -> memref<32x128xf32, #tpu.memory_space<vmem>>
        %dma_start3A_1625 = arith.constant 32 : i32
        %dma_start3A_1626 = tpu.memref_slice %arg3[%dma_start3A_1625, %multiple_of3A_1606] : memref<64x1000000xf32, #tpu.memory_space<hbm>> -> memref<32x128xf32, #tpu.memory_space<hbm>>
        %dma_start3A_1627 = arith.constant 32 : i32
        %dma_start3A_1628 = arith.constant 0 : i32
        %dma_start3A_1629 = tpu.memref_slice %arg6[%dma_start3A_1620, %dma_start3A_1627, %dma_start3A_1628] : memref<8x64x128xf32, #tpu.memory_space<vmem>> -> memref<1x32x128xf32, #tpu.memory_space<vmem>>
        %dma_start3A_1630 = tpu.memref_squeeze %dma_start3A_1629 : memref<1x32x128xf32, #tpu.memory_space<vmem>> -> memref<32x128xf32, #tpu.memory_space<vmem>>
        %dma_start3A_1631 = arith.constant 32 : i32
        %dma_start3A_1632 = tpu.memref_slice %arg3[%dma_start3A_1631, %multiple_of3A_1606] : memref<64x1000000xf32, #tpu.memory_space<hbm>> -> memref<32x128xf32, #tpu.memory_space<hbm>>
        tpu.enqueue_dma source(%dma_start3A_1632 : memref<32x128xf32, #tpu.memory_space<hbm>>) target(%dma_start3A_1630 : memref<32x128xf32, #tpu.memory_space<vmem>>) target_semaphore(%arg8 : memref<!tpu.dma_semaphore, #tpu.memory_space<semaphore_mem>>)
      } else {
      }
      %dma_wait3A_1120 = arith.constant 1 : i32
      %dma_wait3A_1121 = arith.constant 0 : i32
      %dma_wait3A_1122 = arith.constant 0 : i32
      %dma_wait3A_1123 = tpu.memref_slice %arg6[%dma_wait3A_1120, %dma_wait3A_1121, %dma_wait3A_1122] : memref<8x64x128xf32, #tpu.memory_space<vmem>> -> memref<1x64x128xf32, #tpu.memory_space<vmem>>
      %dma_wait3A_1124 = tpu.memref_squeeze %dma_wait3A_1123 : memref<1x64x128xf32, #tpu.memory_space<vmem>> -> memref<64x128xf32, #tpu.memory_space<vmem>>
      %dma_wait3A_1125 = arith.constant 0 : i32
      %dma_wait3A_1126 = arith.constant 0 : i32
      %dma_wait3A_1127 = tpu.memref_slice %arg3[%dma_wait3A_1125, %dma_wait3A_1126] : memref<64x1000000xf32, #tpu.memory_space<hbm>> -> memref<64x128xf32, #tpu.memory_space<hbm>>
      %dma_wait3A_1128 = arith.constant 0 : i32
      %dma_wait3A_1129 = arith.constant 0 : i32
      %dma_wait3A_1130 = tpu.memref_slice %arg6[%dma_wait3A_1120, %dma_wait3A_1128, %dma_wait3A_1129] : memref<8x64x128xf32, #tpu.memory_space<vmem>> -> memref<1x64x128xf32, #tpu.memory_space<vmem>>
      %dma_wait3A_1131 = tpu.memref_squeeze %dma_wait3A_1130 : memref<1x64x128xf32, #tpu.memory_space<vmem>> -> memref<64x128xf32, #tpu.memory_space<vmem>>
      %dma_wait3A_1132 = arith.constant 0 : i32
      %dma_wait3A_1133 = arith.constant 0 : i32
      %dma_wait3A_1134 = tpu.memref_slice %arg3[%dma_wait3A_1132, %dma_wait3A_1133] : memref<64x1000000xf32, #tpu.memory_space<hbm>> -> memref<64x128xf32, #tpu.memory_space<hbm>>
      tpu.wait_dma2 semaphore(%arg9 : memref<!tpu.dma_semaphore, #tpu.memory_space<semaphore_mem>>) src(%dma_wait3A_1134 : memref<64x128xf32, #tpu.memory_space<hbm>>) dst(%dma_wait3A_1131 : memref<64x128xf32, #tpu.memory_space<vmem>>)
      %slice3A_1135 = vector.extract_strided_slice %get3A_238 {offsets = [9], sizes = [1], strides = [1]} : vector<16xi32> to vector<1xi32>
      %squeeze3A_1136 = vector.extract %slice3A_1135[0] : i32 from vector<1xi32>
      %add3A_1137 = arith.constant 9 : i32
      %add3A_1138 = arith.addi %mul3A_258, %add3A_1137 : i32
      %and3A_1139 = arith.constant 127 : i32
      %and3A_1140 = arith.andi %squeeze3A_1136, %and3A_1139 : i32
      %broadcast_in_dim3A_1141 = vector.broadcast %and3A_1140 : i32 to vector<16xi32>
      %broadcast_in_dim3A_1142 = vector.broadcast %add3A_1138 : i32 to vector<16xi32>
      %iota3A_1143 = tpu.iota {dimensions = array<i32: 0>} : vector<16xi32>
      %add3A_1144 = arith.constant 0 : i32
      %add3A_1145 = vector.broadcast %add3A_1144 : i32 to vector<16xi32>
      %add3A_1146 = arith.addi %iota3A_1143, %add3A_1145 : vector<16xi32>
      %gather3A_1147 = arith.constant 1 : i32
      %gather3A_1148 = arith.constant 0 : i32
      %gather3A_1149 = arith.constant 0 : i32
      %gather3A_1150 = tpu.memref_slice %arg6[%gather3A_1147, %gather3A_1148, %gather3A_1149] : memref<8x64x128xf32, #tpu.memory_space<vmem>> -> memref<1x64x128xf32, #tpu.memory_space<vmem>>
      %gather3A_1151 = tpu.memref_squeeze %gather3A_1150 : memref<1x64x128xf32, #tpu.memory_space<vmem>> -> memref<64x128xf32, #tpu.memory_space<vmem>>
      %gather3A_1152 = tpu.vector_load_idx %gather3A_1151[%add3A_1146, %broadcast_in_dim3A_1141] : memref<64x128xf32, #tpu.memory_space<vmem>>[vector<16xi32>, vector<16xi32>], vector<16xf32>,
      tpu.vector_store_idx %arg7[%add3A_1146, %broadcast_in_dim3A_1142], %gather3A_1152 : memref<64x128xf32, #tpu.memory_space<vmem>>[vector<16xi32>, vector<16xi32>], vector<16xf32>,
      %iota3A_1153 = tpu.iota {dimensions = array<i32: 0>} : vector<16xi32>
      %add3A_1154 = arith.constant 16 : i32
      %add3A_1155 = vector.broadcast %add3A_1154 : i32 to vector<16xi32>
      %add3A_1156 = arith.addi %iota3A_1153, %add3A_1155 : vector<16xi32>
      %gather3A_1157 = arith.constant 1 : i32
      %gather3A_1158 = arith.constant 0 : i32
      %gather3A_1159 = arith.constant 0 : i32
      %gather3A_1160 = tpu.memref_slice %arg6[%gather3A_1157, %gather3A_1158, %gather3A_1159] : memref<8x64x128xf32, #tpu.memory_space<vmem>> -> memref<1x64x128xf32, #tpu.memory_space<vmem>>
      %gather3A_1161 = tpu.memref_squeeze %gather3A_1160 : memref<1x64x128xf32, #tpu.memory_space<vmem>> -> memref<64x128xf32, #tpu.memory_space<vmem>>
      %gather3A_1162 = tpu.vector_load_idx %gather3A_1161[%add3A_1156, %broadcast_in_dim3A_1141] : memref<64x128xf32, #tpu.memory_space<vmem>>[vector<16xi32>, vector<16xi32>], vector<16xf32>,
      tpu.vector_store_idx %arg7[%add3A_1156, %broadcast_in_dim3A_1142], %gather3A_1162 : memref<64x128xf32, #tpu.memory_space<vmem>>[vector<16xi32>, vector<16xi32>], vector<16xf32>,
      %iota3A_1163 = tpu.iota {dimensions = array<i32: 0>} : vector<16xi32>
      %add3A_1164 = arith.constant 32 : i32
      %add3A_1165 = vector.broadcast %add3A_1164 : i32 to vector<16xi32>
      %add3A_1166 = arith.addi %iota3A_1163, %add3A_1165 : vector<16xi32>
      %gather3A_1167 = arith.constant 1 : i32
      %gather3A_1168 = arith.constant 0 : i32
      %gather3A_1169 = arith.constant 0 : i32
      %gather3A_1170 = tpu.memref_slice %arg6[%gather3A_1167, %gather3A_1168, %gather3A_1169] : memref<8x64x128xf32, #tpu.memory_space<vmem>> -> memref<1x64x128xf32, #tpu.memory_space<vmem>>
      %gather3A_1171 = tpu.memref_squeeze %gather3A_1170 : memref<1x64x128xf32, #tpu.memory_space<vmem>> -> memref<64x128xf32, #tpu.memory_space<vmem>>
      %gather3A_1172 = tpu.vector_load_idx %gather3A_1171[%add3A_1166, %broadcast_in_dim3A_1141] : memref<64x128xf32, #tpu.memory_space<vmem>>[vector<16xi32>, vector<16xi32>], vector<16xf32>,
      tpu.vector_store_idx %arg7[%add3A_1166, %broadcast_in_dim3A_1142], %gather3A_1172 : memref<64x128xf32, #tpu.memory_space<vmem>>[vector<16xi32>, vector<16xi32>], vector<16xf32>,
      %iota3A_1173 = tpu.iota {dimensions = array<i32: 0>} : vector<16xi32>
      %add3A_1174 = arith.constant 48 : i32
      %add3A_1175 = vector.broadcast %add3A_1174 : i32 to vector<16xi32>
      %add3A_1176 = arith.addi %iota3A_1173, %add3A_1175 : vector<16xi32>
      %gather3A_1177 = arith.constant 1 : i32
      %gather3A_1178 = arith.constant 0 : i32
      %gather3A_1179 = arith.constant 0 : i32
      %gather3A_1180 = tpu.memref_slice %arg6[%gather3A_1177, %gather3A_1178, %gather3A_1179] : memref<8x64x128xf32, #tpu.memory_space<vmem>> -> memref<1x64x128xf32, #tpu.memory_space<vmem>>
      %gather3A_1181 = tpu.memref_squeeze %gather3A_1180 : memref<1x64x128xf32, #tpu.memory_space<vmem>> -> memref<64x128xf32, #tpu.memory_space<vmem>>
      %gather3A_1182 = tpu.vector_load_idx %gather3A_1181[%add3A_1176, %broadcast_in_dim3A_1141] : memref<64x128xf32, #tpu.memory_space<vmem>>[vector<16xi32>, vector<16xi32>], vector<16xf32>,
      tpu.vector_store_idx %arg7[%add3A_1176, %broadcast_in_dim3A_1142], %gather3A_1182 : memref<64x128xf32, #tpu.memory_space<vmem>>[vector<16xi32>, vector<16xi32>], vector<16xf32>,
      %convert_element_type3A_1183 = arith.extui %lt3A_246 : i1 to i32
      %cond3A_1184 = arith.constant 0 : i32
      %cond3A_1185 = arith.cmpi ne, %convert_element_type3A_1183, %cond3A_1184 : i32
      scf.if %cond3A_1185 {
        %slice3A_1600 = vector.extract_strided_slice %get3A_245 {offsets = [1], sizes = [1], strides = [1]} : vector<16xi32> to vector<1xi32>
        %squeeze3A_1601 = vector.extract %slice3A_1600[0] : i32 from vector<1xi32>
        %shift_right_logical3A_1602 = arith.constant 7 : i32
        %shift_right_logical3A_1603 = arith.shrui %squeeze3A_1601, %shift_right_logical3A_1602 : i32
        %mul3A_1604 = arith.constant 128 : i32
        %mul3A_1605 = arith.muli %shift_right_logical3A_1603, %mul3A_1604 : i32
        %multiple_of3A_1606 = tpu.assume_multiple %mul3A_1605, 128 : i32
        %dma_start3A_1607 = arith.constant 1 : i32
        %dma_start3A_1608 = arith.constant 0 : i32
        %dma_start3A_1609 = arith.constant 0 : i32
        %dma_start3A_1610 = tpu.memref_slice %arg6[%dma_start3A_1607, %dma_start3A_1608, %dma_start3A_1609] : memref<8x64x128xf32, #tpu.memory_space<vmem>> -> memref<1x32x128xf32, #tpu.memory_space<vmem>>
        %dma_start3A_1611 = tpu.memref_squeeze %dma_start3A_1610 : memref<1x32x128xf32, #tpu.memory_space<vmem>> -> memref<32x128xf32, #tpu.memory_space<vmem>>
        %dma_start3A_1612 = arith.constant 0 : i32
        %dma_start3A_1613 = tpu.memref_slice %arg3[%dma_start3A_1612, %multiple_of3A_1606] : memref<64x1000000xf32, #tpu.memory_space<hbm>> -> memref<32x128xf32, #tpu.memory_space<hbm>>
        %dma_start3A_1614 = arith.constant 0 : i32
        %dma_start3A_1615 = arith.constant 0 : i32
        %dma_start3A_1616 = tpu.memref_slice %arg6[%dma_start3A_1607, %dma_start3A_1614, %dma_start3A_1615] : memref<8x64x128xf32, #tpu.memory_space<vmem>> -> memref<1x32x128xf32, #tpu.memory_space<vmem>>
        %dma_start3A_1617 = tpu.memref_squeeze %dma_start3A_1616 : memref<1x32x128xf32, #tpu.memory_space<vmem>> -> memref<32x128xf32, #tpu.memory_space<vmem>>
        %dma_start3A_1618 = arith.constant 0 : i32
        %dma_start3A_1619 = tpu.memref_slice %arg3[%dma_start3A_1618, %multiple_of3A_1606] : memref<64x1000000xf32, #tpu.memory_space<hbm>> -> memref<32x128xf32, #tpu.memory_space<hbm>>
        tpu.enqueue_dma source(%dma_start3A_1619 : memref<32x128xf32, #tpu.memory_space<hbm>>) target(%dma_start3A_1617 : memref<32x128xf32, #tpu.memory_space<vmem>>) target_semaphore(%arg9 : memref<!tpu.dma_semaphore, #tpu.memory_space<semaphore_mem>>)
        %dma_start3A_1620 = arith.constant 1 : i32
        %dma_start3A_1621 = arith.constant 32 : i32
        %dma_start3A_1622 = arith.constant 0 : i32
        %dma_start3A_1623 = tpu.memref_slice %arg6[%dma_start3A_1620, %dma_start3A_1621, %dma_start3A_1622] : memref<8x64x128xf32, #tpu.memory_space<vmem>> -> memref<1x32x128xf32, #tpu.memory_space<vmem>>
        %dma_start3A_1624 = tpu.memref_squeeze %dma_start3A_1623 : memref<1x32x128xf32, #tpu.memory_space<vmem>> -> memref<32x128xf32, #tpu.memory_space<vmem>>
        %dma_start3A_1625 = arith.constant 32 : i32
        %dma_start3A_1626 = tpu.memref_slice %arg3[%dma_start3A_1625, %multiple_of3A_1606] : memref<64x1000000xf32, #tpu.memory_space<hbm>> -> memref<32x128xf32, #tpu.memory_space<hbm>>
        %dma_start3A_1627 = arith.constant 32 : i32
        %dma_start3A_1628 = arith.constant 0 : i32
        %dma_start3A_1629 = tpu.memref_slice %arg6[%dma_start3A_1620, %dma_start3A_1627, %dma_start3A_1628] : memref<8x64x128xf32, #tpu.memory_space<vmem>> -> memref<1x32x128xf32, #tpu.memory_space<vmem>>
        %dma_start3A_1630 = tpu.memref_squeeze %dma_start3A_1629 : memref<1x32x128xf32, #tpu.memory_space<vmem>> -> memref<32x128xf32, #tpu.memory_space<vmem>>
        %dma_start3A_1631 = arith.constant 32 : i32
        %dma_start3A_1632 = tpu.memref_slice %arg3[%dma_start3A_1631, %multiple_of3A_1606] : memref<64x1000000xf32, #tpu.memory_space<hbm>> -> memref<32x128xf32, #tpu.memory_space<hbm>>
        tpu.enqueue_dma source(%dma_start3A_1632 : memref<32x128xf32, #tpu.memory_space<hbm>>) target(%dma_start3A_1630 : memref<32x128xf32, #tpu.memory_space<vmem>>) target_semaphore(%arg9 : memref<!tpu.dma_semaphore, #tpu.memory_space<semaphore_mem>>)
      } else {
      }
      %dma_wait3A_1186 = arith.constant 2 : i32
      %dma_wait3A_1187 = arith.constant 0 : i32
      %dma_wait3A_1188 = arith.constant 0 : i32
      %dma_wait3A_1189 = tpu.memref_slice %arg6[%dma_wait3A_1186, %dma_wait3A_1187, %dma_wait3A_1188] : memref<8x64x128xf32, #tpu.memory_space<vmem>> -> memref<1x64x128xf32, #tpu.memory_space<vmem>>
      %dma_wait3A_1190 = tpu.memref_squeeze %dma_wait3A_1189 : memref<1x64x128xf32, #tpu.memory_space<vmem>> -> memref<64x128xf32, #tpu.memory_space<vmem>>
      %dma_wait3A_1191 = arith.constant 0 : i32
      %dma_wait3A_1192 = arith.constant 0 : i32
      %dma_wait3A_1193 = tpu.memref_slice %arg3[%dma_wait3A_1191, %dma_wait3A_1192] : memref<64x1000000xf32, #tpu.memory_space<hbm>> -> memref<64x128xf32, #tpu.memory_space<hbm>>
      %dma_wait3A_1194 = arith.constant 0 : i32
      %dma_wait3A_1195 = arith.constant 0 : i32
      %dma_wait3A_1196 = tpu.memref_slice %arg6[%dma_wait3A_1186, %dma_wait3A_1194, %dma_wait3A_1195] : memref<8x64x128xf32, #tpu.memory_space<vmem>> -> memref<1x64x128xf32, #tpu.memory_space<vmem>>
      %dma_wait3A_1197 = tpu.memref_squeeze %dma_wait3A_1196 : memref<1x64x128xf32, #tpu.memory_space<vmem>> -> memref<64x128xf32, #tpu.memory_space<vmem>>
      %dma_wait3A_1198 = arith.constant 0 : i32
      %dma_wait3A_1199 = arith.constant 0 : i32
      %dma_wait3A_1200 = tpu.memref_slice %arg3[%dma_wait3A_1198, %dma_wait3A_1199] : memref<64x1000000xf32, #tpu.memory_space<hbm>> -> memref<64x128xf32, #tpu.memory_space<hbm>>
      tpu.wait_dma2 semaphore(%arg10 : memref<!tpu.dma_semaphore, #tpu.memory_space<semaphore_mem>>) src(%dma_wait3A_1200 : memref<64x128xf32, #tpu.memory_space<hbm>>) dst(%dma_wait3A_1197 : memref<64x128xf32, #tpu.memory_space<vmem>>)
      %slice3A_1201 = vector.extract_strided_slice %get3A_238 {offsets = [10], sizes = [1], strides = [1]} : vector<16xi32> to vector<1xi32>
      %squeeze3A_1202 = vector.extract %slice3A_1201[0] : i32 from vector<1xi32>
      %add3A_1203 = arith.constant 10 : i32
      %add3A_1204 = arith.addi %mul3A_258, %add3A_1203 : i32
      %and3A_1205 = arith.constant 127 : i32
      %and3A_1206 = arith.andi %squeeze3A_1202, %and3A_1205 : i32
      %broadcast_in_dim3A_1207 = vector.broadcast %and3A_1206 : i32 to vector<16xi32>
      %broadcast_in_dim3A_1208 = vector.broadcast %add3A_1204 : i32 to vector<16xi32>
      %iota3A_1209 = tpu.iota {dimensions = array<i32: 0>} : vector<16xi32>
      %add3A_1210 = arith.constant 0 : i32
      %add3A_1211 = vector.broadcast %add3A_1210 : i32 to vector<16xi32>
      %add3A_1212 = arith.addi %iota3A_1209, %add3A_1211 : vector<16xi32>
      %gather3A_1213 = arith.constant 2 : i32
      %gather3A_1214 = arith.constant 0 : i32
      %gather3A_1215 = arith.constant 0 : i32
      %gather3A_1216 = tpu.memref_slice %arg6[%gather3A_1213, %gather3A_1214, %gather3A_1215] : memref<8x64x128xf32, #tpu.memory_space<vmem>> -> memref<1x64x128xf32, #tpu.memory_space<vmem>>
      %gather3A_1217 = tpu.memref_squeeze %gather3A_1216 : memref<1x64x128xf32, #tpu.memory_space<vmem>> -> memref<64x128xf32, #tpu.memory_space<vmem>>
      %gather3A_1218 = tpu.vector_load_idx %gather3A_1217[%add3A_1212, %broadcast_in_dim3A_1207] : memref<64x128xf32, #tpu.memory_space<vmem>>[vector<16xi32>, vector<16xi32>], vector<16xf32>,
      tpu.vector_store_idx %arg7[%add3A_1212, %broadcast_in_dim3A_1208], %gather3A_1218 : memref<64x128xf32, #tpu.memory_space<vmem>>[vector<16xi32>, vector<16xi32>], vector<16xf32>,
      %iota3A_1219 = tpu.iota {dimensions = array<i32: 0>} : vector<16xi32>
      %add3A_1220 = arith.constant 16 : i32
      %add3A_1221 = vector.broadcast %add3A_1220 : i32 to vector<16xi32>
      %add3A_1222 = arith.addi %iota3A_1219, %add3A_1221 : vector<16xi32>
      %gather3A_1223 = arith.constant 2 : i32
      %gather3A_1224 = arith.constant 0 : i32
      %gather3A_1225 = arith.constant 0 : i32
      %gather3A_1226 = tpu.memref_slice %arg6[%gather3A_1223, %gather3A_1224, %gather3A_1225] : memref<8x64x128xf32, #tpu.memory_space<vmem>> -> memref<1x64x128xf32, #tpu.memory_space<vmem>>
      %gather3A_1227 = tpu.memref_squeeze %gather3A_1226 : memref<1x64x128xf32, #tpu.memory_space<vmem>> -> memref<64x128xf32, #tpu.memory_space<vmem>>
      %gather3A_1228 = tpu.vector_load_idx %gather3A_1227[%add3A_1222, %broadcast_in_dim3A_1207] : memref<64x128xf32, #tpu.memory_space<vmem>>[vector<16xi32>, vector<16xi32>], vector<16xf32>,
      tpu.vector_store_idx %arg7[%add3A_1222, %broadcast_in_dim3A_1208], %gather3A_1228 : memref<64x128xf32, #tpu.memory_space<vmem>>[vector<16xi32>, vector<16xi32>], vector<16xf32>,
      %iota3A_1229 = tpu.iota {dimensions = array<i32: 0>} : vector<16xi32>
      %add3A_1230 = arith.constant 32 : i32
      %add3A_1231 = vector.broadcast %add3A_1230 : i32 to vector<16xi32>
      %add3A_1232 = arith.addi %iota3A_1229, %add3A_1231 : vector<16xi32>
      %gather3A_1233 = arith.constant 2 : i32
      %gather3A_1234 = arith.constant 0 : i32
      %gather3A_1235 = arith.constant 0 : i32
      %gather3A_1236 = tpu.memref_slice %arg6[%gather3A_1233, %gather3A_1234, %gather3A_1235] : memref<8x64x128xf32, #tpu.memory_space<vmem>> -> memref<1x64x128xf32, #tpu.memory_space<vmem>>
      %gather3A_1237 = tpu.memref_squeeze %gather3A_1236 : memref<1x64x128xf32, #tpu.memory_space<vmem>> -> memref<64x128xf32, #tpu.memory_space<vmem>>
      %gather3A_1238 = tpu.vector_load_idx %gather3A_1237[%add3A_1232, %broadcast_in_dim3A_1207] : memref<64x128xf32, #tpu.memory_space<vmem>>[vector<16xi32>, vector<16xi32>], vector<16xf32>,
      tpu.vector_store_idx %arg7[%add3A_1232, %broadcast_in_dim3A_1208], %gather3A_1238 : memref<64x128xf32, #tpu.memory_space<vmem>>[vector<16xi32>, vector<16xi32>], vector<16xf32>,
      %iota3A_1239 = tpu.iota {dimensions = array<i32: 0>} : vector<16xi32>
      %add3A_1240 = arith.constant 48 : i32
      %add3A_1241 = vector.broadcast %add3A_1240 : i32 to vector<16xi32>
      %add3A_1242 = arith.addi %iota3A_1239, %add3A_1241 : vector<16xi32>
      %gather3A_1243 = arith.constant 2 : i32
      %gather3A_1244 = arith.constant 0 : i32
      %gather3A_1245 = arith.constant 0 : i32
      %gather3A_1246 = tpu.memref_slice %arg6[%gather3A_1243, %gather3A_1244, %gather3A_1245] : memref<8x64x128xf32, #tpu.memory_space<vmem>> -> memref<1x64x128xf32, #tpu.memory_space<vmem>>
      %gather3A_1247 = tpu.memref_squeeze %gather3A_1246 : memref<1x64x128xf32, #tpu.memory_space<vmem>> -> memref<64x128xf32, #tpu.memory_space<vmem>>
      %gather3A_1248 = tpu.vector_load_idx %gather3A_1247[%add3A_1242, %broadcast_in_dim3A_1207] : memref<64x128xf32, #tpu.memory_space<vmem>>[vector<16xi32>, vector<16xi32>], vector<16xf32>,
      tpu.vector_store_idx %arg7[%add3A_1242, %broadcast_in_dim3A_1208], %gather3A_1248 : memref<64x128xf32, #tpu.memory_space<vmem>>[vector<16xi32>, vector<16xi32>], vector<16xf32>,
      %convert_element_type3A_1249 = arith.extui %lt3A_246 : i1 to i32
      %cond3A_1250 = arith.constant 0 : i32
      %cond3A_1251 = arith.cmpi ne, %convert_element_type3A_1249, %cond3A_1250 : i32
      scf.if %cond3A_1251 {
        %slice3A_1600 = vector.extract_strided_slice %get3A_245 {offsets = [2], sizes = [1], strides = [1]} : vector<16xi32> to vector<1xi32>
        %squeeze3A_1601 = vector.extract %slice3A_1600[0] : i32 from vector<1xi32>
        %shift_right_logical3A_1602 = arith.constant 7 : i32
        %shift_right_logical3A_1603 = arith.shrui %squeeze3A_1601, %shift_right_logical3A_1602 : i32
        %mul3A_1604 = arith.constant 128 : i32
        %mul3A_1605 = arith.muli %shift_right_logical3A_1603, %mul3A_1604 : i32
        %multiple_of3A_1606 = tpu.assume_multiple %mul3A_1605, 128 : i32
        %dma_start3A_1607 = arith.constant 2 : i32
        %dma_start3A_1608 = arith.constant 0 : i32
        %dma_start3A_1609 = arith.constant 0 : i32
        %dma_start3A_1610 = tpu.memref_slice %arg6[%dma_start3A_1607, %dma_start3A_1608, %dma_start3A_1609] : memref<8x64x128xf32, #tpu.memory_space<vmem>> -> memref<1x32x128xf32, #tpu.memory_space<vmem>>
        %dma_start3A_1611 = tpu.memref_squeeze %dma_start3A_1610 : memref<1x32x128xf32, #tpu.memory_space<vmem>> -> memref<32x128xf32, #tpu.memory_space<vmem>>
        %dma_start3A_1612 = arith.constant 0 : i32
        %dma_start3A_1613 = tpu.memref_slice %arg3[%dma_start3A_1612, %multiple_of3A_1606] : memref<64x1000000xf32, #tpu.memory_space<hbm>> -> memref<32x128xf32, #tpu.memory_space<hbm>>
        %dma_start3A_1614 = arith.constant 0 : i32
        %dma_start3A_1615 = arith.constant 0 : i32
        %dma_start3A_1616 = tpu.memref_slice %arg6[%dma_start3A_1607, %dma_start3A_1614, %dma_start3A_1615] : memref<8x64x128xf32, #tpu.memory_space<vmem>> -> memref<1x32x128xf32, #tpu.memory_space<vmem>>
        %dma_start3A_1617 = tpu.memref_squeeze %dma_start3A_1616 : memref<1x32x128xf32, #tpu.memory_space<vmem>> -> memref<32x128xf32, #tpu.memory_space<vmem>>
        %dma_start3A_1618 = arith.constant 0 : i32
        %dma_start3A_1619 = tpu.memref_slice %arg3[%dma_start3A_1618, %multiple_of3A_1606] : memref<64x1000000xf32, #tpu.memory_space<hbm>> -> memref<32x128xf32, #tpu.memory_space<hbm>>
        tpu.enqueue_dma source(%dma_start3A_1619 : memref<32x128xf32, #tpu.memory_space<hbm>>) target(%dma_start3A_1617 : memref<32x128xf32, #tpu.memory_space<vmem>>) target_semaphore(%arg10 : memref<!tpu.dma_semaphore, #tpu.memory_space<semaphore_mem>>)
        %dma_start3A_1620 = arith.constant 2 : i32
        %dma_start3A_1621 = arith.constant 32 : i32
        %dma_start3A_1622 = arith.constant 0 : i32
        %dma_start3A_1623 = tpu.memref_slice %arg6[%dma_start3A_1620, %dma_start3A_1621, %dma_start3A_1622] : memref<8x64x128xf32, #tpu.memory_space<vmem>> -> memref<1x32x128xf32, #tpu.memory_space<vmem>>
        %dma_start3A_1624 = tpu.memref_squeeze %dma_start3A_1623 : memref<1x32x128xf32, #tpu.memory_space<vmem>> -> memref<32x128xf32, #tpu.memory_space<vmem>>
        %dma_start3A_1625 = arith.constant 32 : i32
        %dma_start3A_1626 = tpu.memref_slice %arg3[%dma_start3A_1625, %multiple_of3A_1606] : memref<64x1000000xf32, #tpu.memory_space<hbm>> -> memref<32x128xf32, #tpu.memory_space<hbm>>
        %dma_start3A_1627 = arith.constant 32 : i32
        %dma_start3A_1628 = arith.constant 0 : i32
        %dma_start3A_1629 = tpu.memref_slice %arg6[%dma_start3A_1620, %dma_start3A_1627, %dma_start3A_1628] : memref<8x64x128xf32, #tpu.memory_space<vmem>> -> memref<1x32x128xf32, #tpu.memory_space<vmem>>
        %dma_start3A_1630 = tpu.memref_squeeze %dma_start3A_1629 : memref<1x32x128xf32, #tpu.memory_space<vmem>> -> memref<32x128xf32, #tpu.memory_space<vmem>>
        %dma_start3A_1631 = arith.constant 32 : i32
        %dma_start3A_1632 = tpu.memref_slice %arg3[%dma_start3A_1631, %multiple_of3A_1606] : memref<64x1000000xf32, #tpu.memory_space<hbm>> -> memref<32x128xf32, #tpu.memory_space<hbm>>
        tpu.enqueue_dma source(%dma_start3A_1632 : memref<32x128xf32, #tpu.memory_space<hbm>>) target(%dma_start3A_1630 : memref<32x128xf32, #tpu.memory_space<vmem>>) target_semaphore(%arg10 : memref<!tpu.dma_semaphore, #tpu.memory_space<semaphore_mem>>)
      } else {
      }
      %dma_wait3A_1252 = arith.constant 3 : i32
      %dma_wait3A_1253 = arith.constant 0 : i32
      %dma_wait3A_1254 = arith.constant 0 : i32
      %dma_wait3A_1255 = tpu.memref_slice %arg6[%dma_wait3A_1252, %dma_wait3A_1253, %dma_wait3A_1254] : memref<8x64x128xf32, #tpu.memory_space<vmem>> -> memref<1x64x128xf32, #tpu.memory_space<vmem>>
      %dma_wait3A_1256 = tpu.memref_squeeze %dma_wait3A_1255 : memref<1x64x128xf32, #tpu.memory_space<vmem>> -> memref<64x128xf32, #tpu.memory_space<vmem>>
      %dma_wait3A_1257 = arith.constant 0 : i32
      %dma_wait3A_1258 = arith.constant 0 : i32
      %dma_wait3A_1259 = tpu.memref_slice %arg3[%dma_wait3A_1257, %dma_wait3A_1258] : memref<64x1000000xf32, #tpu.memory_space<hbm>> -> memref<64x128xf32, #tpu.memory_space<hbm>>
      %dma_wait3A_1260 = arith.constant 0 : i32
      %dma_wait3A_1261 = arith.constant 0 : i32
      %dma_wait3A_1262 = tpu.memref_slice %arg6[%dma_wait3A_1252, %dma_wait3A_1260, %dma_wait3A_1261] : memref<8x64x128xf32, #tpu.memory_space<vmem>> -> memref<1x64x128xf32, #tpu.memory_space<vmem>>
      %dma_wait3A_1263 = tpu.memref_squeeze %dma_wait3A_1262 : memref<1x64x128xf32, #tpu.memory_space<vmem>> -> memref<64x128xf32, #tpu.memory_space<vmem>>
      %dma_wait3A_1264 = arith.constant 0 : i32
      %dma_wait3A_1265 = arith.constant 0 : i32
      %dma_wait3A_1266 = tpu.memref_slice %arg3[%dma_wait3A_1264, %dma_wait3A_1265] : memref<64x1000000xf32, #tpu.memory_space<hbm>> -> memref<64x128xf32, #tpu.memory_space<hbm>>
      tpu.wait_dma2 semaphore(%arg11 : memref<!tpu.dma_semaphore, #tpu.memory_space<semaphore_mem>>) src(%dma_wait3A_1266 : memref<64x128xf32, #tpu.memory_space<hbm>>) dst(%dma_wait3A_1263 : memref<64x128xf32, #tpu.memory_space<vmem>>)
      %slice3A_1267 = vector.extract_strided_slice %get3A_238 {offsets = [11], sizes = [1], strides = [1]} : vector<16xi32> to vector<1xi32>
      %squeeze3A_1268 = vector.extract %slice3A_1267[0] : i32 from vector<1xi32>
      %add3A_1269 = arith.constant 11 : i32
      %add3A_1270 = arith.addi %mul3A_258, %add3A_1269 : i32
      %and3A_1271 = arith.constant 127 : i32
      %and3A_1272 = arith.andi %squeeze3A_1268, %and3A_1271 : i32
      %broadcast_in_dim3A_1273 = vector.broadcast %and3A_1272 : i32 to vector<16xi32>
      %broadcast_in_dim3A_1274 = vector.broadcast %add3A_1270 : i32 to vector<16xi32>
      %iota3A_1275 = tpu.iota {dimensions = array<i32: 0>} : vector<16xi32>
      %add3A_1276 = arith.constant 0 : i32
      %add3A_1277 = vector.broadcast %add3A_1276 : i32 to vector<16xi32>
      %add3A_1278 = arith.addi %iota3A_1275, %add3A_1277 : vector<16xi32>
      %gather3A_1279 = arith.constant 3 : i32
      %gather3A_1280 = arith.constant 0 : i32
      %gather3A_1281 = arith.constant 0 : i32
      %gather3A_1282 = tpu.memref_slice %arg6[%gather3A_1279, %gather3A_1280, %gather3A_1281] : memref<8x64x128xf32, #tpu.memory_space<vmem>> -> memref<1x64x128xf32, #tpu.memory_space<vmem>>
      %gather3A_1283 = tpu.memref_squeeze %gather3A_1282 : memref<1x64x128xf32, #tpu.memory_space<vmem>> -> memref<64x128xf32, #tpu.memory_space<vmem>>
      %gather3A_1284 = tpu.vector_load_idx %gather3A_1283[%add3A_1278, %broadcast_in_dim3A_1273] : memref<64x128xf32, #tpu.memory_space<vmem>>[vector<16xi32>, vector<16xi32>], vector<16xf32>,
      tpu.vector_store_idx %arg7[%add3A_1278, %broadcast_in_dim3A_1274], %gather3A_1284 : memref<64x128xf32, #tpu.memory_space<vmem>>[vector<16xi32>, vector<16xi32>], vector<16xf32>,
      %iota3A_1285 = tpu.iota {dimensions = array<i32: 0>} : vector<16xi32>
      %add3A_1286 = arith.constant 16 : i32
      %add3A_1287 = vector.broadcast %add3A_1286 : i32 to vector<16xi32>
      %add3A_1288 = arith.addi %iota3A_1285, %add3A_1287 : vector<16xi32>
      %gather3A_1289 = arith.constant 3 : i32
      %gather3A_1290 = arith.constant 0 : i32
      %gather3A_1291 = arith.constant 0 : i32
      %gather3A_1292 = tpu.memref_slice %arg6[%gather3A_1289, %gather3A_1290, %gather3A_1291] : memref<8x64x128xf32, #tpu.memory_space<vmem>> -> memref<1x64x128xf32, #tpu.memory_space<vmem>>
      %gather3A_1293 = tpu.memref_squeeze %gather3A_1292 : memref<1x64x128xf32, #tpu.memory_space<vmem>> -> memref<64x128xf32, #tpu.memory_space<vmem>>
      %gather3A_1294 = tpu.vector_load_idx %gather3A_1293[%add3A_1288, %broadcast_in_dim3A_1273] : memref<64x128xf32, #tpu.memory_space<vmem>>[vector<16xi32>, vector<16xi32>], vector<16xf32>,
      tpu.vector_store_idx %arg7[%add3A_1288, %broadcast_in_dim3A_1274], %gather3A_1294 : memref<64x128xf32, #tpu.memory_space<vmem>>[vector<16xi32>, vector<16xi32>], vector<16xf32>,
      %iota3A_1295 = tpu.iota {dimensions = array<i32: 0>} : vector<16xi32>
      %add3A_1296 = arith.constant 32 : i32
      %add3A_1297 = vector.broadcast %add3A_1296 : i32 to vector<16xi32>
      %add3A_1298 = arith.addi %iota3A_1295, %add3A_1297 : vector<16xi32>
      %gather3A_1299 = arith.constant 3 : i32
      %gather3A_1300 = arith.constant 0 : i32
      %gather3A_1301 = arith.constant 0 : i32
      %gather3A_1302 = tpu.memref_slice %arg6[%gather3A_1299, %gather3A_1300, %gather3A_1301] : memref<8x64x128xf32, #tpu.memory_space<vmem>> -> memref<1x64x128xf32, #tpu.memory_space<vmem>>
      %gather3A_1303 = tpu.memref_squeeze %gather3A_1302 : memref<1x64x128xf32, #tpu.memory_space<vmem>> -> memref<64x128xf32, #tpu.memory_space<vmem>>
      %gather3A_1304 = tpu.vector_load_idx %gather3A_1303[%add3A_1298, %broadcast_in_dim3A_1273] : memref<64x128xf32, #tpu.memory_space<vmem>>[vector<16xi32>, vector<16xi32>], vector<16xf32>,
      tpu.vector_store_idx %arg7[%add3A_1298, %broadcast_in_dim3A_1274], %gather3A_1304 : memref<64x128xf32, #tpu.memory_space<vmem>>[vector<16xi32>, vector<16xi32>], vector<16xf32>,
      %iota3A_1305 = tpu.iota {dimensions = array<i32: 0>} : vector<16xi32>
      %add3A_1306 = arith.constant 48 : i32
      %add3A_1307 = vector.broadcast %add3A_1306 : i32 to vector<16xi32>
      %add3A_1308 = arith.addi %iota3A_1305, %add3A_1307 : vector<16xi32>
      %gather3A_1309 = arith.constant 3 : i32
      %gather3A_1310 = arith.constant 0 : i32
      %gather3A_1311 = arith.constant 0 : i32
      %gather3A_1312 = tpu.memref_slice %arg6[%gather3A_1309, %gather3A_1310, %gather3A_1311] : memref<8x64x128xf32, #tpu.memory_space<vmem>> -> memref<1x64x128xf32, #tpu.memory_space<vmem>>
      %gather3A_1313 = tpu.memref_squeeze %gather3A_1312 : memref<1x64x128xf32, #tpu.memory_space<vmem>> -> memref<64x128xf32, #tpu.memory_space<vmem>>
      %gather3A_1314 = tpu.vector_load_idx %gather3A_1313[%add3A_1308, %broadcast_in_dim3A_1273] : memref<64x128xf32, #tpu.memory_space<vmem>>[vector<16xi32>, vector<16xi32>], vector<16xf32>,
      tpu.vector_store_idx %arg7[%add3A_1308, %broadcast_in_dim3A_1274], %gather3A_1314 : memref<64x128xf32, #tpu.memory_space<vmem>>[vector<16xi32>, vector<16xi32>], vector<16xf32>,
      %convert_element_type3A_1315 = arith.extui %lt3A_246 : i1 to i32
      %cond3A_1316 = arith.constant 0 : i32
      %cond3A_1317 = arith.cmpi ne, %convert_element_type3A_1315, %cond3A_1316 : i32
      scf.if %cond3A_1317 {
        %slice3A_1600 = vector.extract_strided_slice %get3A_245 {offsets = [3], sizes = [1], strides = [1]} : vector<16xi32> to vector<1xi32>
        %squeeze3A_1601 = vector.extract %slice3A_1600[0] : i32 from vector<1xi32>
        %shift_right_logical3A_1602 = arith.constant 7 : i32
        %shift_right_logical3A_1603 = arith.shrui %squeeze3A_1601, %shift_right_logical3A_1602 : i32
        %mul3A_1604 = arith.constant 128 : i32
        %mul3A_1605 = arith.muli %shift_right_logical3A_1603, %mul3A_1604 : i32
        %multiple_of3A_1606 = tpu.assume_multiple %mul3A_1605, 128 : i32
        %dma_start3A_1607 = arith.constant 3 : i32
        %dma_start3A_1608 = arith.constant 0 : i32
        %dma_start3A_1609 = arith.constant 0 : i32
        %dma_start3A_1610 = tpu.memref_slice %arg6[%dma_start3A_1607, %dma_start3A_1608, %dma_start3A_1609] : memref<8x64x128xf32, #tpu.memory_space<vmem>> -> memref<1x32x128xf32, #tpu.memory_space<vmem>>
        %dma_start3A_1611 = tpu.memref_squeeze %dma_start3A_1610 : memref<1x32x128xf32, #tpu.memory_space<vmem>> -> memref<32x128xf32, #tpu.memory_space<vmem>>
        %dma_start3A_1612 = arith.constant 0 : i32
        %dma_start3A_1613 = tpu.memref_slice %arg3[%dma_start3A_1612, %multiple_of3A_1606] : memref<64x1000000xf32, #tpu.memory_space<hbm>> -> memref<32x128xf32, #tpu.memory_space<hbm>>
        %dma_start3A_1614 = arith.constant 0 : i32
        %dma_start3A_1615 = arith.constant 0 : i32
        %dma_start3A_1616 = tpu.memref_slice %arg6[%dma_start3A_1607, %dma_start3A_1614, %dma_start3A_1615] : memref<8x64x128xf32, #tpu.memory_space<vmem>> -> memref<1x32x128xf32, #tpu.memory_space<vmem>>
        %dma_start3A_1617 = tpu.memref_squeeze %dma_start3A_1616 : memref<1x32x128xf32, #tpu.memory_space<vmem>> -> memref<32x128xf32, #tpu.memory_space<vmem>>
        %dma_start3A_1618 = arith.constant 0 : i32
        %dma_start3A_1619 = tpu.memref_slice %arg3[%dma_start3A_1618, %multiple_of3A_1606] : memref<64x1000000xf32, #tpu.memory_space<hbm>> -> memref<32x128xf32, #tpu.memory_space<hbm>>
        tpu.enqueue_dma source(%dma_start3A_1619 : memref<32x128xf32, #tpu.memory_space<hbm>>) target(%dma_start3A_1617 : memref<32x128xf32, #tpu.memory_space<vmem>>) target_semaphore(%arg11 : memref<!tpu.dma_semaphore, #tpu.memory_space<semaphore_mem>>)
        %dma_start3A_1620 = arith.constant 3 : i32
        %dma_start3A_1621 = arith.constant 32 : i32
        %dma_start3A_1622 = arith.constant 0 : i32
        %dma_start3A_1623 = tpu.memref_slice %arg6[%dma_start3A_1620, %dma_start3A_1621, %dma_start3A_1622] : memref<8x64x128xf32, #tpu.memory_space<vmem>> -> memref<1x32x128xf32, #tpu.memory_space<vmem>>
        %dma_start3A_1624 = tpu.memref_squeeze %dma_start3A_1623 : memref<1x32x128xf32, #tpu.memory_space<vmem>> -> memref<32x128xf32, #tpu.memory_space<vmem>>
        %dma_start3A_1625 = arith.constant 32 : i32
        %dma_start3A_1626 = tpu.memref_slice %arg3[%dma_start3A_1625, %multiple_of3A_1606] : memref<64x1000000xf32, #tpu.memory_space<hbm>> -> memref<32x128xf32, #tpu.memory_space<hbm>>
        %dma_start3A_1627 = arith.constant 32 : i32
        %dma_start3A_1628 = arith.constant 0 : i32
        %dma_start3A_1629 = tpu.memref_slice %arg6[%dma_start3A_1620, %dma_start3A_1627, %dma_start3A_1628] : memref<8x64x128xf32, #tpu.memory_space<vmem>> -> memref<1x32x128xf32, #tpu.memory_space<vmem>>
        %dma_start3A_1630 = tpu.memref_squeeze %dma_start3A_1629 : memref<1x32x128xf32, #tpu.memory_space<vmem>> -> memref<32x128xf32, #tpu.memory_space<vmem>>
        %dma_start3A_1631 = arith.constant 32 : i32
        %dma_start3A_1632 = tpu.memref_slice %arg3[%dma_start3A_1631, %multiple_of3A_1606] : memref<64x1000000xf32, #tpu.memory_space<hbm>> -> memref<32x128xf32, #tpu.memory_space<hbm>>
        tpu.enqueue_dma source(%dma_start3A_1632 : memref<32x128xf32, #tpu.memory_space<hbm>>) target(%dma_start3A_1630 : memref<32x128xf32, #tpu.memory_space<vmem>>) target_semaphore(%arg11 : memref<!tpu.dma_semaphore, #tpu.memory_space<semaphore_mem>>)
      } else {
      }
      %dma_wait3A_1318 = arith.constant 4 : i32
      %dma_wait3A_1319 = arith.constant 0 : i32
      %dma_wait3A_1320 = arith.constant 0 : i32
      %dma_wait3A_1321 = tpu.memref_slice %arg6[%dma_wait3A_1318, %dma_wait3A_1319, %dma_wait3A_1320] : memref<8x64x128xf32, #tpu.memory_space<vmem>> -> memref<1x64x128xf32, #tpu.memory_space<vmem>>
      %dma_wait3A_1322 = tpu.memref_squeeze %dma_wait3A_1321 : memref<1x64x128xf32, #tpu.memory_space<vmem>> -> memref<64x128xf32, #tpu.memory_space<vmem>>
      %dma_wait3A_1323 = arith.constant 0 : i32
      %dma_wait3A_1324 = arith.constant 0 : i32
      %dma_wait3A_1325 = tpu.memref_slice %arg3[%dma_wait3A_1323, %dma_wait3A_1324] : memref<64x1000000xf32, #tpu.memory_space<hbm>> -> memref<64x128xf32, #tpu.memory_space<hbm>>
      %dma_wait3A_1326 = arith.constant 0 : i32
      %dma_wait3A_1327 = arith.constant 0 : i32
      %dma_wait3A_1328 = tpu.memref_slice %arg6[%dma_wait3A_1318, %dma_wait3A_1326, %dma_wait3A_1327] : memref<8x64x128xf32, #tpu.memory_space<vmem>> -> memref<1x64x128xf32, #tpu.memory_space<vmem>>
      %dma_wait3A_1329 = tpu.memref_squeeze %dma_wait3A_1328 : memref<1x64x128xf32, #tpu.memory_space<vmem>> -> memref<64x128xf32, #tpu.memory_space<vmem>>
      %dma_wait3A_1330 = arith.constant 0 : i32
      %dma_wait3A_1331 = arith.constant 0 : i32
      %dma_wait3A_1332 = tpu.memref_slice %arg3[%dma_wait3A_1330, %dma_wait3A_1331] : memref<64x1000000xf32, #tpu.memory_space<hbm>> -> memref<64x128xf32, #tpu.memory_space<hbm>>
      tpu.wait_dma2 semaphore(%arg12 : memref<!tpu.dma_semaphore, #tpu.memory_space<semaphore_mem>>) src(%dma_wait3A_1332 : memref<64x128xf32, #tpu.memory_space<hbm>>) dst(%dma_wait3A_1329 : memref<64x128xf32, #tpu.memory_space<vmem>>)
      %slice3A_1333 = vector.extract_strided_slice %get3A_238 {offsets = [12], sizes = [1], strides = [1]} : vector<16xi32> to vector<1xi32>
      %squeeze3A_1334 = vector.extract %slice3A_1333[0] : i32 from vector<1xi32>
      %add3A_1335 = arith.constant 12 : i32
      %add3A_1336 = arith.addi %mul3A_258, %add3A_1335 : i32
      %and3A_1337 = arith.constant 127 : i32
      %and3A_1338 = arith.andi %squeeze3A_1334, %and3A_1337 : i32
      %broadcast_in_dim3A_1339 = vector.broadcast %and3A_1338 : i32 to vector<16xi32>
      %broadcast_in_dim3A_1340 = vector.broadcast %add3A_1336 : i32 to vector<16xi32>
      %iota3A_1341 = tpu.iota {dimensions = array<i32: 0>} : vector<16xi32>
      %add3A_1342 = arith.constant 0 : i32
      %add3A_1343 = vector.broadcast %add3A_1342 : i32 to vector<16xi32>
      %add3A_1344 = arith.addi %iota3A_1341, %add3A_1343 : vector<16xi32>
      %gather3A_1345 = arith.constant 4 : i32
      %gather3A_1346 = arith.constant 0 : i32
      %gather3A_1347 = arith.constant 0 : i32
      %gather3A_1348 = tpu.memref_slice %arg6[%gather3A_1345, %gather3A_1346, %gather3A_1347] : memref<8x64x128xf32, #tpu.memory_space<vmem>> -> memref<1x64x128xf32, #tpu.memory_space<vmem>>
      %gather3A_1349 = tpu.memref_squeeze %gather3A_1348 : memref<1x64x128xf32, #tpu.memory_space<vmem>> -> memref<64x128xf32, #tpu.memory_space<vmem>>
      %gather3A_1350 = tpu.vector_load_idx %gather3A_1349[%add3A_1344, %broadcast_in_dim3A_1339] : memref<64x128xf32, #tpu.memory_space<vmem>>[vector<16xi32>, vector<16xi32>], vector<16xf32>,
      tpu.vector_store_idx %arg7[%add3A_1344, %broadcast_in_dim3A_1340], %gather3A_1350 : memref<64x128xf32, #tpu.memory_space<vmem>>[vector<16xi32>, vector<16xi32>], vector<16xf32>,
      %iota3A_1351 = tpu.iota {dimensions = array<i32: 0>} : vector<16xi32>
      %add3A_1352 = arith.constant 16 : i32
      %add3A_1353 = vector.broadcast %add3A_1352 : i32 to vector<16xi32>
      %add3A_1354 = arith.addi %iota3A_1351, %add3A_1353 : vector<16xi32>
      %gather3A_1355 = arith.constant 4 : i32
      %gather3A_1356 = arith.constant 0 : i32
      %gather3A_1357 = arith.constant 0 : i32
      %gather3A_1358 = tpu.memref_slice %arg6[%gather3A_1355, %gather3A_1356, %gather3A_1357] : memref<8x64x128xf32, #tpu.memory_space<vmem>> -> memref<1x64x128xf32, #tpu.memory_space<vmem>>
      %gather3A_1359 = tpu.memref_squeeze %gather3A_1358 : memref<1x64x128xf32, #tpu.memory_space<vmem>> -> memref<64x128xf32, #tpu.memory_space<vmem>>
      %gather3A_1360 = tpu.vector_load_idx %gather3A_1359[%add3A_1354, %broadcast_in_dim3A_1339] : memref<64x128xf32, #tpu.memory_space<vmem>>[vector<16xi32>, vector<16xi32>], vector<16xf32>,
      tpu.vector_store_idx %arg7[%add3A_1354, %broadcast_in_dim3A_1340], %gather3A_1360 : memref<64x128xf32, #tpu.memory_space<vmem>>[vector<16xi32>, vector<16xi32>], vector<16xf32>,
      %iota3A_1361 = tpu.iota {dimensions = array<i32: 0>} : vector<16xi32>
      %add3A_1362 = arith.constant 32 : i32
      %add3A_1363 = vector.broadcast %add3A_1362 : i32 to vector<16xi32>
      %add3A_1364 = arith.addi %iota3A_1361, %add3A_1363 : vector<16xi32>
      %gather3A_1365 = arith.constant 4 : i32
      %gather3A_1366 = arith.constant 0 : i32
      %gather3A_1367 = arith.constant 0 : i32
      %gather3A_1368 = tpu.memref_slice %arg6[%gather3A_1365, %gather3A_1366, %gather3A_1367] : memref<8x64x128xf32, #tpu.memory_space<vmem>> -> memref<1x64x128xf32, #tpu.memory_space<vmem>>
      %gather3A_1369 = tpu.memref_squeeze %gather3A_1368 : memref<1x64x128xf32, #tpu.memory_space<vmem>> -> memref<64x128xf32, #tpu.memory_space<vmem>>
      %gather3A_1370 = tpu.vector_load_idx %gather3A_1369[%add3A_1364, %broadcast_in_dim3A_1339] : memref<64x128xf32, #tpu.memory_space<vmem>>[vector<16xi32>, vector<16xi32>], vector<16xf32>,
      tpu.vector_store_idx %arg7[%add3A_1364, %broadcast_in_dim3A_1340], %gather3A_1370 : memref<64x128xf32, #tpu.memory_space<vmem>>[vector<16xi32>, vector<16xi32>], vector<16xf32>,
      %iota3A_1371 = tpu.iota {dimensions = array<i32: 0>} : vector<16xi32>
      %add3A_1372 = arith.constant 48 : i32
      %add3A_1373 = vector.broadcast %add3A_1372 : i32 to vector<16xi32>
      %add3A_1374 = arith.addi %iota3A_1371, %add3A_1373 : vector<16xi32>
      %gather3A_1375 = arith.constant 4 : i32
      %gather3A_1376 = arith.constant 0 : i32
      %gather3A_1377 = arith.constant 0 : i32
      %gather3A_1378 = tpu.memref_slice %arg6[%gather3A_1375, %gather3A_1376, %gather3A_1377] : memref<8x64x128xf32, #tpu.memory_space<vmem>> -> memref<1x64x128xf32, #tpu.memory_space<vmem>>
      %gather3A_1379 = tpu.memref_squeeze %gather3A_1378 : memref<1x64x128xf32, #tpu.memory_space<vmem>> -> memref<64x128xf32, #tpu.memory_space<vmem>>
      %gather3A_1380 = tpu.vector_load_idx %gather3A_1379[%add3A_1374, %broadcast_in_dim3A_1339] : memref<64x128xf32, #tpu.memory_space<vmem>>[vector<16xi32>, vector<16xi32>], vector<16xf32>,
      tpu.vector_store_idx %arg7[%add3A_1374, %broadcast_in_dim3A_1340], %gather3A_1380 : memref<64x128xf32, #tpu.memory_space<vmem>>[vector<16xi32>, vector<16xi32>], vector<16xf32>,
      %convert_element_type3A_1381 = arith.extui %lt3A_246 : i1 to i32
      %cond3A_1382 = arith.constant 0 : i32
      %cond3A_1383 = arith.cmpi ne, %convert_element_type3A_1381, %cond3A_1382 : i32
      scf.if %cond3A_1383 {
        %slice3A_1600 = vector.extract_strided_slice %get3A_245 {offsets = [4], sizes = [1], strides = [1]} : vector<16xi32> to vector<1xi32>
        %squeeze3A_1601 = vector.extract %slice3A_1600[0] : i32 from vector<1xi32>
        %shift_right_logical3A_1602 = arith.constant 7 : i32
        %shift_right_logical3A_1603 = arith.shrui %squeeze3A_1601, %shift_right_logical3A_1602 : i32
        %mul3A_1604 = arith.constant 128 : i32
        %mul3A_1605 = arith.muli %shift_right_logical3A_1603, %mul3A_1604 : i32
        %multiple_of3A_1606 = tpu.assume_multiple %mul3A_1605, 128 : i32
        %dma_start3A_1607 = arith.constant 4 : i32
        %dma_start3A_1608 = arith.constant 0 : i32
        %dma_start3A_1609 = arith.constant 0 : i32
        %dma_start3A_1610 = tpu.memref_slice %arg6[%dma_start3A_1607, %dma_start3A_1608, %dma_start3A_1609] : memref<8x64x128xf32, #tpu.memory_space<vmem>> -> memref<1x32x128xf32, #tpu.memory_space<vmem>>
        %dma_start3A_1611 = tpu.memref_squeeze %dma_start3A_1610 : memref<1x32x128xf32, #tpu.memory_space<vmem>> -> memref<32x128xf32, #tpu.memory_space<vmem>>
        %dma_start3A_1612 = arith.constant 0 : i32
        %dma_start3A_1613 = tpu.memref_slice %arg3[%dma_start3A_1612, %multiple_of3A_1606] : memref<64x1000000xf32, #tpu.memory_space<hbm>> -> memref<32x128xf32, #tpu.memory_space<hbm>>
        %dma_start3A_1614 = arith.constant 0 : i32
        %dma_start3A_1615 = arith.constant 0 : i32
        %dma_start3A_1616 = tpu.memref_slice %arg6[%dma_start3A_1607, %dma_start3A_1614, %dma_start3A_1615] : memref<8x64x128xf32, #tpu.memory_space<vmem>> -> memref<1x32x128xf32, #tpu.memory_space<vmem>>
        %dma_start3A_1617 = tpu.memref_squeeze %dma_start3A_1616 : memref<1x32x128xf32, #tpu.memory_space<vmem>> -> memref<32x128xf32, #tpu.memory_space<vmem>>
        %dma_start3A_1618 = arith.constant 0 : i32
        %dma_start3A_1619 = tpu.memref_slice %arg3[%dma_start3A_1618, %multiple_of3A_1606] : memref<64x1000000xf32, #tpu.memory_space<hbm>> -> memref<32x128xf32, #tpu.memory_space<hbm>>
        tpu.enqueue_dma source(%dma_start3A_1619 : memref<32x128xf32, #tpu.memory_space<hbm>>) target(%dma_start3A_1617 : memref<32x128xf32, #tpu.memory_space<vmem>>) target_semaphore(%arg12 : memref<!tpu.dma_semaphore, #tpu.memory_space<semaphore_mem>>)
        %dma_start3A_1620 = arith.constant 4 : i32
        %dma_start3A_1621 = arith.constant 32 : i32
        %dma_start3A_1622 = arith.constant 0 : i32
        %dma_start3A_1623 = tpu.memref_slice %arg6[%dma_start3A_1620, %dma_start3A_1621, %dma_start3A_1622] : memref<8x64x128xf32, #tpu.memory_space<vmem>> -> memref<1x32x128xf32, #tpu.memory_space<vmem>>
        %dma_start3A_1624 = tpu.memref_squeeze %dma_start3A_1623 : memref<1x32x128xf32, #tpu.memory_space<vmem>> -> memref<32x128xf32, #tpu.memory_space<vmem>>
        %dma_start3A_1625 = arith.constant 32 : i32
        %dma_start3A_1626 = tpu.memref_slice %arg3[%dma_start3A_1625, %multiple_of3A_1606] : memref<64x1000000xf32, #tpu.memory_space<hbm>> -> memref<32x128xf32, #tpu.memory_space<hbm>>
        %dma_start3A_1627 = arith.constant 32 : i32
        %dma_start3A_1628 = arith.constant 0 : i32
        %dma_start3A_1629 = tpu.memref_slice %arg6[%dma_start3A_1620, %dma_start3A_1627, %dma_start3A_1628] : memref<8x64x128xf32, #tpu.memory_space<vmem>> -> memref<1x32x128xf32, #tpu.memory_space<vmem>>
        %dma_start3A_1630 = tpu.memref_squeeze %dma_start3A_1629 : memref<1x32x128xf32, #tpu.memory_space<vmem>> -> memref<32x128xf32, #tpu.memory_space<vmem>>
        %dma_start3A_1631 = arith.constant 32 : i32
        %dma_start3A_1632 = tpu.memref_slice %arg3[%dma_start3A_1631, %multiple_of3A_1606] : memref<64x1000000xf32, #tpu.memory_space<hbm>> -> memref<32x128xf32, #tpu.memory_space<hbm>>
        tpu.enqueue_dma source(%dma_start3A_1632 : memref<32x128xf32, #tpu.memory_space<hbm>>) target(%dma_start3A_1630 : memref<32x128xf32, #tpu.memory_space<vmem>>) target_semaphore(%arg12 : memref<!tpu.dma_semaphore, #tpu.memory_space<semaphore_mem>>)
      } else {
      }
      %dma_wait3A_1384 = arith.constant 5 : i32
      %dma_wait3A_1385 = arith.constant 0 : i32
      %dma_wait3A_1386 = arith.constant 0 : i32
      %dma_wait3A_1387 = tpu.memref_slice %arg6[%dma_wait3A_1384, %dma_wait3A_1385, %dma_wait3A_1386] : memref<8x64x128xf32, #tpu.memory_space<vmem>> -> memref<1x64x128xf32, #tpu.memory_space<vmem>>
      %dma_wait3A_1388 = tpu.memref_squeeze %dma_wait3A_1387 : memref<1x64x128xf32, #tpu.memory_space<vmem>> -> memref<64x128xf32, #tpu.memory_space<vmem>>
      %dma_wait3A_1389 = arith.constant 0 : i32
      %dma_wait3A_1390 = arith.constant 0 : i32
      %dma_wait3A_1391 = tpu.memref_slice %arg3[%dma_wait3A_1389, %dma_wait3A_1390] : memref<64x1000000xf32, #tpu.memory_space<hbm>> -> memref<64x128xf32, #tpu.memory_space<hbm>>
      %dma_wait3A_1392 = arith.constant 0 : i32
      %dma_wait3A_1393 = arith.constant 0 : i32
      %dma_wait3A_1394 = tpu.memref_slice %arg6[%dma_wait3A_1384, %dma_wait3A_1392, %dma_wait3A_1393] : memref<8x64x128xf32, #tpu.memory_space<vmem>> -> memref<1x64x128xf32, #tpu.memory_space<vmem>>
      %dma_wait3A_1395 = tpu.memref_squeeze %dma_wait3A_1394 : memref<1x64x128xf32, #tpu.memory_space<vmem>> -> memref<64x128xf32, #tpu.memory_space<vmem>>
      %dma_wait3A_1396 = arith.constant 0 : i32
      %dma_wait3A_1397 = arith.constant 0 : i32
      %dma_wait3A_1398 = tpu.memref_slice %arg3[%dma_wait3A_1396, %dma_wait3A_1397] : memref<64x1000000xf32, #tpu.memory_space<hbm>> -> memref<64x128xf32, #tpu.memory_space<hbm>>
      tpu.wait_dma2 semaphore(%arg13 : memref<!tpu.dma_semaphore, #tpu.memory_space<semaphore_mem>>) src(%dma_wait3A_1398 : memref<64x128xf32, #tpu.memory_space<hbm>>) dst(%dma_wait3A_1395 : memref<64x128xf32, #tpu.memory_space<vmem>>)
      %slice3A_1399 = vector.extract_strided_slice %get3A_238 {offsets = [13], sizes = [1], strides = [1]} : vector<16xi32> to vector<1xi32>
      %squeeze3A_1400 = vector.extract %slice3A_1399[0] : i32 from vector<1xi32>
      %add3A_1401 = arith.constant 13 : i32
      %add3A_1402 = arith.addi %mul3A_258, %add3A_1401 : i32
      %and3A_1403 = arith.constant 127 : i32
      %and3A_1404 = arith.andi %squeeze3A_1400, %and3A_1403 : i32
      %broadcast_in_dim3A_1405 = vector.broadcast %and3A_1404 : i32 to vector<16xi32>
      %broadcast_in_dim3A_1406 = vector.broadcast %add3A_1402 : i32 to vector<16xi32>
      %iota3A_1407 = tpu.iota {dimensions = array<i32: 0>} : vector<16xi32>
      %add3A_1408 = arith.constant 0 : i32
      %add3A_1409 = vector.broadcast %add3A_1408 : i32 to vector<16xi32>
      %add3A_1410 = arith.addi %iota3A_1407, %add3A_1409 : vector<16xi32>
      %gather3A_1411 = arith.constant 5 : i32
      %gather3A_1412 = arith.constant 0 : i32
      %gather3A_1413 = arith.constant 0 : i32
      %gather3A_1414 = tpu.memref_slice %arg6[%gather3A_1411, %gather3A_1412, %gather3A_1413] : memref<8x64x128xf32, #tpu.memory_space<vmem>> -> memref<1x64x128xf32, #tpu.memory_space<vmem>>
      %gather3A_1415 = tpu.memref_squeeze %gather3A_1414 : memref<1x64x128xf32, #tpu.memory_space<vmem>> -> memref<64x128xf32, #tpu.memory_space<vmem>>
      %gather3A_1416 = tpu.vector_load_idx %gather3A_1415[%add3A_1410, %broadcast_in_dim3A_1405] : memref<64x128xf32, #tpu.memory_space<vmem>>[vector<16xi32>, vector<16xi32>], vector<16xf32>,
      tpu.vector_store_idx %arg7[%add3A_1410, %broadcast_in_dim3A_1406], %gather3A_1416 : memref<64x128xf32, #tpu.memory_space<vmem>>[vector<16xi32>, vector<16xi32>], vector<16xf32>,
      %iota3A_1417 = tpu.iota {dimensions = array<i32: 0>} : vector<16xi32>
      %add3A_1418 = arith.constant 16 : i32
      %add3A_1419 = vector.broadcast %add3A_1418 : i32 to vector<16xi32>
      %add3A_1420 = arith.addi %iota3A_1417, %add3A_1419 : vector<16xi32>
      %gather3A_1421 = arith.constant 5 : i32
      %gather3A_1422 = arith.constant 0 : i32
      %gather3A_1423 = arith.constant 0 : i32
      %gather3A_1424 = tpu.memref_slice %arg6[%gather3A_1421, %gather3A_1422, %gather3A_1423] : memref<8x64x128xf32, #tpu.memory_space<vmem>> -> memref<1x64x128xf32, #tpu.memory_space<vmem>>
      %gather3A_1425 = tpu.memref_squeeze %gather3A_1424 : memref<1x64x128xf32, #tpu.memory_space<vmem>> -> memref<64x128xf32, #tpu.memory_space<vmem>>
      %gather3A_1426 = tpu.vector_load_idx %gather3A_1425[%add3A_1420, %broadcast_in_dim3A_1405] : memref<64x128xf32, #tpu.memory_space<vmem>>[vector<16xi32>, vector<16xi32>], vector<16xf32>,
      tpu.vector_store_idx %arg7[%add3A_1420, %broadcast_in_dim3A_1406], %gather3A_1426 : memref<64x128xf32, #tpu.memory_space<vmem>>[vector<16xi32>, vector<16xi32>], vector<16xf32>,
      %iota3A_1427 = tpu.iota {dimensions = array<i32: 0>} : vector<16xi32>
      %add3A_1428 = arith.constant 32 : i32
      %add3A_1429 = vector.broadcast %add3A_1428 : i32 to vector<16xi32>
      %add3A_1430 = arith.addi %iota3A_1427, %add3A_1429 : vector<16xi32>
      %gather3A_1431 = arith.constant 5 : i32
      %gather3A_1432 = arith.constant 0 : i32
      %gather3A_1433 = arith.constant 0 : i32
      %gather3A_1434 = tpu.memref_slice %arg6[%gather3A_1431, %gather3A_1432, %gather3A_1433] : memref<8x64x128xf32, #tpu.memory_space<vmem>> -> memref<1x64x128xf32, #tpu.memory_space<vmem>>
      %gather3A_1435 = tpu.memref_squeeze %gather3A_1434 : memref<1x64x128xf32, #tpu.memory_space<vmem>> -> memref<64x128xf32, #tpu.memory_space<vmem>>
      %gather3A_1436 = tpu.vector_load_idx %gather3A_1435[%add3A_1430, %broadcast_in_dim3A_1405] : memref<64x128xf32, #tpu.memory_space<vmem>>[vector<16xi32>, vector<16xi32>], vector<16xf32>,
      tpu.vector_store_idx %arg7[%add3A_1430, %broadcast_in_dim3A_1406], %gather3A_1436 : memref<64x128xf32, #tpu.memory_space<vmem>>[vector<16xi32>, vector<16xi32>], vector<16xf32>,
      %iota3A_1437 = tpu.iota {dimensions = array<i32: 0>} : vector<16xi32>
      %add3A_1438 = arith.constant 48 : i32
      %add3A_1439 = vector.broadcast %add3A_1438 : i32 to vector<16xi32>
      %add3A_1440 = arith.addi %iota3A_1437, %add3A_1439 : vector<16xi32>
      %gather3A_1441 = arith.constant 5 : i32
      %gather3A_1442 = arith.constant 0 : i32
      %gather3A_1443 = arith.constant 0 : i32
      %gather3A_1444 = tpu.memref_slice %arg6[%gather3A_1441, %gather3A_1442, %gather3A_1443] : memref<8x64x128xf32, #tpu.memory_space<vmem>> -> memref<1x64x128xf32, #tpu.memory_space<vmem>>
      %gather3A_1445 = tpu.memref_squeeze %gather3A_1444 : memref<1x64x128xf32, #tpu.memory_space<vmem>> -> memref<64x128xf32, #tpu.memory_space<vmem>>
      %gather3A_1446 = tpu.vector_load_idx %gather3A_1445[%add3A_1440, %broadcast_in_dim3A_1405] : memref<64x128xf32, #tpu.memory_space<vmem>>[vector<16xi32>, vector<16xi32>], vector<16xf32>,
      tpu.vector_store_idx %arg7[%add3A_1440, %broadcast_in_dim3A_1406], %gather3A_1446 : memref<64x128xf32, #tpu.memory_space<vmem>>[vector<16xi32>, vector<16xi32>], vector<16xf32>,
      %convert_element_type3A_1447 = arith.extui %lt3A_246 : i1 to i32
      %cond3A_1448 = arith.constant 0 : i32
      %cond3A_1449 = arith.cmpi ne, %convert_element_type3A_1447, %cond3A_1448 : i32
      scf.if %cond3A_1449 {
        %slice3A_1600 = vector.extract_strided_slice %get3A_245 {offsets = [5], sizes = [1], strides = [1]} : vector<16xi32> to vector<1xi32>
        %squeeze3A_1601 = vector.extract %slice3A_1600[0] : i32 from vector<1xi32>
        %shift_right_logical3A_1602 = arith.constant 7 : i32
        %shift_right_logical3A_1603 = arith.shrui %squeeze3A_1601, %shift_right_logical3A_1602 : i32
        %mul3A_1604 = arith.constant 128 : i32
        %mul3A_1605 = arith.muli %shift_right_logical3A_1603, %mul3A_1604 : i32
        %multiple_of3A_1606 = tpu.assume_multiple %mul3A_1605, 128 : i32
        %dma_start3A_1607 = arith.constant 5 : i32
        %dma_start3A_1608 = arith.constant 0 : i32
        %dma_start3A_1609 = arith.constant 0 : i32
        %dma_start3A_1610 = tpu.memref_slice %arg6[%dma_start3A_1607, %dma_start3A_1608, %dma_start3A_1609] : memref<8x64x128xf32, #tpu.memory_space<vmem>> -> memref<1x32x128xf32, #tpu.memory_space<vmem>>
        %dma_start3A_1611 = tpu.memref_squeeze %dma_start3A_1610 : memref<1x32x128xf32, #tpu.memory_space<vmem>> -> memref<32x128xf32, #tpu.memory_space<vmem>>
        %dma_start3A_1612 = arith.constant 0 : i32
        %dma_start3A_1613 = tpu.memref_slice %arg3[%dma_start3A_1612, %multiple_of3A_1606] : memref<64x1000000xf32, #tpu.memory_space<hbm>> -> memref<32x128xf32, #tpu.memory_space<hbm>>
        %dma_start3A_1614 = arith.constant 0 : i32
        %dma_start3A_1615 = arith.constant 0 : i32
        %dma_start3A_1616 = tpu.memref_slice %arg6[%dma_start3A_1607, %dma_start3A_1614, %dma_start3A_1615] : memref<8x64x128xf32, #tpu.memory_space<vmem>> -> memref<1x32x128xf32, #tpu.memory_space<vmem>>
        %dma_start3A_1617 = tpu.memref_squeeze %dma_start3A_1616 : memref<1x32x128xf32, #tpu.memory_space<vmem>> -> memref<32x128xf32, #tpu.memory_space<vmem>>
        %dma_start3A_1618 = arith.constant 0 : i32
        %dma_start3A_1619 = tpu.memref_slice %arg3[%dma_start3A_1618, %multiple_of3A_1606] : memref<64x1000000xf32, #tpu.memory_space<hbm>> -> memref<32x128xf32, #tpu.memory_space<hbm>>
        tpu.enqueue_dma source(%dma_start3A_1619 : memref<32x128xf32, #tpu.memory_space<hbm>>) target(%dma_start3A_1617 : memref<32x128xf32, #tpu.memory_space<vmem>>) target_semaphore(%arg13 : memref<!tpu.dma_semaphore, #tpu.memory_space<semaphore_mem>>)
        %dma_start3A_1620 = arith.constant 5 : i32
        %dma_start3A_1621 = arith.constant 32 : i32
        %dma_start3A_1622 = arith.constant 0 : i32
        %dma_start3A_1623 = tpu.memref_slice %arg6[%dma_start3A_1620, %dma_start3A_1621, %dma_start3A_1622] : memref<8x64x128xf32, #tpu.memory_space<vmem>> -> memref<1x32x128xf32, #tpu.memory_space<vmem>>
        %dma_start3A_1624 = tpu.memref_squeeze %dma_start3A_1623 : memref<1x32x128xf32, #tpu.memory_space<vmem>> -> memref<32x128xf32, #tpu.memory_space<vmem>>
        %dma_start3A_1625 = arith.constant 32 : i32
        %dma_start3A_1626 = tpu.memref_slice %arg3[%dma_start3A_1625, %multiple_of3A_1606] : memref<64x1000000xf32, #tpu.memory_space<hbm>> -> memref<32x128xf32, #tpu.memory_space<hbm>>
        %dma_start3A_1627 = arith.constant 32 : i32
        %dma_start3A_1628 = arith.constant 0 : i32
        %dma_start3A_1629 = tpu.memref_slice %arg6[%dma_start3A_1620, %dma_start3A_1627, %dma_start3A_1628] : memref<8x64x128xf32, #tpu.memory_space<vmem>> -> memref<1x32x128xf32, #tpu.memory_space<vmem>>
        %dma_start3A_1630 = tpu.memref_squeeze %dma_start3A_1629 : memref<1x32x128xf32, #tpu.memory_space<vmem>> -> memref<32x128xf32, #tpu.memory_space<vmem>>
        %dma_start3A_1631 = arith.constant 32 : i32
        %dma_start3A_1632 = tpu.memref_slice %arg3[%dma_start3A_1631, %multiple_of3A_1606] : memref<64x1000000xf32, #tpu.memory_space<hbm>> -> memref<32x128xf32, #tpu.memory_space<hbm>>
        tpu.enqueue_dma source(%dma_start3A_1632 : memref<32x128xf32, #tpu.memory_space<hbm>>) target(%dma_start3A_1630 : memref<32x128xf32, #tpu.memory_space<vmem>>) target_semaphore(%arg13 : memref<!tpu.dma_semaphore, #tpu.memory_space<semaphore_mem>>)
      } else {
      }
      %dma_wait3A_1450 = arith.constant 6 : i32
      %dma_wait3A_1451 = arith.constant 0 : i32
      %dma_wait3A_1452 = arith.constant 0 : i32
      %dma_wait3A_1453 = tpu.memref_slice %arg6[%dma_wait3A_1450, %dma_wait3A_1451, %dma_wait3A_1452] : memref<8x64x128xf32, #tpu.memory_space<vmem>> -> memref<1x64x128xf32, #tpu.memory_space<vmem>>
      %dma_wait3A_1454 = tpu.memref_squeeze %dma_wait3A_1453 : memref<1x64x128xf32, #tpu.memory_space<vmem>> -> memref<64x128xf32, #tpu.memory_space<vmem>>
      %dma_wait3A_1455 = arith.constant 0 : i32
      %dma_wait3A_1456 = arith.constant 0 : i32
      %dma_wait3A_1457 = tpu.memref_slice %arg3[%dma_wait3A_1455, %dma_wait3A_1456] : memref<64x1000000xf32, #tpu.memory_space<hbm>> -> memref<64x128xf32, #tpu.memory_space<hbm>>
      %dma_wait3A_1458 = arith.constant 0 : i32
      %dma_wait3A_1459 = arith.constant 0 : i32
      %dma_wait3A_1460 = tpu.memref_slice %arg6[%dma_wait3A_1450, %dma_wait3A_1458, %dma_wait3A_1459] : memref<8x64x128xf32, #tpu.memory_space<vmem>> -> memref<1x64x128xf32, #tpu.memory_space<vmem>>
      %dma_wait3A_1461 = tpu.memref_squeeze %dma_wait3A_1460 : memref<1x64x128xf32, #tpu.memory_space<vmem>> -> memref<64x128xf32, #tpu.memory_space<vmem>>
      %dma_wait3A_1462 = arith.constant 0 : i32
      %dma_wait3A_1463 = arith.constant 0 : i32
      %dma_wait3A_1464 = tpu.memref_slice %arg3[%dma_wait3A_1462, %dma_wait3A_1463] : memref<64x1000000xf32, #tpu.memory_space<hbm>> -> memref<64x128xf32, #tpu.memory_space<hbm>>
      tpu.wait_dma2 semaphore(%arg14 : memref<!tpu.dma_semaphore, #tpu.memory_space<semaphore_mem>>) src(%dma_wait3A_1464 : memref<64x128xf32, #tpu.memory_space<hbm>>) dst(%dma_wait3A_1461 : memref<64x128xf32, #tpu.memory_space<vmem>>)
      %slice3A_1465 = vector.extract_strided_slice %get3A_238 {offsets = [14], sizes = [1], strides = [1]} : vector<16xi32> to vector<1xi32>
      %squeeze3A_1466 = vector.extract %slice3A_1465[0] : i32 from vector<1xi32>
      %add3A_1467 = arith.constant 14 : i32
      %add3A_1468 = arith.addi %mul3A_258, %add3A_1467 : i32
      %and3A_1469 = arith.constant 127 : i32
      %and3A_1470 = arith.andi %squeeze3A_1466, %and3A_1469 : i32
      %broadcast_in_dim3A_1471 = vector.broadcast %and3A_1470 : i32 to vector<16xi32>
      %broadcast_in_dim3A_1472 = vector.broadcast %add3A_1468 : i32 to vector<16xi32>
      %iota3A_1473 = tpu.iota {dimensions = array<i32: 0>} : vector<16xi32>
      %add3A_1474 = arith.constant 0 : i32
      %add3A_1475 = vector.broadcast %add3A_1474 : i32 to vector<16xi32>
      %add3A_1476 = arith.addi %iota3A_1473, %add3A_1475 : vector<16xi32>
      %gather3A_1477 = arith.constant 6 : i32
      %gather3A_1478 = arith.constant 0 : i32
      %gather3A_1479 = arith.constant 0 : i32
      %gather3A_1480 = tpu.memref_slice %arg6[%gather3A_1477, %gather3A_1478, %gather3A_1479] : memref<8x64x128xf32, #tpu.memory_space<vmem>> -> memref<1x64x128xf32, #tpu.memory_space<vmem>>
      %gather3A_1481 = tpu.memref_squeeze %gather3A_1480 : memref<1x64x128xf32, #tpu.memory_space<vmem>> -> memref<64x128xf32, #tpu.memory_space<vmem>>
      %gather3A_1482 = tpu.vector_load_idx %gather3A_1481[%add3A_1476, %broadcast_in_dim3A_1471] : memref<64x128xf32, #tpu.memory_space<vmem>>[vector<16xi32>, vector<16xi32>], vector<16xf32>,
      tpu.vector_store_idx %arg7[%add3A_1476, %broadcast_in_dim3A_1472], %gather3A_1482 : memref<64x128xf32, #tpu.memory_space<vmem>>[vector<16xi32>, vector<16xi32>], vector<16xf32>,
      %iota3A_1483 = tpu.iota {dimensions = array<i32: 0>} : vector<16xi32>
      %add3A_1484 = arith.constant 16 : i32
      %add3A_1485 = vector.broadcast %add3A_1484 : i32 to vector<16xi32>
      %add3A_1486 = arith.addi %iota3A_1483, %add3A_1485 : vector<16xi32>
      %gather3A_1487 = arith.constant 6 : i32
      %gather3A_1488 = arith.constant 0 : i32
      %gather3A_1489 = arith.constant 0 : i32
      %gather3A_1490 = tpu.memref_slice %arg6[%gather3A_1487, %gather3A_1488, %gather3A_1489] : memref<8x64x128xf32, #tpu.memory_space<vmem>> -> memref<1x64x128xf32, #tpu.memory_space<vmem>>
      %gather3A_1491 = tpu.memref_squeeze %gather3A_1490 : memref<1x64x128xf32, #tpu.memory_space<vmem>> -> memref<64x128xf32, #tpu.memory_space<vmem>>
      %gather3A_1492 = tpu.vector_load_idx %gather3A_1491[%add3A_1486, %broadcast_in_dim3A_1471] : memref<64x128xf32, #tpu.memory_space<vmem>>[vector<16xi32>, vector<16xi32>], vector<16xf32>,
      tpu.vector_store_idx %arg7[%add3A_1486, %broadcast_in_dim3A_1472], %gather3A_1492 : memref<64x128xf32, #tpu.memory_space<vmem>>[vector<16xi32>, vector<16xi32>], vector<16xf32>,
      %iota3A_1493 = tpu.iota {dimensions = array<i32: 0>} : vector<16xi32>
      %add3A_1494 = arith.constant 32 : i32
      %add3A_1495 = vector.broadcast %add3A_1494 : i32 to vector<16xi32>
      %add3A_1496 = arith.addi %iota3A_1493, %add3A_1495 : vector<16xi32>
      %gather3A_1497 = arith.constant 6 : i32
      %gather3A_1498 = arith.constant 0 : i32
      %gather3A_1499 = arith.constant 0 : i32
      %gather3A_1500 = tpu.memref_slice %arg6[%gather3A_1497, %gather3A_1498, %gather3A_1499] : memref<8x64x128xf32, #tpu.memory_space<vmem>> -> memref<1x64x128xf32, #tpu.memory_space<vmem>>
      %gather3A_1501 = tpu.memref_squeeze %gather3A_1500 : memref<1x64x128xf32, #tpu.memory_space<vmem>> -> memref<64x128xf32, #tpu.memory_space<vmem>>
      %gather3A_1502 = tpu.vector_load_idx %gather3A_1501[%add3A_1496, %broadcast_in_dim3A_1471] : memref<64x128xf32, #tpu.memory_space<vmem>>[vector<16xi32>, vector<16xi32>], vector<16xf32>,
      tpu.vector_store_idx %arg7[%add3A_1496, %broadcast_in_dim3A_1472], %gather3A_1502 : memref<64x128xf32, #tpu.memory_space<vmem>>[vector<16xi32>, vector<16xi32>], vector<16xf32>,
      %iota3A_1503 = tpu.iota {dimensions = array<i32: 0>} : vector<16xi32>
      %add3A_1504 = arith.constant 48 : i32
      %add3A_1505 = vector.broadcast %add3A_1504 : i32 to vector<16xi32>
      %add3A_1506 = arith.addi %iota3A_1503, %add3A_1505 : vector<16xi32>
      %gather3A_1507 = arith.constant 6 : i32
      %gather3A_1508 = arith.constant 0 : i32
      %gather3A_1509 = arith.constant 0 : i32
      %gather3A_1510 = tpu.memref_slice %arg6[%gather3A_1507, %gather3A_1508, %gather3A_1509] : memref<8x64x128xf32, #tpu.memory_space<vmem>> -> memref<1x64x128xf32, #tpu.memory_space<vmem>>
      %gather3A_1511 = tpu.memref_squeeze %gather3A_1510 : memref<1x64x128xf32, #tpu.memory_space<vmem>> -> memref<64x128xf32, #tpu.memory_space<vmem>>
      %gather3A_1512 = tpu.vector_load_idx %gather3A_1511[%add3A_1506, %broadcast_in_dim3A_1471] : memref<64x128xf32, #tpu.memory_space<vmem>>[vector<16xi32>, vector<16xi32>], vector<16xf32>,
      tpu.vector_store_idx %arg7[%add3A_1506, %broadcast_in_dim3A_1472], %gather3A_1512 : memref<64x128xf32, #tpu.memory_space<vmem>>[vector<16xi32>, vector<16xi32>], vector<16xf32>,
      %convert_element_type3A_1513 = arith.extui %lt3A_246 : i1 to i32
      %cond3A_1514 = arith.constant 0 : i32
      %cond3A_1515 = arith.cmpi ne, %convert_element_type3A_1513, %cond3A_1514 : i32
      scf.if %cond3A_1515 {
        %slice3A_1600 = vector.extract_strided_slice %get3A_245 {offsets = [6], sizes = [1], strides = [1]} : vector<16xi32> to vector<1xi32>
        %squeeze3A_1601 = vector.extract %slice3A_1600[0] : i32 from vector<1xi32>
        %shift_right_logical3A_1602 = arith.constant 7 : i32
        %shift_right_logical3A_1603 = arith.shrui %squeeze3A_1601, %shift_right_logical3A_1602 : i32
        %mul3A_1604 = arith.constant 128 : i32
        %mul3A_1605 = arith.muli %shift_right_logical3A_1603, %mul3A_1604 : i32
        %multiple_of3A_1606 = tpu.assume_multiple %mul3A_1605, 128 : i32
        %dma_start3A_1607 = arith.constant 6 : i32
        %dma_start3A_1608 = arith.constant 0 : i32
        %dma_start3A_1609 = arith.constant 0 : i32
        %dma_start3A_1610 = tpu.memref_slice %arg6[%dma_start3A_1607, %dma_start3A_1608, %dma_start3A_1609] : memref<8x64x128xf32, #tpu.memory_space<vmem>> -> memref<1x32x128xf32, #tpu.memory_space<vmem>>
        %dma_start3A_1611 = tpu.memref_squeeze %dma_start3A_1610 : memref<1x32x128xf32, #tpu.memory_space<vmem>> -> memref<32x128xf32, #tpu.memory_space<vmem>>
        %dma_start3A_1612 = arith.constant 0 : i32
        %dma_start3A_1613 = tpu.memref_slice %arg3[%dma_start3A_1612, %multiple_of3A_1606] : memref<64x1000000xf32, #tpu.memory_space<hbm>> -> memref<32x128xf32, #tpu.memory_space<hbm>>
        %dma_start3A_1614 = arith.constant 0 : i32
        %dma_start3A_1615 = arith.constant 0 : i32
        %dma_start3A_1616 = tpu.memref_slice %arg6[%dma_start3A_1607, %dma_start3A_1614, %dma_start3A_1615] : memref<8x64x128xf32, #tpu.memory_space<vmem>> -> memref<1x32x128xf32, #tpu.memory_space<vmem>>
        %dma_start3A_1617 = tpu.memref_squeeze %dma_start3A_1616 : memref<1x32x128xf32, #tpu.memory_space<vmem>> -> memref<32x128xf32, #tpu.memory_space<vmem>>
        %dma_start3A_1618 = arith.constant 0 : i32
        %dma_start3A_1619 = tpu.memref_slice %arg3[%dma_start3A_1618, %multiple_of3A_1606] : memref<64x1000000xf32, #tpu.memory_space<hbm>> -> memref<32x128xf32, #tpu.memory_space<hbm>>
        tpu.enqueue_dma source(%dma_start3A_1619 : memref<32x128xf32, #tpu.memory_space<hbm>>) target(%dma_start3A_1617 : memref<32x128xf32, #tpu.memory_space<vmem>>) target_semaphore(%arg14 : memref<!tpu.dma_semaphore, #tpu.memory_space<semaphore_mem>>)
        %dma_start3A_1620 = arith.constant 6 : i32
        %dma_start3A_1621 = arith.constant 32 : i32
        %dma_start3A_1622 = arith.constant 0 : i32
        %dma_start3A_1623 = tpu.memref_slice %arg6[%dma_start3A_1620, %dma_start3A_1621, %dma_start3A_1622] : memref<8x64x128xf32, #tpu.memory_space<vmem>> -> memref<1x32x128xf32, #tpu.memory_space<vmem>>
        %dma_start3A_1624 = tpu.memref_squeeze %dma_start3A_1623 : memref<1x32x128xf32, #tpu.memory_space<vmem>> -> memref<32x128xf32, #tpu.memory_space<vmem>>
        %dma_start3A_1625 = arith.constant 32 : i32
        %dma_start3A_1626 = tpu.memref_slice %arg3[%dma_start3A_1625, %multiple_of3A_1606] : memref<64x1000000xf32, #tpu.memory_space<hbm>> -> memref<32x128xf32, #tpu.memory_space<hbm>>
        %dma_start3A_1627 = arith.constant 32 : i32
        %dma_start3A_1628 = arith.constant 0 : i32
        %dma_start3A_1629 = tpu.memref_slice %arg6[%dma_start3A_1620, %dma_start3A_1627, %dma_start3A_1628] : memref<8x64x128xf32, #tpu.memory_space<vmem>> -> memref<1x32x128xf32, #tpu.memory_space<vmem>>
        %dma_start3A_1630 = tpu.memref_squeeze %dma_start3A_1629 : memref<1x32x128xf32, #tpu.memory_space<vmem>> -> memref<32x128xf32, #tpu.memory_space<vmem>>
        %dma_start3A_1631 = arith.constant 32 : i32
        %dma_start3A_1632 = tpu.memref_slice %arg3[%dma_start3A_1631, %multiple_of3A_1606] : memref<64x1000000xf32, #tpu.memory_space<hbm>> -> memref<32x128xf32, #tpu.memory_space<hbm>>
        tpu.enqueue_dma source(%dma_start3A_1632 : memref<32x128xf32, #tpu.memory_space<hbm>>) target(%dma_start3A_1630 : memref<32x128xf32, #tpu.memory_space<vmem>>) target_semaphore(%arg14 : memref<!tpu.dma_semaphore, #tpu.memory_space<semaphore_mem>>)
      } else {
      }
      %dma_wait3A_1516 = arith.constant 7 : i32
      %dma_wait3A_1517 = arith.constant 0 : i32
      %dma_wait3A_1518 = arith.constant 0 : i32
      %dma_wait3A_1519 = tpu.memref_slice %arg6[%dma_wait3A_1516, %dma_wait3A_1517, %dma_wait3A_1518] : memref<8x64x128xf32, #tpu.memory_space<vmem>> -> memref<1x64x128xf32, #tpu.memory_space<vmem>>
      %dma_wait3A_1520 = tpu.memref_squeeze %dma_wait3A_1519 : memref<1x64x128xf32, #tpu.memory_space<vmem>> -> memref<64x128xf32, #tpu.memory_space<vmem>>
      %dma_wait3A_1521 = arith.constant 0 : i32
      %dma_wait3A_1522 = arith.constant 0 : i32
      %dma_wait3A_1523 = tpu.memref_slice %arg3[%dma_wait3A_1521, %dma_wait3A_1522] : memref<64x1000000xf32, #tpu.memory_space<hbm>> -> memref<64x128xf32, #tpu.memory_space<hbm>>
      %dma_wait3A_1524 = arith.constant 0 : i32
      %dma_wait3A_1525 = arith.constant 0 : i32
      %dma_wait3A_1526 = tpu.memref_slice %arg6[%dma_wait3A_1516, %dma_wait3A_1524, %dma_wait3A_1525] : memref<8x64x128xf32, #tpu.memory_space<vmem>> -> memref<1x64x128xf32, #tpu.memory_space<vmem>>
      %dma_wait3A_1527 = tpu.memref_squeeze %dma_wait3A_1526 : memref<1x64x128xf32, #tpu.memory_space<vmem>> -> memref<64x128xf32, #tpu.memory_space<vmem>>
      %dma_wait3A_1528 = arith.constant 0 : i32
      %dma_wait3A_1529 = arith.constant 0 : i32
      %dma_wait3A_1530 = tpu.memref_slice %arg3[%dma_wait3A_1528, %dma_wait3A_1529] : memref<64x1000000xf32, #tpu.memory_space<hbm>> -> memref<64x128xf32, #tpu.memory_space<hbm>>
      tpu.wait_dma2 semaphore(%arg15 : memref<!tpu.dma_semaphore, #tpu.memory_space<semaphore_mem>>) src(%dma_wait3A_1530 : memref<64x128xf32, #tpu.memory_space<hbm>>) dst(%dma_wait3A_1527 : memref<64x128xf32, #tpu.memory_space<vmem>>)
      %slice3A_1531 = vector.extract_strided_slice %get3A_238 {offsets = [15], sizes = [1], strides = [1]} : vector<16xi32> to vector<1xi32>
      %squeeze3A_1532 = vector.extract %slice3A_1531[0] : i32 from vector<1xi32>
      %add3A_1533 = arith.constant 15 : i32
      %add3A_1534 = arith.addi %mul3A_258, %add3A_1533 : i32
      %and3A_1535 = arith.constant 127 : i32
      %and3A_1536 = arith.andi %squeeze3A_1532, %and3A_1535 : i32
      %broadcast_in_dim3A_1537 = vector.broadcast %and3A_1536 : i32 to vector<16xi32>
      %broadcast_in_dim3A_1538 = vector.broadcast %add3A_1534 : i32 to vector<16xi32>
      %iota3A_1539 = tpu.iota {dimensions = array<i32: 0>} : vector<16xi32>
      %add3A_1540 = arith.constant 0 : i32
      %add3A_1541 = vector.broadcast %add3A_1540 : i32 to vector<16xi32>
      %add3A_1542 = arith.addi %iota3A_1539, %add3A_1541 : vector<16xi32>
      %gather3A_1543 = arith.constant 7 : i32
      %gather3A_1544 = arith.constant 0 : i32
      %gather3A_1545 = arith.constant 0 : i32
      %gather3A_1546 = tpu.memref_slice %arg6[%gather3A_1543, %gather3A_1544, %gather3A_1545] : memref<8x64x128xf32, #tpu.memory_space<vmem>> -> memref<1x64x128xf32, #tpu.memory_space<vmem>>
      %gather3A_1547 = tpu.memref_squeeze %gather3A_1546 : memref<1x64x128xf32, #tpu.memory_space<vmem>> -> memref<64x128xf32, #tpu.memory_space<vmem>>
      %gather3A_1548 = tpu.vector_load_idx %gather3A_1547[%add3A_1542, %broadcast_in_dim3A_1537] : memref<64x128xf32, #tpu.memory_space<vmem>>[vector<16xi32>, vector<16xi32>], vector<16xf32>,
      tpu.vector_store_idx %arg7[%add3A_1542, %broadcast_in_dim3A_1538], %gather3A_1548 : memref<64x128xf32, #tpu.memory_space<vmem>>[vector<16xi32>, vector<16xi32>], vector<16xf32>,
      %iota3A_1549 = tpu.iota {dimensions = array<i32: 0>} : vector<16xi32>
      %add3A_1550 = arith.constant 16 : i32
      %add3A_1551 = vector.broadcast %add3A_1550 : i32 to vector<16xi32>
      %add3A_1552 = arith.addi %iota3A_1549, %add3A_1551 : vector<16xi32>
      %gather3A_1553 = arith.constant 7 : i32
      %gather3A_1554 = arith.constant 0 : i32
      %gather3A_1555 = arith.constant 0 : i32
      %gather3A_1556 = tpu.memref_slice %arg6[%gather3A_1553, %gather3A_1554, %gather3A_1555] : memref<8x64x128xf32, #tpu.memory_space<vmem>> -> memref<1x64x128xf32, #tpu.memory_space<vmem>>
      %gather3A_1557 = tpu.memref_squeeze %gather3A_1556 : memref<1x64x128xf32, #tpu.memory_space<vmem>> -> memref<64x128xf32, #tpu.memory_space<vmem>>
      %gather3A_1558 = tpu.vector_load_idx %gather3A_1557[%add3A_1552, %broadcast_in_dim3A_1537] : memref<64x128xf32, #tpu.memory_space<vmem>>[vector<16xi32>, vector<16xi32>], vector<16xf32>,
      tpu.vector_store_idx %arg7[%add3A_1552, %broadcast_in_dim3A_1538], %gather3A_1558 : memref<64x128xf32, #tpu.memory_space<vmem>>[vector<16xi32>, vector<16xi32>], vector<16xf32>,
      %iota3A_1559 = tpu.iota {dimensions = array<i32: 0>} : vector<16xi32>
      %add3A_1560 = arith.constant 32 : i32
      %add3A_1561 = vector.broadcast %add3A_1560 : i32 to vector<16xi32>
      %add3A_1562 = arith.addi %iota3A_1559, %add3A_1561 : vector<16xi32>
      %gather3A_1563 = arith.constant 7 : i32
      %gather3A_1564 = arith.constant 0 : i32
      %gather3A_1565 = arith.constant 0 : i32
      %gather3A_1566 = tpu.memref_slice %arg6[%gather3A_1563, %gather3A_1564, %gather3A_1565] : memref<8x64x128xf32, #tpu.memory_space<vmem>> -> memref<1x64x128xf32, #tpu.memory_space<vmem>>
      %gather3A_1567 = tpu.memref_squeeze %gather3A_1566 : memref<1x64x128xf32, #tpu.memory_space<vmem>> -> memref<64x128xf32, #tpu.memory_space<vmem>>
      %gather3A_1568 = tpu.vector_load_idx %gather3A_1567[%add3A_1562, %broadcast_in_dim3A_1537] : memref<64x128xf32, #tpu.memory_space<vmem>>[vector<16xi32>, vector<16xi32>], vector<16xf32>,
      tpu.vector_store_idx %arg7[%add3A_1562, %broadcast_in_dim3A_1538], %gather3A_1568 : memref<64x128xf32, #tpu.memory_space<vmem>>[vector<16xi32>, vector<16xi32>], vector<16xf32>,
      %iota3A_1569 = tpu.iota {dimensions = array<i32: 0>} : vector<16xi32>
      %add3A_1570 = arith.constant 48 : i32
      %add3A_1571 = vector.broadcast %add3A_1570 : i32 to vector<16xi32>
      %add3A_1572 = arith.addi %iota3A_1569, %add3A_1571 : vector<16xi32>
      %gather3A_1573 = arith.constant 7 : i32
      %gather3A_1574 = arith.constant 0 : i32
      %gather3A_1575 = arith.constant 0 : i32
      %gather3A_1576 = tpu.memref_slice %arg6[%gather3A_1573, %gather3A_1574, %gather3A_1575] : memref<8x64x128xf32, #tpu.memory_space<vmem>> -> memref<1x64x128xf32, #tpu.memory_space<vmem>>
      %gather3A_1577 = tpu.memref_squeeze %gather3A_1576 : memref<1x64x128xf32, #tpu.memory_space<vmem>> -> memref<64x128xf32, #tpu.memory_space<vmem>>
      %gather3A_1578 = tpu.vector_load_idx %gather3A_1577[%add3A_1572, %broadcast_in_dim3A_1537] : memref<64x128xf32, #tpu.memory_space<vmem>>[vector<16xi32>, vector<16xi32>], vector<16xf32>,
      tpu.vector_store_idx %arg7[%add3A_1572, %broadcast_in_dim3A_1538], %gather3A_1578 : memref<64x128xf32, #tpu.memory_space<vmem>>[vector<16xi32>, vector<16xi32>], vector<16xf32>,
      %jit3A_1579 = arith.constant 8 : i32
      %eq3A_1580 = arith.constant 0 : i32
      %eq3A_1581 = arith.cmpi eq, %jit3A_1579, %eq3A_1580 : i32
      %jit3A_1582 = arith.constant 1 : i32
      %select_n3A_1583 = arith.select %eq3A_1581, %jit3A_1582, %jit3A_1579 : i32
      %rem3A_1584 = arith.remsi %scan3A_234, %select_n3A_1583 : i32
      %ne3A_1585 = arith.constant 0 : i32
      %ne3A_1586 = arith.cmpi ne, %rem3A_1584, %ne3A_1585 : i32
      %lt3A_1587 = arith.constant 0 : i32
      %lt3A_1588 = arith.cmpi slt, %rem3A_1584, %lt3A_1587 : i32
      %lt3A_1589 = arith.constant 0 : i32
      %lt3A_1590 = arith.cmpi slt, %select_n3A_1583, %lt3A_1589 : i32
      %ne3A_1591 = arith.xori %lt3A_1588, %lt3A_1590 : i1
      %and3A_1592 = arith.andi %ne3A_1591, %ne3A_1586 : i1
      %add3A_1593 = arith.addi %rem3A_1584, %select_n3A_1583 : i32
      %select_n3A_1594 = arith.select %and3A_1592, %add3A_1593, %rem3A_1584 : i32
      %eq3A_1595 = arith.constant 7 : i32
      %eq3A_1596 = arith.cmpi eq, %select_n3A_1594, %eq3A_1595 : i32
      %convert_element_type3A_1597 = arith.extui %eq3A_1596 : i1 to i32
      %cond3A_1598 = arith.constant 0 : i32
      %cond3A_1599 = arith.cmpi ne, %convert_element_type3A_1597, %cond3A_1598 : i32
      scf.if %cond3A_1599 {
        %mul3A_1600 = arith.constant 512 : i32
        %mul3A_1601 = arith.muli %add3A, %mul3A_1600 : i32
        %jit3A_1602 = arith.constant 8 : i32
        %div3A = arith.divsi %scan3A_234, %jit3A_1602 : i32
        %sign3A = arith.constant 0 : i32
        %sign3A_1603 = arith.cmpi sgt, %scan3A_234, %sign3A : i32
        %sign3A_1604 = arith.extui %sign3A_1603 : i1 to i32
        %sign3A_1605 = arith.constant 0 : i32
        %sign3A_1606 = arith.cmpi slt, %scan3A_234, %sign3A_1605 : i32
        %sign3A_1607 = arith.extui %sign3A_1606 : i1 to i32
        %sign3A_1608 = arith.subi %sign3A_1604, %sign3A_1607 : i32
        %sign3A_1609 = arith.constant 0 : i32
        %sign3A_1610 = arith.cmpi sgt, %jit3A_1602, %sign3A_1609 : i32
        %sign3A_1611 = arith.extui %sign3A_1610 : i1 to i32
        %sign3A_1612 = arith.constant 0 : i32
        %sign3A_1613 = arith.cmpi slt, %jit3A_1602, %sign3A_1612 : i32
        %sign3A_1614 = arith.extui %sign3A_1613 : i1 to i32
        %sign3A_1615 = arith.subi %sign3A_1611, %sign3A_1614 : i32
        %ne3A_1616 = arith.cmpi ne, %sign3A_1608, %sign3A_1615 : i32
        %rem3A_1617 = arith.remsi %scan3A_234, %jit3A_1602 : i32
        %ne3A_1618 = arith.constant 0 : i32
        %ne3A_1619 = arith.cmpi ne, %rem3A_1617, %ne3A_1618 : i32
        %and3A_1620 = arith.andi %ne3A_1616, %ne3A_1619 : i1
        %sub3A = arith.constant 1 : i32
        %sub3A_1621 = arith.subi %div3A, %sub3A : i32
        %select_n3A_1622 = arith.select %and3A_1620, %sub3A_1621, %div3A : i32
        %mul3A_1623 = arith.constant 128 : i32
        %mul3A_1624 = arith.muli %select_n3A_1622, %mul3A_1623 : i32
        %add3A_1625 = arith.addi %mul3A_1601, %mul3A_1624 : i32
        %multiple_of3A_1626 = tpu.assume_multiple %add3A_1625, 128 : i32
        "tpu.region"() ({
          %run_scoped3A = tpu.sem_alloc : memref<!tpu.dma_semaphore, #tpu.memory_space<semaphore_mem>>
          %dma_start3A_1627 = arith.constant 0 : i32
          %dma_start3A_1628 = tpu.memref_slice %arg4[%dma_start3A_1627, %multiple_of3A_1626] : memref<64x16384xf32, #tpu.memory_space<hbm>> -> memref<64x128xf32, #tpu.memory_space<hbm>>
          %dma_start3A_1629 = arith.constant 0 : i32
          %dma_start3A_1630 = tpu.memref_slice %arg4[%dma_start3A_1629, %multiple_of3A_1626] : memref<64x16384xf32, #tpu.memory_space<hbm>> -> memref<64x128xf32, #tpu.memory_space<hbm>>
          tpu.enqueue_dma source(%arg7 : memref<64x128xf32, #tpu.memory_space<vmem>>) target(%dma_start3A_1630 : memref<64x128xf32, #tpu.memory_space<hbm>>) target_semaphore(%run_scoped3A : memref<!tpu.dma_semaphore, #tpu.memory_space<semaphore_mem>>)
          %dma_wait3A_1631 = arith.constant 0 : i32
          %dma_wait3A_1632 = tpu.memref_slice %arg4[%dma_wait3A_1631, %multiple_of3A_1626] : memref<64x16384xf32, #tpu.memory_space<hbm>> -> memref<64x128xf32, #tpu.memory_space<hbm>>
          %dma_wait3A_1633 = arith.constant 0 : i32
          %dma_wait3A_1634 = tpu.memref_slice %arg4[%dma_wait3A_1633, %multiple_of3A_1626] : memref<64x16384xf32, #tpu.memory_space<hbm>> -> memref<64x128xf32, #tpu.memory_space<hbm>>
          tpu.wait_dma2 semaphore(%run_scoped3A : memref<!tpu.dma_semaphore, #tpu.memory_space<semaphore_mem>>) src(%arg7 : memref<64x128xf32, #tpu.memory_space<vmem>>) dst(%dma_wait3A_1634 : memref<64x128xf32, #tpu.memory_space<hbm>>)
          tpu.yield
        }) : () -> ()
      } else {
      }
    }
    %scan3A_233 = arith.constant 32 : i32
    return
  }
}

module attributes {stable_mosaic.version = 14 : i64} {
  func.func @_proj_body(%arg0: i32, %arg1: memref<64x2048xf32, #tpu.memory_space<vmem>>, %arg2: memref<128x64xf32, #tpu.memory_space<vmem>>, %arg3: memref<1x128xf32, #tpu.memory_space<vmem>>, %arg4: memref<2048x128xf32, #tpu.memory_space<vmem>>) attributes {dimension_semantics = [#tpu.dimension_semantics<arbitrary>], iteration_bounds = array<i64: 8>, scalar_prefetch = 0 : i64, scratch_operands = 0 : i64, tpu.core_type = #tpu.core_type<tc>, window_params = [{transform_indices = @transform_0, window_bounds = array<i64: 64, 2048>}, {pipeline_mode = #tpu.pipeline_mode<synchronous>, transform_indices = @transform_1, window_bounds = array<i64: 128, 64>}, {pipeline_mode = #tpu.pipeline_mode<synchronous>, transform_indices = @transform_2, window_bounds = array<i64: 1, 128>}, {transform_indices = @transform_3, window_bounds = array<i64: 2048, 128>}]} {
    %get3A = arith.constant 0 : index
    %get3A_0 = arith.constant 0 : index
    %get3A_1 = vector.load %arg1[%get3A, %get3A_0] : memref<64x2048xf32, #tpu.memory_space<vmem>>, vector<64x2048xf32>
    %get3A_2 = arith.constant 0 : index
    %get3A_3 = arith.constant 0 : index
    %get3A_4 = vector.load %arg2[%get3A_2, %get3A_3] : memref<128x64xf32, #tpu.memory_space<vmem>>, vector<128x64xf32>
    %dot_general3A = arith.constant dense<0.000000e+00> : vector<2048x128xf32>
    %dot_general3A_5 = tpu.matmul %get3A_1, %get3A_4, %dot_general3A {dimension_numbers = #tpu.dot_dimension_numbers<[0], [1], [1], [0], [0, 1, 1, 0], [], []>, transpose_lhs_hint = false} : vector<64x2048xf32>, vector<128x64xf32>, vector<2048x128xf32> -> vector<2048x128xf32>
    %get3A_6 = arith.constant 0 : index
    %get3A_7 = arith.constant 0 : index
    %get3A_8 = vector.load %arg3[%get3A_6, %get3A_7] : memref<1x128xf32, #tpu.memory_space<vmem>>, vector<1x128xf32>
    %add3A = vector.broadcast %get3A_8 : vector<1x128xf32> to vector<2048x128xf32>
    %add3A_9 = arith.addf %dot_general3A_5, %add3A : vector<2048x128xf32>
    %mul3A = arith.constant 5.000000e-01 : f32
    %mul3A_10 = vector.broadcast %mul3A : f32 to vector<2048x128xf32>
    %mul3A_11 = arith.mulf %add3A_9, %mul3A_10 : vector<2048x128xf32>
    %mul3A_12 = arith.constant 0.707106769 : f32
    %mul3A_13 = vector.broadcast %mul3A_12 : f32 to vector<2048x128xf32>
    %mul3A_14 = arith.mulf %add3A_9, %mul3A_13 : vector<2048x128xf32>
    %erf3A = math.erf %mul3A_14 : vector<2048x128xf32>
    %add3A_15 = arith.constant 1.000000e+00 : f32
    %add3A_16 = vector.broadcast %add3A_15 : f32 to vector<2048x128xf32>
    %add3A_17 = arith.addf %add3A_16, %erf3A : vector<2048x128xf32>
    %mul3A_18 = arith.mulf %mul3A_11, %add3A_17 : vector<2048x128xf32>
    %swap3A = arith.constant 0 : index
    %swap3A_19 = arith.constant 0 : index
    %swap3A_20 = vector.load %arg4[%swap3A, %swap3A_19] : memref<2048x128xf32, #tpu.memory_space<vmem>>, vector<2048x128xf32>
    tpu.vector_store %arg4[%swap3A, %swap3A_19], %mul3A_18 {strides = array<i32>} : memref<2048x128xf32, #tpu.memory_space<vmem>>, vector<2048x128xf32>,
    return
  }
  func.func @transform_0(%arg0: i32) -> (i32, i32) {
    %c0_i32 = arith.constant 0 : i32
    %c0_i32_0 = arith.constant 0 : i32
    return %c0_i32, %arg0 : i32, i32
  }
  func.func @transform_1(%arg0: i32) -> (i32, i32) {
    %c0_i32 = arith.constant 0 : i32
    %c0_i32_0 = arith.constant 0 : i32
    %c0_i32_1 = arith.constant 0 : i32
    return %c0_i32, %c0_i32_0 : i32, i32
  }
  func.func @transform_2(%arg0: i32) -> (i32, i32) {
    %c0_i32 = arith.constant 0 : i32
    %c0_i32_0 = arith.constant 0 : i32
    %c0_i32_1 = arith.constant 0 : i32
    return %c0_i32, %c0_i32_0 : i32, i32
  }
  func.func @transform_3(%arg0: i32) -> (i32, i32) {
    %c0_i32 = arith.constant 0 : i32
    %c0_i32_0 = arith.constant 0 : i32
    return %arg0, %c0_i32 : i32, i32
  }
}

</mosaic_0001>

<sc_bundles>
// kernel: kernel.4.cloned.1.call-start
scs
__scs_entry_jumppad:
0x0: {  	(pc) =	sbr.rel $0x88, $3  }
0x1: {  	(tag) =	ssettag $0x0;
	lr =	simm.s32 $0x1  }
0x2: {  	[smem:$0x3F9D] =	sst lr;
	_ =	strace $0xD0000000  }
0x3: {  	_ = 	snop  }
0x4: {  	_ = 	snop  }
0x5: {  	_ = 	snop  }
0x6: {  	_ = 	snop  }
0x7: {  	_ = 	snop  }
__scs_overlays_trampoline_lowered:
0x8: {  	[smem:$0x3FAC] =	sst s0  }
0x9: {  	[smem:$0x3FAD] =	sst s1  }
0xa: {  	[smem:$0x3FAE] =	sst s2  }
0xb: {  	[smem:$0x3FAF] =	sst s3  }
0xc: {  	[smem:$0x3FB0] =	sst s4  }
0xd: {  	[smem:$0x3FB1] =	sst s5  }
0xe: {  	[smem:$0x3FB2] =	sst s6  }
0xf: {  	[smem:$0x3FB3] =	sst s7  }
0x10: {  	[smem:$0x3FB4] =	sst s8  }
0x11: {  	[smem:$0x3FB5] =	sst s9;
	s0 =	simm.s32 @!p0 $0x0  }
0x12: {  	s1 =	sld [smem:$0x3F9B];
	s0 =	simm.s32 @p0 $0x1  }
0x13: {  	[smem:$0x3FB6] =	sst s0;
	s0 =	simm.s32 @!p1 $0x0  }
0x14: {  	s2 =	sld [smem:$0x3F9A];
	s0 =	simm.s32 @p1 $0x1  }
0x15: {  	[smem:$0x3FB7] =	sst s0;
	s0 =	simm.s32 @!p2 $0x0  }
0x16: {  	s3 =	sld [smem:$0x3FDB];
	s0 =	simm.s32 @p2 $0x1  }
0x17: {  	s4 =	simm.s32 $0x1BF5;
	[smem:$0x3FB9] =	sst s0  }
0x18: {  	s0 =	sld [smem:$0x3F9C];
	_ =	swait.ge [sflag:s4], $0x0  }
0x19: {  	s7 =	sld [smem:$0x3F9D]  }
0x1a: {  	s8 =	sadd.s32 $0xFFFFE003, lr  }
0x1b: {  	s9 =	sadd.s32 $0xFFFFFEF7, lr;
	s5 =	simm.s32 $0xFFFFFFFF;
	p2 =	slt.u32 s8, $0xFFFFF086  }
0x1c: {  	p1 =	slt.u32 s9, $0xF7A;
	s5 =	simm.s32 @!p2 $0x0  }
0x1d: {  	s5 =	simm.s32 @p1 $0x1;
	p0 =	seq.s32 s7, s2  }
0x1e: {  	s7 =	smul.u32 @!p0 $0xF7A, s2;
	p2 =	seq.s32 @!p0 s5, $0x0  }
0x1f: {  	s9 =	smul.u32 $0xF7A, s1;
	s8 =	simm.s32 @!p0 $0x1BF5;
	p2 =	por !p2, p0  }
0x20: {  	[sflag:s8] =	ssyncset.s32 @!p0 $0xFFFFF086;
	s6 =	sadd.s32 @!p0 s3, s7;
	s7 =	simm.s32 @!p0 $0x108  }
0x21: {  	s3 =	sadd.s32 s3, s9;
	s6 =	sadd.s32 @!p0 $0x88, s6;
	s7 =	simm.s32 @p2 $0x1082  }
0x22: {  	[simem:s7], [sflag:s8] =	dma.local @!p0 [hbm:s6], $0xF7A  }
0x23: {  	s9 =	sor.u32 $0xD0000000, s2;
	s6 =	simm.s32 $0x108;
	_ =	swait.ge @!p0 [sflag:s8], $0x0  }
0x24: {  	s3 =	sadd.s32 $0x88, s3;
	s6 =	simm.s32 @!p1 $0x1082;
	[sflag:s4] =	ssyncset.s32 $0xFFFFF086  }
0x25: {  	[simem:s6], [sflag:s4] =	dma.local [hbm:s3], $0xF7A  }
0x26: {  	[smem:$0x3F9D] =	sst s1;
	(tag) =	ssettag s2;
	_ =	strace s9  }
0x27: {  	s1 =	sld [smem:$0x3FAD]  }
0x28: {  	s2 =	sld [smem:$0x3FAE]  }
0x29: {  	s4 =	sld [smem:$0x3FB0]  }
0x2a: {  	p0 =	seq.s32 s5, $0x0;
	s5 =	sld [smem:$0x3FB1]  }
0x2b: {  	s6 =	sld [smem:$0x3FB2]  }
0x2c: {  	s7 =	sld [smem:$0x3FB3]  }
0x2d: {  	s3 =	simm.s32 $0x108;
	s8 =	sld [smem:$0x3FB4]  }
0x2e: {  	s3 =	simm.s32 @!p0 $0x1082;
	s9 =	sld [smem:$0x3FB5]  }
0x2f: {  	lr =	sadd.s32 s0, s3;
	s0 =	sld [smem:$0x3FAC]  }
0x30: {  	s3 =	sld [smem:$0x3FAF]  }
0x31: {  	[smem:$0x3FB8] =	sst s10  }
0x32: {  	s10 =	sld [smem:$0x3FB6];
	_ =	sdelay $0x3  }
0x33: {  	p0 =	seq.s32 s10, $0x1;
	s10 =	sld [smem:$0x3FB8];
	_ =	sdelay $0x3  }
0x34: {  	[smem:$0x3FB8] =	sst s10  }
0x35: {  	s10 =	sld [smem:$0x3FB7];
	_ =	sdelay $0x3  }
0x36: {  	p1 =	seq.s32 s10, $0x1;
	s10 =	sld [smem:$0x3FB8];
	_ =	sdelay $0x3  }
0x37: {  	[smem:$0x3FB8] =	sst s10  }
0x38: {  	s10 =	sld [smem:$0x3FB9]  }
0x39: {  	_ = 	snop;
	(pc) =	sbr.ind lr, $3  }
0x3a: {  	_ = 	snop  }
0x3b: {  	_ = 	snop  }
0x3c: {  	p2 =	seq.s32 s10, $0x1;
	s10 =	sld [smem:$0x3FB8]  }
0x3d: {  	_ =	shalt  }
0x3e: {  	_ =	shalt  }
0x3f: {  	_ =	shalt  }
0x40: {  	_ =	shalt  }
0x41: {  	_ =	shalt  }
0x42: {  	_ =	shalt  }
0x43: {  	_ =	shalt  }
0x44: {  	_ =	shalt  }
0x45: {  	_ =	shalt  }
0x46: {  	_ =	shalt  }
0x47: {  	_ =	shalt  }
0x48: {  	_ =	shalt  }
0x49: {  	_ =	shalt  }
0x4a: {  	_ =	shalt  }
0x4b: {  	_ =	shalt  }
0x4c: {  	_ =	shalt  }
0x4d: {  	_ =	shalt  }
0x4e: {  	_ =	shalt  }
0x4f: {  	_ =	shalt  }
0x50: {  	_ =	shalt  }
0x51: {  	_ =	shalt  }
0x52: {  	_ =	shalt  }
0x53: {  	_ =	shalt  }
0x54: {  	_ =	shalt  }
0x55: {  	_ =	shalt  }
0x56: {  	_ =	shalt  }
0x57: {  	_ =	shalt  }
0x58: {  	_ =	shalt  }
0x59: {  	_ =	shalt  }
0x5a: {  	_ =	shalt  }
0x5b: {  	_ =	shalt  }
0x5c: {  	_ =	shalt  }
0x5d: {  	_ =	shalt  }
0x5e: {  	_ =	shalt  }
0x5f: {  	_ =	shalt  }
0x60: {  	_ =	shalt  }
0x61: {  	_ =	shalt  }
0x62: {  	_ =	shalt  }
0x63: {  	_ =	shalt  }
0x64: {  	_ =	shalt  }
0x65: {  	_ =	shalt  }
0x66: {  	_ =	shalt  }
0x67: {  	_ =	shalt  }
0x68: {  	_ =	shalt  }
0x69: {  	_ =	shalt  }
0x6a: {  	_ =	shalt  }
0x6b: {  	_ =	shalt  }
0x6c: {  	_ =	shalt  }
0x6d: {  	_ =	shalt  }
0x6e: {  	_ =	shalt  }
0x6f: {  	_ =	shalt  }
0x70: {  	_ =	shalt  }
0x71: {  	_ =	shalt  }
0x72: {  	_ =	shalt  }
0x73: {  	_ =	shalt  }
0x74: {  	_ =	shalt  }
0x75: {  	_ =	shalt  }
0x76: {  	_ =	shalt  }
0x77: {  	_ =	shalt  }
0x78: {  	_ =	shalt  }
0x79: {  	_ =	shalt  }
0x7a: {  	_ =	shalt  }
0x7b: {  	_ =	shalt  }
0x7c: {  	_ =	shalt  }
0x7d: {  	_ =	shalt  }
0x7e: {  	_ =	shalt  }
0x7f: {  	_ =	shalt  }
0x80: {  	_ =	shalt  }
0x81: {  	_ =	shalt  }
0x82: {  	_ =	shalt  }
0x83: {  	_ =	shalt  }
0x84: {  	_ =	shalt  }
0x85: {  	_ =	shalt  }
0x86: {  	_ =	shalt  }
0x87: {  	_ =	shalt  }
.Lfunc_end0:
.L_simem_size_0:
called_computation_lowered:
.L_overlay_start_0:
0x88: {  	s2 =	sld [smem:$0x3FD9]  }
0x89: {  	s3 =	sld [smem:$0x3FFE];
	_ =	sdelay $0x1  }
0x8a: {  	s1 =	srdreg.scid  }
0x8b: {  	s0 =	sand.u32 $0x1, s1  }
0x8c: {  	s15 =	sshll.u32 s0, $0xA;
	s2 =	sadd.s32 s3, s2  }
0x8d: {  	s2 =	sadd.s32 s2, s15  }
0x8e: {  	[smem:$0x3FC4] =	sst s2  }
0x8f: {  	_ = 	snop  }
0x90: {  	s2 =	sld [smem:$0x3FD0];
	_ =	sdelay $0x1  }
0x91: {  	s16 =	sld [smem:$0x3FC9]  }
0x92: {  	s5 =	simm.s32 $0xA;
	s6 =	simm.s32 $0x10;
	s4 =	sld [smem:$0x3FC8]  }
0x93: {  	[smem:s6], [sflag:s5] =	dma.local [hbm:s2], $0x1  }
0x94: {  	_ =	swait.eq [sflag:s5], $0x1  }
0x95: {  	[sflag:s5] =	ssyncset.done $0x0  }
0x96: {  	[sflag:s5] =	ssyncadd.s32 $0xFFFFFFFF  }
0x97: {  	s17 =	sld [smem:$0x10];
	(tm) =	ssettm $0x1  }
0x98: {  	s18 =	sld [smem:$0x3FFB];
	_ =	sdelay $0x3  }
0x99: {  	_ =	strace s18  }
0x9a: {  	s5 =	sld [smem:$0x3FFC];
	_ =	sdelay $0x3  }
0x9b: {  	_ =	strace s5  }
0x9c: {  	s5 =	sld [smem:$0x3FFD];
	_ =	sdelay $0x3  }
0x9d: {  	_ =	strace s5  }
0x9e: {  	_ =	strace $0x8FFFFFFF  }
0x9f: {  	s19 =	sld [smem:$0x3FDB];
	_ =	sdelay $0x1  }
0xa0: {  	s20 =	simm.s32 $_scs_section_size  }
0xa1: {  	s7 =	simm.s32 $_size__tile_overlayer_lowered;
	s8 =	simm.s32 $_tile_overlayer_lowered  }
0xa2: {  	s23 =	simm.s32 $0x1BFF;
	s22 =	sshll.u32 s8, $0x1;
	s5 =	sadd.s32 s20, s19  }
0xa3: {  	s9 =	simm.s32 $0x0;
	s21 =	sshll.u32 s7, $0x1;
	s7 =	sadd.s32 s22, s5  }
0xa4: {  	[timem:s9], [sflag:s23] =	dma.local [hbm:s7], s21  }
0xa5: {  	_ =	swait.ge [sflag:s23], s21  }
0xa6: {  	s6 =	ssub.s32 $0x0, s21;
	[sflag:s23] =	ssyncset.done $0x0  }
0xa7: {  	[sflag:s23] =	ssyncadd.s32 s6;
	_ =	sdelay $0x1  }
0xa8: {  	s24 =	simm.s32 $0x1B8B  }
0xa9: {  	_ =	swait.ge [sflag:s24], $0x1  }
0xaa: {  	[sflag:s24] =	ssyncset.done $0x0  }
0xab: {  	s25 =	simm.s32 $0x1B8E;
	[sflag:s24] =	ssyncadd.s32 $0xFFFFFFFF  }
0xac: {  	s26 =	simm.s32 $execute0_lowered;
	[smem:$0x3FD2] =	sst s25  }
0xad: {  	s6 =	sshll.u32 s26, $0x1;
	_ =	strace $0x80000046;
	[dreg:$0x1] =	wrdreg $0xFFFFFFFF  }
0xae: {  	s28 =	simm.s32 $_size_execute0_lowered;
	s5 =	sadd.s32 s5, s6;
	[dreg:$0x0] =	wrdreg $0x0  }
0xaf: {  	s6 =	sshll.u32 s28, $0x1;
	[dreg:$0x2] =	wrdreg s5  }
0xb0: {  	[dreg:$0x3] =	wrdreg s6  }
0xb1: {  	[dreg:$0x4] =	wrdreg $0xC0  }
0xb2: {  	_ =	task [dreg:s9], $0x5FFFF  }
0xb3: {  	[dreg:$0x1] =	wrdreg $0xFFFFFFFF  }
0xb4: {  	[dreg:$0x0] =	wrdreg $0x60  }
0xb5: {  	[dreg:$0x2] =	wrdreg s16  }
0xb6: {  	[dreg:$0x3] =	wrdreg s4  }
0xb7: {  	[dreg:$0x4] =	wrdreg s17  }
0xb8: {  	[dreg:$0x5] =	wrdreg $0x9  }
0xb9: {  	_ =	task.clear_ibuf [dreg:s9], $0x6FFFF;
	_ =	strace $0x90000046  }
0xba: {  	s29 =	simm.s32 $0x9;
	_ =	strace $0x80000048  }
0xbb: {  	_ =	swait.ge [sflag:s29], $0x1  }
0xbc: {  	[sflag:s29] =	ssyncadd.s32 $0xFFFFFFFF  }
0xbd: {  	_ =	strace $0x90000048  }
0xbe: {  	_ =	sfence  }
0xbf: {  	s30 =	sld [smem:$0x0];
	_ =	sdelay $0x2  }
0xc0: {  	s31 =	sshll.u32 s1, $0xD;
	s1 =	sshrl.u32 s1, $0x2  }
0xc1: {  	s3 =	sand.u32 $0x4000, s31;
	s1 =	sadd.s32 s1, s30  }
0xc2: {  	s0 =	sor.u32 s3, s0;
	s1 =	sshll.u32 s1, $0x11  }
0xc3: {  	s0 =	sor.u32 s1, s0  }
0xc4: {  	s0 =	sadd.s32 $0x8F2B, s0  }
0xc5: {  	[sflag:s0] =	ssyncadd.remote.s32 $0x1  }
0xc6: {  	_ =	sfence.sel $0xFFFF  }
0xc7: {  	[dreg:$0x0] =	wrdreg $0xFFFFFFFF;
	(pc) =	sbr.abs _section_cstart, $3  }
0xc8: {  	[dreg:$0x1] =	wrdreg $0xFFFFFFFF  }
0xc9: {  	_ =	task.clear_ibuf [dreg:s9], $0x2FFFF;
	_ =	strace $0x9FFFFFFF  }
0xca: {  	(tm) =	ssettm $0x7FFFFFFF  }
0xcb: {  	_ =	shalt  }
tec
execute0_lowered:
.L_overlay_start_1:
0x0: {  	(tag) =	ssettag $0x1  }
0x1: {  	s0 =	rddreg [dreg:$0x0]  }
0x2: {  	s1 =	rddreg [dreg:$0x1]  }
0x3: {  	s2 =	rddreg [dreg:$0x2]  }
0x4: {  	s3 =	srdreg.scid;
	s5 =	simm.s32 $0x0;
	s4 =	stileid.u32  }
0x5: {  	s7 =	simm.s32 $0x400;
	s8 =	simm.s32 $0x7A1400;
	s18 =	simm.s32 $0x1200  }
0x6: {  	s20 =	simm.s32 $0x3200;
	s9 =	simm.s32 $0x4200;
	s19 =	simm.s32 $0x5200  }
0x7: {  	s10 =	simm.s32 $0x6200;
	s24 =	simm.s32 $0x7200;
	s11 =	simm.s32 $0x8200  }
0x8: {  	s25 =	simm.s32 $0x9200;
	s12 =	simm.s32 $0xA200;
	s29 =	simm.s32 $0xB200  }
0x9: {  	s13 =	simm.s32 $0xC200;
	s28 =	simm.s32 $0xE200;
	s23 =	simm.s32 $0x2200  }
0xa: {  	s17 =	simm.s32 $0x5;
	s21 =	simm.s32 $0x6;
	s15 =	simm.s32 $0xC200  }
0xb: {  	s3 =	sand.u32 $0x1, s3;
	[smem:$0x7FF] =	sst s5;
	s4 =	sshll.u32 s4, $0xA  }
0xc: {  	s26 =	sshll.u32 s3, $0x9;
	_ =	strace $0x80000047;
	s3 =	ssub.s32 $0x2, s3  }
0xd: {  	s4 =	sor.u32 s26, s4;
	s30 =	sshrl.u32 s3, $0x1;
	s26 =	simm.s32 $0x10200  }
0xe: {  	v0 =	vlaneseq.u32;
	s6 =	sshrl.u32 s4, $0x3;
	s2 =	sadd.s32 s2, s4;
	s3 =	ssub.s32 s3, s30  }
0xf: {  	v0 =	vmul.u32 $0x80, v0;
	s0 =	sadd.s32 s0, s6;
	[dreg:$0x4] =	wrdreg s2;
	s31 =	smax.u32 s3, $0x1  }
0x10: {  	s3 =	simm.s32 $0x200;
	s6 =	simm.s32 $0x2200;
	[dreg:$0x5] =	wrdreg s0  }
0x11: {  	v1 =	vor.u32 $0x800, v0;
	v2 =	vor.u32 $0x1000, v0;
	v3 =	vor.u32 $0x1800, v0;
	s2 =	simm.s32 $0x0;
	[dreg:$0x6] =	wrdreg s31;
	s0 =	simm.s32 $0x1  }
.LBB2_1:
0x12: {  	[dreg:$0x7] =	wrdreg s2  }
0x13: {  	s4 =	simm.s32 $0x0;
	s5 =	rddreg [dreg:$0x5];
	s31 =	simm.s32 $0x9  }
0x14: {  	[tilespmem:s4], [sflag:$0x9] =	stream.linear.gather [hbm4b:s5+s4], $0x200, $0x38;
	[tilespmem:$0x12200] =	vst v63  }
0x15: {  	_ =	swait.ge [sflag:s31], $0x200  }
0x16: {  	[sflag:s31] =	ssyncset.done $0x0  }
0x17: {  	[sflag:s31] =	ssyncadd.s32 $0xFFFFFE00  }
0x18: {  	v4 =	vld [tilespmem:$0x0];
	_ =	sdelay $0x4  }
0x19: {  	(v2sf) =	vpush v4, $0x0;
	_ =	sdelay $0x3  }
0x1a: {  	(v2sf) =	vpush v4, $0x1;
	_ =	sdelay $0x4  }
0x1b: {  	(v2sf) =	vpush v4, $0x2;
	_ =	sdelay $0x5  }
0x1c: {  	s2 =	spop (v2sf)  }
0x1d: {  	(v2sf) =	vpush v4, $0x3;
	s4 =	sand.u32 $0xFFFFF80, s2  }
0x1e: {  	s4 =	sadd.s32 s1, s4  }
0x1f: {  	[tilespmem:s3], [sflag:$0x1] =	stream.strided.gather [hbm4b:s4+s7], $0x1000, s8, s7, $0x38;
	[tilespmem:$0x12200] =	vst v63  }
0x20: {  	s5 =	spop (v2sf);
	s4 =	sadd.s32 $0x3D0A00, s4  }
0x21: {  	(v2sf) =	vpush v4, $0x4;
	[tilespmem:s18], [sflag:$0x1] =	stream.strided.gather [hbm4b:s4+s7], $0x1000, s8, s7, $0x38;
	[tilespmem:$0x12200] =	vst v63  }
0x22: {  	s4 =	sand.u32 $0xFFFFF80, s5  }
0x23: {  	s4 =	sadd.s32 s1, s4  }
0x24: {  	[tilespmem:s6], [sflag:$0x2] =	stream.strided.gather [hbm4b:s4+s7], $0x1000, s8, s7, $0x38;
	[tilespmem:$0x12200] =	vst v63  }
0x25: {  	s4 =	sadd.s32 $0x3D0A00, s4;
	s6 =	spop (v2sf)  }
0x26: {  	(v2sf) =	vpush v4, $0x5;
	[tilespmem:s20], [sflag:$0x2] =	stream.strided.gather [hbm4b:s4+s7], $0x1000, s8, s7, $0x38;
	[tilespmem:$0x12200] =	vst v63  }
0x27: {  	s4 =	sand.u32 $0xFFFFF80, s6  }
0x28: {  	s4 =	sadd.s32 s1, s4  }
0x29: {  	[tilespmem:s9], [sflag:$0x3] =	stream.strided.gather [hbm4b:s4+s7], $0x1000, s8, s7, $0x38;
	[tilespmem:$0x12200] =	vst v63  }
0x2a: {  	s4 =	sadd.s32 $0x3D0A00, s4  }
0x2b: {  	[tilespmem:s19], [sflag:$0x3] =	stream.strided.gather [hbm4b:s4+s7], $0x1000, s8, s7, $0x38;
	[tilespmem:$0x12200] =	vst v63  }
0x2c: {  	s9 =	spop (v2sf)  }
0x2d: {  	(v2sf) =	vpush v4, $0x6;
	s4 =	sand.u32 $0xFFFFF80, s9  }
0x2e: {  	s4 =	sadd.s32 s1, s4  }
0x2f: {  	[tilespmem:s10], [sflag:$0x4] =	stream.strided.gather [hbm4b:s4+s7], $0x1000, s8, s7, $0x38;
	[tilespmem:$0x12200] =	vst v63  }
0x30: {  	s10 =	spop (v2sf)  }
0x31: {  	s4 =	sadd.s32 $0x3D0A00, s4;
	s14 =	sand.u32 $0xFFFFF80, s10  }
0x32: {  	[tilespmem:s24], [sflag:$0x4] =	stream.strided.gather [hbm4b:s4+s7], $0x1000, s8, s7, $0x38;
	[tilespmem:$0x12200] =	vst v63  }
0x33: {  	s4 =	sadd.s32 s1, s14  }
0x34: {  	[tilespmem:s11], [sflag:$0x5] =	stream.strided.gather [hbm4b:s4+s7], $0x1000, s8, s7, $0x38;
	[tilespmem:$0x12200] =	vst v63  }
0x35: {  	s16 =	spop (v2sf)  }
0x36: {  	s4 =	sadd.s32 $0x3D0A00, s4;
	s22 =	sand.u32 $0xFFFFF80, s16  }
0x37: {  	[tilespmem:s25], [sflag:$0x5] =	stream.strided.gather [hbm4b:s4+s7], $0x1000, s8, s7, $0x38;
	[tilespmem:$0x12200] =	vst v63  }
0x38: {  	s4 =	sadd.s32 s1, s22  }
0x39: {  	[tilespmem:s12], [sflag:$0x6] =	stream.strided.gather [hbm4b:s4+s7], $0x1000, s8, s7, $0x38;
	[tilespmem:$0x12200] =	vst v63  }
0x3a: {  	s4 =	sadd.s32 $0x3D0A00, s4  }
0x3b: {  	[tilespmem:s29], [sflag:$0x6] =	stream.strided.gather [hbm4b:s4+s7], $0x1000, s8, s7, $0x38;
	[tilespmem:$0x12200] =	vst v63  }
0x3c: {  	s30 =	spop (v2sf)  }
0x3d: {  	s4 =	sand.u32 $0xFFFFF80, s30  }
0x3e: {  	s4 =	sadd.s32 s1, s4  }
0x3f: {  	[tilespmem:s13], [sflag:$0x7] =	stream.strided.gather [hbm4b:s4+s7], $0x1000, s8, s7, $0x38;
	[tilespmem:$0x12200] =	vst v63  }
0x40: {  	s31 =	simm.s32 $0xD200;
	s4 =	sadd.s32 $0x3D0A00, s4  }
0x41: {  	[tilespmem:s31], [sflag:$0x7] =	stream.strided.gather [hbm4b:s4+s7], $0x1000, s8, s7, $0x38;
	[tilespmem:$0x12200] =	vst v63  }
0x42: {  	s5 =	simm.s32 $0x0;
	s6 =	simm.s32 $0x1;
	s4 =	simm.s32 $0x0  }
.LBB2_2:
0x43: {  	v5 =	vld [tilespmem:s5+$0x0];
	_ =	sdelay $0x4  }
0x44: {  	(v2sf) =	vpush v5, $0x7;
	_ =	sdelay $0xe  }
0x45: {  	s14 =	spop (v2sf)  }
0x46: {  	s10 =	smin.u32 s6, $0x1F;
	s12 =	sand.u32 $0xFFFFF80, s14  }
0x47: {  	s10 =	sshll.u32 s10, $0x4;
	s22 =	sadd.s32 s1, s12  }
0x48: {  	v4 =	vld [tilespmem:s10+$0x0];
	[tilespmem:s28], [sflag:$0x8] =	stream.strided.gather [hbm4b:s22+s7], $0x1000, s8, s7, $0x38  }
0x49: {  	s2 =	simm.s32 $0xF200;
	s10 =	sadd.s32 $0x3D0A00, s22  }
0x4a: {  	[tilespmem:s2], [sflag:$0x8] =	stream.strided.gather [hbm4b:s10+s7], $0x1000, s8, s7, $0x38;
	[tilespmem:$0x12200] =	vst v63  }
0x4b: {  	_ =	swait.ge [sflag:s0], $0x2000  }
0x4c: {  	(v2sf) =	vpush v5, $0x0;
	_ =	sdelay $0xe  }
0x4d: {  	s30 =	spop (v2sf)  }
0x4e: {  	s16 =	sand.u32 $0x7F, s30  }
0x4f: {  	v6 =	vor.u32 s16, v0;
	_ =	sdelay $0x1  }
0x50: {  	s31 =	simm.s32 $0x1;
	s0 =	sadd.s32 $0xFFFFFFFF, s6  }
0x51: {  	s2 =	sand.u32 $0x7, s0;
	[sflag:s31] =	ssyncset.done $0x0  }
0x52: {  	s13 =	simm.s32 $0x200;
	s12 =	sshll.u32 s2, $0x4;
	[sflag:s31] =	ssyncadd.s32 $0xFFFFE000  }
0x53: {  	v7 =	vor.u32 s12, v0;
	v6 =	vld.idx.msk [tilespmem:v6+s13+$0x0], $0xffff  }
0x54: {  	v8 =	vor.u32 s16, v1;
	_ =	sdelay $0x3  }
0x55: {  	[tilespmem:v7+s26+$0x0] =	vst.idx.msk $0xffff, v6  }
0x56: {  	v60 =	vor.u32 s12, v1;
	(v2sf) =	vpush v5, $0x8;
	v6 =	vld.idx.msk [tilespmem:v8+s13+$0x0], $0xffff  }
0x57: {  	v61 =	vor.u32 s16, v2;
	_ =	sdelay $0x3  }
0x58: {  	[tilespmem:v60+s26+$0x0] =	vst.idx.msk $0xffff, v6  }
0x59: {  	v62 =	vor.u32 s12, v2;
	v6 =	vld.idx.msk [tilespmem:v61+s13+$0x0], $0xffff  }
0x5a: {  	v63 =	vor.u32 s16, v3;
	_ =	sdelay $0x3  }
0x5b: {  	[tilespmem:v62+s26+$0x0] =	vst.idx.msk $0xffff, v6  }
0x5c: {  	v12 =	vor.u32 s12, v3;
	v6 =	vld.idx.msk [tilespmem:v63+s13+$0x0], $0xffff;
	_ =	sdelay $0x2  }
0x5d: {  	s28 =	spop (v2sf)  }
0x5e: {  	s3 =	sand.u32 $0xFFFFF80, s28  }
0x5f: {  	s16 =	sadd.s32 s1, s3;
	[tilespmem:v12+s26+$0x0] =	vst.idx.msk $0xffff, v6  }
0x60: {  	[tilespmem:s13], [sflag:$0x1] =	stream.strided.gather [hbm4b:s16+s7], $0x1000, s8, s7, $0x38;
	[tilespmem:$0x12200] =	vst v63  }
0x61: {  	s9 =	simm.s32 $0x2;
	[dreg:$0x8] =	wrdreg s2;
	s16 =	sadd.s32 $0x3D0A00, s16  }
0x62: {  	[tilespmem:s18], [sflag:$0x1] =	stream.strided.gather [hbm4b:s16+s7], $0x1000, s8, s7, $0x38;
	[tilespmem:$0x12200] =	vst v63  }
0x63: {  	_ =	swait.ge [sflag:s9], $0x2000  }
0x64: {  	(v2sf) =	vpush v5, $0x1;
	_ =	sdelay $0xe  }
0x65: {  	s10 =	spop (v2sf)  }
0x66: {  	s16 =	sand.u32 $0x7F, s10  }
0x67: {  	v13 =	vor.u32 s16, v0;
	_ =	sdelay $0x2  }
0x68: {  	[sflag:s9] =	ssyncset.done $0x0  }
0x69: {  	s11 =	sor.u32 $0x1, s12;
	[sflag:s9] =	ssyncadd.s32 $0xFFFFE000  }
0x6a: {  	v14 =	vor.u32 s11, v0;
	v6 =	vld.idx.msk [tilespmem:v13+s23+$0x0], $0xffff  }
0x6b: {  	v15 =	vor.u32 s16, v1;
	_ =	sdelay $0x3  }
0x6c: {  	[tilespmem:v14+s26+$0x0] =	vst.idx.msk $0xffff, v6  }
0x6d: {  	v16 =	vor.u32 s11, v1;
	(v2sf) =	vpush v5, $0x9;
	v6 =	vld.idx.msk [tilespmem:v15+s23+$0x0], $0xffff  }
0x6e: {  	v17 =	vor.u32 s16, v2;
	_ =	sdelay $0x3  }
0x6f: {  	[tilespmem:v16+s26+$0x0] =	vst.idx.msk $0xffff, v6  }
0x70: {  	v18 =	vor.u32 s11, v2;
	v6 =	vld.idx.msk [tilespmem:v17+s23+$0x0], $0xffff  }
0x71: {  	v19 =	vor.u32 s16, v3;
	_ =	sdelay $0x3  }
0x72: {  	[tilespmem:v18+s26+$0x0] =	vst.idx.msk $0xffff, v6  }
0x73: {  	v20 =	vor.u32 s11, v3;
	v6 =	vld.idx.msk [tilespmem:v19+s23+$0x0], $0xffff;
	_ =	sdelay $0x2  }
0x74: {  	s16 =	spop (v2sf)  }
0x75: {  	s22 =	sand.u32 $0xFFFFF80, s16  }
0x76: {  	s18 =	sadd.s32 s1, s22;
	[tilespmem:v20+s26+$0x0] =	vst.idx.msk $0xffff, v6  }
0x77: {  	[tilespmem:s23], [sflag:$0x2] =	stream.strided.gather [hbm4b:s18+s7], $0x1000, s8, s7, $0x38;
	[tilespmem:$0x12200] =	vst v63  }
0x78: {  	s9 =	simm.s32 $0x3;
	s18 =	sadd.s32 $0x3D0A00, s18  }
0x79: {  	[tilespmem:s20], [sflag:$0x2] =	stream.strided.gather [hbm4b:s18+s7], $0x1000, s8, s7, $0x38;
	[tilespmem:$0x12200] =	vst v63  }
0x7a: {  	_ =	swait.ge [sflag:s9], $0x2000  }
0x7b: {  	(v2sf) =	vpush v5, $0x2;
	_ =	sdelay $0xe  }
0x7c: {  	s0 =	spop (v2sf)  }
0x7d: {  	s18 =	sand.u32 $0x7F, s0  }
0x7e: {  	v21 =	vor.u32 s18, v0;
	_ =	sdelay $0x2  }
0x7f: {  	[sflag:s9] =	ssyncset.done $0x0  }
0x80: {  	s2 =	sor.u32 $0x2, s12;
	[sflag:s9] =	ssyncadd.s32 $0xFFFFE000;
	s0 =	simm.s32 $0x4200  }
0x81: {  	v22 =	vor.u32 s2, v0;
	v6 =	vld.idx.msk [tilespmem:v21+s0+$0x0], $0xffff  }
0x82: {  	v23 =	vor.u32 s18, v1;
	_ =	sdelay $0x3  }
0x83: {  	[tilespmem:v22+s26+$0x0] =	vst.idx.msk $0xffff, v6  }
0x84: {  	v24 =	vor.u32 s2, v1;
	(v2sf) =	vpush v5, $0xA;
	v6 =	vld.idx.msk [tilespmem:v23+s0+$0x0], $0xffff  }
0x85: {  	v25 =	vor.u32 s18, v2;
	_ =	sdelay $0x3  }
0x86: {  	[tilespmem:v24+s26+$0x0] =	vst.idx.msk $0xffff, v6  }
0x87: {  	v26 =	vor.u32 s2, v2;
	v6 =	vld.idx.msk [tilespmem:v25+s0+$0x0], $0xffff  }
0x88: {  	v27 =	vor.u32 s18, v3;
	_ =	sdelay $0x3  }
0x89: {  	[tilespmem:v26+s26+$0x0] =	vst.idx.msk $0xffff, v6  }
0x8a: {  	v28 =	vor.u32 s2, v3;
	v6 =	vld.idx.msk [tilespmem:v27+s0+$0x0], $0xffff;
	_ =	sdelay $0x2  }
0x8b: {  	s18 =	spop (v2sf)  }
0x8c: {  	s3 =	sand.u32 $0xFFFFF80, s18  }
0x8d: {  	s20 =	sadd.s32 s1, s3;
	[tilespmem:v28+s26+$0x0] =	vst.idx.msk $0xffff, v6  }
0x8e: {  	[tilespmem:s0], [sflag:$0x3] =	stream.strided.gather [hbm4b:s20+s7], $0x1000, s8, s7, $0x38;
	[tilespmem:$0x12200] =	vst v63  }
0x8f: {  	s20 =	sadd.s32 $0x3D0A00, s20  }
0x90: {  	[tilespmem:s19], [sflag:$0x3] =	stream.strided.gather [hbm4b:s20+s7], $0x1000, s8, s7, $0x38;
	[tilespmem:$0x12200] =	vst v63  }
0x91: {  	s19 =	simm.s32 $0x4  }
0x92: {  	_ =	swait.ge [sflag:s19], $0x2000  }
0x93: {  	(v2sf) =	vpush v5, $0x3;
	_ =	sdelay $0xe  }
0x94: {  	s10 =	spop (v2sf)  }
0x95: {  	s20 =	sand.u32 $0x7F, s10  }
0x96: {  	v29 =	vor.u32 s20, v0;
	_ =	sdelay $0x2  }
0x97: {  	[sflag:s19] =	ssyncset.done $0x0  }
0x98: {  	s2 =	simm.s32 $0x6200;
	s22 =	sor.u32 $0x3, s12;
	[sflag:s19] =	ssyncadd.s32 $0xFFFFE000  }
0x99: {  	v30 =	vor.u32 s22, v0;
	v6 =	vld.idx.msk [tilespmem:v29+s2+$0x0], $0xffff  }
0x9a: {  	v31 =	vor.u32 s20, v1;
	_ =	sdelay $0x3  }
0x9b: {  	[tilespmem:v30+s26+$0x0] =	vst.idx.msk $0xffff, v6  }
0x9c: {  	v32 =	vor.u32 s22, v1;
	(v2sf) =	vpush v5, $0xB;
	v6 =	vld.idx.msk [tilespmem:v31+s2+$0x0], $0xffff  }
0x9d: {  	v33 =	vor.u32 s20, v2;
	_ =	sdelay $0x3  }
0x9e: {  	[tilespmem:v32+s26+$0x0] =	vst.idx.msk $0xffff, v6  }
0x9f: {  	v34 =	vor.u32 s22, v2;
	v6 =	vld.idx.msk [tilespmem:v33+s2+$0x0], $0xffff  }
0xa0: {  	v35 =	vor.u32 s20, v3;
	_ =	sdelay $0x3  }
0xa1: {  	[tilespmem:v34+s26+$0x0] =	vst.idx.msk $0xffff, v6  }
0xa2: {  	v36 =	vor.u32 s22, v3;
	v6 =	vld.idx.msk [tilespmem:v35+s2+$0x0], $0xffff;
	_ =	sdelay $0x2  }
0xa3: {  	s20 =	spop (v2sf)  }
0xa4: {  	s11 =	sand.u32 $0xFFFFF80, s20  }
0xa5: {  	s22 =	sadd.s32 s1, s11;
	[tilespmem:v36+s26+$0x0] =	vst.idx.msk $0xffff, v6  }
0xa6: {  	[tilespmem:s2], [sflag:$0x4] =	stream.strided.gather [hbm4b:s22+s7], $0x1000, s8, s7, $0x38;
	[tilespmem:$0x12200] =	vst v63  }
0xa7: {  	s22 =	sadd.s32 $0x3D0A00, s22  }
0xa8: {  	[tilespmem:s24], [sflag:$0x4] =	stream.strided.gather [hbm4b:s22+s7], $0x1000, s8, s7, $0x38;
	[tilespmem:$0x12200] =	vst v63  }
0xa9: {  	_ =	swait.ge [sflag:s17], $0x2000  }
0xaa: {  	(v2sf) =	vpush v5, $0x4;
	_ =	sdelay $0xe  }
0xab: {  	s3 =	spop (v2sf)  }
0xac: {  	s22 =	sand.u32 $0x7F, s3  }
0xad: {  	v37 =	vor.u32 s22, v0;
	_ =	sdelay $0x2  }
0xae: {  	[sflag:s17] =	ssyncset.done $0x0  }
0xaf: {  	s10 =	sor.u32 $0x4, s12;
	s11 =	simm.s32 $0x8200;
	[sflag:s17] =	ssyncadd.s32 $0xFFFFE000  }
0xb0: {  	v38 =	vor.u32 s10, v0;
	v6 =	vld.idx.msk [tilespmem:v37+s11+$0x0], $0xffff  }
0xb1: {  	v39 =	vor.u32 s22, v1;
	_ =	sdelay $0x3  }
0xb2: {  	[tilespmem:v38+s26+$0x0] =	vst.idx.msk $0xffff, v6  }
0xb3: {  	v40 =	vor.u32 s10, v1;
	(v2sf) =	vpush v5, $0xC;
	v6 =	vld.idx.msk [tilespmem:v39+s11+$0x0], $0xffff  }
0xb4: {  	v41 =	vor.u32 s22, v2;
	_ =	sdelay $0x3  }
0xb5: {  	[tilespmem:v40+s26+$0x0] =	vst.idx.msk $0xffff, v6  }
0xb6: {  	v42 =	vor.u32 s10, v2;
	v6 =	vld.idx.msk [tilespmem:v41+s11+$0x0], $0xffff  }
0xb7: {  	v43 =	vor.u32 s22, v3;
	_ =	sdelay $0x3  }
0xb8: {  	[tilespmem:v42+s26+$0x0] =	vst.idx.msk $0xffff, v6  }
0xb9: {  	v44 =	vor.u32 s10, v3;
	v6 =	vld.idx.msk [tilespmem:v43+s11+$0x0], $0xffff;
	_ =	sdelay $0x2  }
0xba: {  	s3 =	spop (v2sf)  }
0xbb: {  	s22 =	sand.u32 $0xFFFFF80, s3  }
0xbc: {  	s24 =	sadd.s32 s1, s22;
	[tilespmem:v44+s26+$0x0] =	vst.idx.msk $0xffff, v6  }
0xbd: {  	[tilespmem:s11], [sflag:$0x5] =	stream.strided.gather [hbm4b:s24+s7], $0x1000, s8, s7, $0x38;
	[tilespmem:$0x12200] =	vst v63  }
0xbe: {  	[dreg:$0x9] =	wrdreg s3;
	s24 =	sadd.s32 $0x3D0A00, s24  }
0xbf: {  	[tilespmem:s25], [sflag:$0x5] =	stream.strided.gather [hbm4b:s24+s7], $0x1000, s8, s7, $0x38;
	[tilespmem:$0x12200] =	vst v63  }
0xc0: {  	_ =	swait.ge [sflag:s21], $0x2000  }
0xc1: {  	(v2sf) =	vpush v5, $0x5;
	_ =	sdelay $0xe  }
0xc2: {  	s3 =	spop (v2sf)  }
0xc3: {  	s24 =	sand.u32 $0x7F, s3  }
0xc4: {  	v45 =	vor.u32 s24, v0;
	_ =	sdelay $0x2  }
0xc5: {  	[sflag:s21] =	ssyncset.done $0x0  }
0xc6: {  	s10 =	sor.u32 $0x5, s12;
	[sflag:s21] =	ssyncadd.s32 $0xFFFFE000;
	s3 =	simm.s32 $0xA200  }
0xc7: {  	v46 =	vor.u32 s10, v0;
	v6 =	vld.idx.msk [tilespmem:v45+s3+$0x0], $0xffff  }
0xc8: {  	v47 =	vor.u32 s24, v1;
	_ =	sdelay $0x3  }
0xc9: {  	[tilespmem:v46+s26+$0x0] =	vst.idx.msk $0xffff, v6  }
0xca: {  	v48 =	vor.u32 s10, v1;
	(v2sf) =	vpush v5, $0xD;
	v6 =	vld.idx.msk [tilespmem:v47+s3+$0x0], $0xffff  }
0xcb: {  	v49 =	vor.u32 s24, v2;
	_ =	sdelay $0x3  }
0xcc: {  	[tilespmem:v48+s26+$0x0] =	vst.idx.msk $0xffff, v6  }
0xcd: {  	v50 =	vor.u32 s10, v2;
	v6 =	vld.idx.msk [tilespmem:v49+s3+$0x0], $0xffff  }
0xce: {  	v51 =	vor.u32 s24, v3;
	_ =	sdelay $0x3  }
0xcf: {  	[tilespmem:v50+s26+$0x0] =	vst.idx.msk $0xffff, v6  }
0xd0: {  	v52 =	vor.u32 s10, v3;
	v6 =	vld.idx.msk [tilespmem:v51+s3+$0x0], $0xffff;
	_ =	sdelay $0x2  }
0xd1: {  	s24 =	spop (v2sf)  }
0xd2: {  	s22 =	sand.u32 $0xFFFFF80, s24  }
0xd3: {  	s25 =	sadd.s32 s1, s22;
	[tilespmem:v52+s26+$0x0] =	vst.idx.msk $0xffff, v6  }
0xd4: {  	[tilespmem:s3], [sflag:$0x6] =	stream.strided.gather [hbm4b:s25+s7], $0x1000, s8, s7, $0x38;
	[tilespmem:$0x12200] =	vst v63  }
0xd5: {  	s22 =	simm.s32 $0x7;
	s25 =	sadd.s32 $0x3D0A00, s25  }
0xd6: {  	[tilespmem:s29], [sflag:$0x6] =	stream.strided.gather [hbm4b:s25+s7], $0x1000, s8, s7, $0x38;
	[tilespmem:$0x12200] =	vst v63  }
0xd7: {  	_ =	swait.ge [sflag:s22], $0x2000  }
0xd8: {  	(v2sf) =	vpush v5, $0x6;
	_ =	sdelay $0xe  }
0xd9: {  	s10 =	spop (v2sf)  }
0xda: {  	s25 =	sand.u32 $0x7F, s10  }
0xdb: {  	v53 =	vor.u32 s25, v0;
	_ =	sdelay $0x2  }
0xdc: {  	[sflag:s22] =	ssyncset.done $0x0  }
0xdd: {  	s29 =	sor.u32 $0x6, s12;
	[sflag:s22] =	ssyncadd.s32 $0xFFFFE000  }
0xde: {  	v54 =	vor.u32 s29, v0;
	v6 =	vld.idx.msk [tilespmem:v53+s15+$0x0], $0xffff  }
0xdf: {  	v55 =	vor.u32 s25, v1;
	_ =	sdelay $0x3  }
0xe0: {  	[tilespmem:v54+s26+$0x0] =	vst.idx.msk $0xffff, v6  }
0xe1: {  	v56 =	vor.u32 s29, v1;
	(v2sf) =	vpush v5, $0xE;
	v6 =	vld.idx.msk [tilespmem:v55+s15+$0x0], $0xffff  }
0xe2: {  	v57 =	vor.u32 s25, v2;
	_ =	sdelay $0x3  }
0xe3: {  	[tilespmem:v56+s26+$0x0] =	vst.idx.msk $0xffff, v6  }
0xe4: {  	v58 =	vor.u32 s29, v2;
	v6 =	vld.idx.msk [tilespmem:v57+s15+$0x0], $0xffff  }
0xe5: {  	v59 =	vor.u32 s25, v3;
	_ =	sdelay $0x3  }
0xe6: {  	[tilespmem:v58+s26+$0x0] =	vst.idx.msk $0xffff, v6  }
0xe7: {  	v60 =	vor.u32 s29, v3;
	v6 =	vld.idx.msk [tilespmem:v59+s15+$0x0], $0xffff;
	_ =	sdelay $0x2  }
0xe8: {  	s25 =	spop (v2sf)  }
0xe9: {  	s29 =	sand.u32 $0xFFFFF80, s25  }
0xea: {  	s29 =	sadd.s32 s1, s29;
	[tilespmem:v60+s26+$0x0] =	vst.idx.msk $0xffff, v6  }
0xeb: {  	[tilespmem:s15], [sflag:$0x7] =	stream.strided.gather [hbm4b:s29+s7], $0x1000, s8, s7, $0x38;
	[tilespmem:$0x12200] =	vst v63  }
0xec: {  	s14 =	sand.u32 $0x7F, s14;
	s10 =	simm.s32 $0xD200;
	s29 =	sadd.s32 $0x3D0A00, s29  }
0xed: {  	v61 =	vor.u32 s14, v0;
	[tilespmem:s10], [sflag:$0x7] =	stream.strided.gather [hbm4b:s29+s7], $0x1000, s8, s7, $0x38;
	[tilespmem:$0x12200] =	vst v63  }
0xee: {  	s10 =	simm.s32 $0x8  }
0xef: {  	_ =	swait.ge [sflag:s10], $0x2000;
	s10 =	simm.s32 $0x8  }
0xf0: {  	[sflag:s10] =	ssyncset.done $0x0;
	s10 =	simm.s32 $0x8  }
0xf1: {  	s30 =	simm.s32 $0xE200;
	s29 =	sor.u32 $0x7, s12;
	[sflag:s10] =	ssyncadd.s32 $0xFFFFE000  }
0xf2: {  	v62 =	vor.u32 s29, v0;
	v6 =	vld.idx.msk [tilespmem:v61+s30+$0x0], $0xffff  }
0xf3: {  	v63 =	vor.u32 s14, v1;
	_ =	sdelay $0x3  }
0xf4: {  	[tilespmem:v62+s26+$0x0] =	vst.idx.msk $0xffff, v6  }
0xf5: {  	v11 =	vor.u32 s29, v1;
	(v2sf) =	vpush v5, $0xF;
	v6 =	vld.idx.msk [tilespmem:v63+s30+$0x0], $0xffff  }
0xf6: {  	v5 =	vor.u32 s14, v2;
	_ =	sdelay $0x3  }
0xf7: {  	[tilespmem:v11+s26+$0x0] =	vst.idx.msk $0xffff, v6  }
0xf8: {  	v12 =	vor.u32 s29, v2;
	v5 =	vld.idx.msk [tilespmem:v5+s30+$0x0], $0xffff  }
0xf9: {  	v13 =	vor.u32 s14, v3;
	_ =	sdelay $0x3  }
0xfa: {  	[tilespmem:v12+s26+$0x0] =	vst.idx.msk $0xffff, v5  }
0xfb: {  	v14 =	vor.u32 s29, v3;
	v5 =	vld.idx.msk [tilespmem:v13+s30+$0x0], $0xffff;
	_ =	sdelay $0x2  }
0xfc: {  	s14 =	spop (v2sf)  }
0xfd: {  	s29 =	sand.u32 $0xFFFFF80, s14  }
0xfe: {  	s28 =	sand.u32 $0x7F, s28;
	s29 =	sadd.s32 s1, s29;
	[tilespmem:v14+s26+$0x0] =	vst.idx.msk $0xffff, v5  }
0xff: {  	[tilespmem:s30], [sflag:$0x8] =	stream.strided.gather [hbm4b:s29+s7], $0x1000, s8, s7, $0x38;
	[tilespmem:$0x12200] =	vst v63  }
0x100: {  	v5 =	vor.u32 s28, v0;
	s29 =	sadd.s32 $0x3D0A00, s29;
	s30 =	simm.s32 $0xF200  }
0x101: {  	[tilespmem:s30], [sflag:$0x8] =	stream.strided.gather [hbm4b:s29+s7], $0x1000, s8, s7, $0x38;
	[tilespmem:$0x12200] =	vst v63  }
0x102: {  	_ =	swait.ge [sflag:s31], $0x2000  }
0x103: {  	[sflag:s31] =	ssyncset.done $0x0  }
0x104: {  	s29 =	sor.u32 $0x8, s12;
	[sflag:s31] =	ssyncadd.s32 $0xFFFFE000  }
0x105: {  	v15 =	vor.u32 s29, v0;
	v5 =	vld.idx.msk [tilespmem:v5+s13+$0x0], $0xffff  }
0x106: {  	v16 =	vor.u32 s28, v1;
	_ =	sdelay $0x3  }
0x107: {  	p0 =	seq.s32 s4, $0x1F0;
	[tilespmem:v15+s26+$0x0] =	vst.idx.msk $0xffff, v5  }
0x108: {  	v17 =	vor.u32 s29, v1;
	(v2sf) =	vpush @!p0 v4, $0x0;
	v5 =	vld.idx.msk [tilespmem:v16+s13+$0x0], $0xffff  }
0x109: {  	v18 =	vor.u32 s28, v2;
	_ =	sdelay $0x3  }
0x10a: {  	[tilespmem:v17+s26+$0x0] =	vst.idx.msk $0xffff, v5  }
0x10b: {  	v19 =	vor.u32 s29, v2;
	v5 =	vld.idx.msk [tilespmem:v18+s13+$0x0], $0xffff  }
0x10c: {  	v20 =	vor.u32 s28, v3;
	_ =	sdelay $0x3  }
0x10d: {  	[tilespmem:v19+s26+$0x0] =	vst.idx.msk $0xffff, v5  }
0x10e: {  	v21 =	vor.u32 s29, v3;
	v5 =	vld.idx.msk [tilespmem:v20+s13+$0x0], $0xffff;
	_ =	sdelay $0x2  }
0x10f: {  	s28 =	spop @!p0 (v2sf)  }
0x110: {  	s29 =	simm.s32 @!p0 $0x7A1400;
	s28 =	sand.u32 @!p0 $0xFFFFF80, s28  }
0x111: {  	s31 =	simm.s32 @!p0 $0x200;
	s30 =	sadd.s32 @!p0 s1, s28;
	s28 =	simm.s32 @!p0 $0x400;
	[tilespmem:v21+s26+$0x0] =	vst.idx.msk $0xffff, v5  }
0x112: {  	[tilespmem:s31], [sflag:$0x1] =	stream.strided.gather @!p0 [hbm4b:s30+s28], $0x1000, s29, s28, $0x38;
	[tilespmem:$0x12200] =	vst v63  }
0x113: {  	s16 =	sand.u32 $0x7F, s16;
	s30 =	sadd.s32 @!p0 $0x3D0A00, s30;
	s31 =	simm.s32 @!p0 $0x1200  }
0x114: {  	v5 =	vor.u32 s16, v0;
	[tilespmem:s31], [sflag:$0x1] =	stream.strided.gather @!p0 [hbm4b:s30+s28], $0x1000, s29, s28, $0x38;
	[tilespmem:$0x12200] =	vst v63  }
0x115: {  	s30 =	simm.s32 $0x2  }
0x116: {  	_ =	swait.ge [sflag:s30], $0x2000  }
0x117: {  	[sflag:s30] =	ssyncset.done $0x0  }
0x118: {  	s31 =	sor.u32 $0x9, s12;
	[sflag:s30] =	ssyncadd.s32 $0xFFFFE000  }
0x119: {  	v22 =	vor.u32 s31, v0;
	v5 =	vld.idx.msk [tilespmem:v5+s23+$0x0], $0xffff  }
0x11a: {  	v23 =	vor.u32 s16, v1;
	_ =	sdelay $0x3  }
0x11b: {  	[tilespmem:v22+s26+$0x0] =	vst.idx.msk $0xffff, v5  }
0x11c: {  	v24 =	vor.u32 s31, v1;
	(v2sf) =	vpush @!p0 v4, $0x1;
	v5 =	vld.idx.msk [tilespmem:v23+s23+$0x0], $0xffff  }
0x11d: {  	v25 =	vor.u32 s16, v2;
	_ =	sdelay $0x3  }
0x11e: {  	[tilespmem:v24+s26+$0x0] =	vst.idx.msk $0xffff, v5  }
0x11f: {  	v26 =	vor.u32 s31, v2;
	v5 =	vld.idx.msk [tilespmem:v25+s23+$0x0], $0xffff  }
0x120: {  	v27 =	vor.u32 s16, v3;
	_ =	sdelay $0x3  }
0x121: {  	[tilespmem:v26+s26+$0x0] =	vst.idx.msk $0xffff, v5  }
0x122: {  	v28 =	vor.u32 s31, v3;
	v5 =	vld.idx.msk [tilespmem:v27+s23+$0x0], $0xffff;
	_ =	sdelay $0x2  }
0x123: {  	s16 =	spop @!p0 (v2sf)  }
0x124: {  	s16 =	sand.u32 @!p0 $0xFFFFF80, s16  }
0x125: {  	s18 =	sand.u32 $0x7F, s18;
	s30 =	simm.s32 @!p0 $0x2200;
	s16 =	sadd.s32 @!p0 s1, s16;
	[tilespmem:v28+s26+$0x0] =	vst.idx.msk $0xffff, v5  }
0x126: {  	[tilespmem:s30], [sflag:$0x2] =	stream.strided.gather @!p0 [hbm4b:s16+s28], $0x1000, s29, s28, $0x38;
	[tilespmem:$0x12200] =	vst v63  }
0x127: {  	v5 =	vor.u32 s18, v0;
	s16 =	sadd.s32 @!p0 $0x3D0A00, s16;
	s30 =	simm.s32 @!p0 $0x3200  }
0x128: {  	[tilespmem:s30], [sflag:$0x2] =	stream.strided.gather @!p0 [hbm4b:s16+s28], $0x1000, s29, s28, $0x38;
	[tilespmem:$0x12200] =	vst v63  }
0x129: {  	_ =	swait.ge [sflag:s9], $0x2000  }
0x12a: {  	[sflag:s9] =	ssyncset.done $0x0  }
0x12b: {  	s10 =	sor.u32 $0xA, s12;
	[sflag:s9] =	ssyncadd.s32 $0xFFFFE000  }
0x12c: {  	v29 =	vor.u32 s10, v0;
	v5 =	vld.idx.msk [tilespmem:v5+s0+$0x0], $0xffff  }
0x12d: {  	v30 =	vor.u32 s18, v1;
	_ =	sdelay $0x3  }
0x12e: {  	[tilespmem:v29+s26+$0x0] =	vst.idx.msk $0xffff, v5  }
0x12f: {  	v31 =	vor.u32 s10, v1;
	(v2sf) =	vpush @!p0 v4, $0x2;
	v5 =	vld.idx.msk [tilespmem:v30+s0+$0x0], $0xffff  }
0x130: {  	v32 =	vor.u32 s18, v2;
	_ =	sdelay $0x3  }
0x131: {  	[tilespmem:v31+s26+$0x0] =	vst.idx.msk $0xffff, v5  }
0x132: {  	v33 =	vor.u32 s10, v2;
	v5 =	vld.idx.msk [tilespmem:v32+s0+$0x0], $0xffff  }
0x133: {  	v34 =	vor.u32 s18, v3;
	_ =	sdelay $0x3  }
0x134: {  	[tilespmem:v33+s26+$0x0] =	vst.idx.msk $0xffff, v5  }
0x135: {  	v35 =	vor.u32 s10, v3;
	v5 =	vld.idx.msk [tilespmem:v34+s0+$0x0], $0xffff;
	_ =	sdelay $0x2  }
0x136: {  	s16 =	spop @!p0 (v2sf)  }
0x137: {  	s16 =	sand.u32 @!p0 $0xFFFFF80, s16  }
0x138: {  	s13 =	sand.u32 $0x7F, s20;
	s18 =	simm.s32 @!p0 $0x4200;
	s16 =	sadd.s32 @!p0 s1, s16;
	[tilespmem:v35+s26+$0x0] =	vst.idx.msk $0xffff, v5  }
0x139: {  	[tilespmem:s18], [sflag:$0x3] =	stream.strided.gather @!p0 [hbm4b:s16+s28], $0x1000, s29, s28, $0x38;
	[tilespmem:$0x12200] =	vst v63  }
0x13a: {  	s20 =	simm.s32 @!p0 $0x5200;
	v5 =	vor.u32 s13, v0;
	s16 =	sadd.s32 @!p0 $0x3D0A00, s16  }
0x13b: {  	[tilespmem:s20], [sflag:$0x3] =	stream.strided.gather @!p0 [hbm4b:s16+s28], $0x1000, s29, s28, $0x38;
	[tilespmem:$0x12200] =	vst v63  }
0x13c: {  	_ =	swait.ge [sflag:s19], $0x2000  }
0x13d: {  	[sflag:s19] =	ssyncset.done $0x0  }
0x13e: {  	s30 =	sor.u32 $0xB, s12;
	[sflag:s19] =	ssyncadd.s32 $0xFFFFE000  }
0x13f: {  	v36 =	vor.u32 s30, v0;
	v5 =	vld.idx.msk [tilespmem:v5+s2+$0x0], $0xffff  }
0x140: {  	v37 =	vor.u32 s13, v1;
	_ =	sdelay $0x3  }
0x141: {  	[tilespmem:v36+s26+$0x0] =	vst.idx.msk $0xffff, v5  }
0x142: {  	v38 =	vor.u32 s30, v1;
	(v2sf) =	vpush @!p0 v4, $0x3;
	v5 =	vld.idx.msk [tilespmem:v37+s2+$0x0], $0xffff  }
0x143: {  	v39 =	vor.u32 s13, v2;
	_ =	sdelay $0x3  }
0x144: {  	[tilespmem:v38+s26+$0x0] =	vst.idx.msk $0xffff, v5  }
0x145: {  	v40 =	vor.u32 s30, v2;
	v5 =	vld.idx.msk [tilespmem:v39+s2+$0x0], $0xffff  }
0x146: {  	v41 =	vor.u32 s13, v3;
	_ =	sdelay $0x3  }
0x147: {  	[tilespmem:v40+s26+$0x0] =	vst.idx.msk $0xffff, v5  }
0x148: {  	v42 =	vor.u32 s30, v3;
	v5 =	vld.idx.msk [tilespmem:v41+s2+$0x0], $0xffff;
	_ =	sdelay $0x2  }
0x149: {  	s16 =	spop @!p0 (v2sf)  }
0x14a: {  	s31 =	rddreg [dreg:$0x9];
	s16 =	sand.u32 @!p0 $0xFFFFF80, s16  }
0x14b: {  	s18 =	simm.s32 @!p0 $0x6200;
	s16 =	sadd.s32 @!p0 s1, s16;
	s2 =	sand.u32 $0x7F, s31;
	[tilespmem:v42+s26+$0x0] =	vst.idx.msk $0xffff, v5  }
0x14c: {  	[tilespmem:s18], [sflag:$0x4] =	stream.strided.gather @!p0 [hbm4b:s16+s28], $0x1000, s29, s28, $0x38;
	[tilespmem:$0x12200] =	vst v63  }
0x14d: {  	s20 =	simm.s32 @!p0 $0x7200;
	v5 =	vor.u32 s2, v0;
	s16 =	sadd.s32 @!p0 $0x3D0A00, s16  }
0x14e: {  	[tilespmem:s20], [sflag:$0x4] =	stream.strided.gather @!p0 [hbm4b:s16+s28], $0x1000, s29, s28, $0x38;
	[tilespmem:$0x12200] =	vst v63  }
0x14f: {  	_ =	swait.ge [sflag:s17], $0x2000  }
0x150: {  	[sflag:s17] =	ssyncset.done $0x0  }
0x151: {  	s9 =	sor.u32 $0xC, s12;
	[sflag:s17] =	ssyncadd.s32 $0xFFFFE000  }
0x152: {  	v43 =	vor.u32 s9, v0;
	v5 =	vld.idx.msk [tilespmem:v5+s11+$0x0], $0xffff  }
0x153: {  	v44 =	vor.u32 s2, v1;
	_ =	sdelay $0x3  }
0x154: {  	[tilespmem:v43+s26+$0x0] =	vst.idx.msk $0xffff, v5  }
0x155: {  	v45 =	vor.u32 s9, v1;
	(v2sf) =	vpush @!p0 v4, $0x4;
	v5 =	vld.idx.msk [tilespmem:v44+s11+$0x0], $0xffff  }
0x156: {  	v46 =	vor.u32 s2, v2;
	_ =	sdelay $0x3  }
0x157: {  	[tilespmem:v45+s26+$0x0] =	vst.idx.msk $0xffff, v5  }
0x158: {  	v47 =	vor.u32 s9, v2;
	v5 =	vld.idx.msk [tilespmem:v46+s11+$0x0], $0xffff  }
0x159: {  	v48 =	vor.u32 s2, v3;
	_ =	sdelay $0x3  }
0x15a: {  	[tilespmem:v47+s26+$0x0] =	vst.idx.msk $0xffff, v5  }
0x15b: {  	v49 =	vor.u32 s9, v3;
	v5 =	vld.idx.msk [tilespmem:v48+s11+$0x0], $0xffff;
	_ =	sdelay $0x2  }
0x15c: {  	s16 =	spop @!p0 (v2sf)  }
0x15d: {  	s16 =	sand.u32 @!p0 $0xFFFFF80, s16  }
0x15e: {  	s10 =	sand.u32 $0x7F, s24;
	s18 =	simm.s32 @!p0 $0x8200;
	s16 =	sadd.s32 @!p0 s1, s16;
	[tilespmem:v49+s26+$0x0] =	vst.idx.msk $0xffff, v5  }
0x15f: {  	[tilespmem:s18], [sflag:$0x5] =	stream.strided.gather @!p0 [hbm4b:s16+s28], $0x1000, s29, s28, $0x38;
	[tilespmem:$0x12200] =	vst v63  }
0x160: {  	s20 =	simm.s32 @!p0 $0x9200;
	v5 =	vor.u32 s10, v0;
	s16 =	sadd.s32 @!p0 $0x3D0A00, s16  }
0x161: {  	[tilespmem:s20], [sflag:$0x5] =	stream.strided.gather @!p0 [hbm4b:s16+s28], $0x1000, s29, s28, $0x38;
	[tilespmem:$0x12200] =	vst v63  }
0x162: {  	_ =	swait.ge [sflag:s21], $0x2000  }
0x163: {  	[sflag:s21] =	ssyncset.done $0x0  }
0x164: {  	s11 =	sor.u32 $0xD, s12;
	[sflag:s21] =	ssyncadd.s32 $0xFFFFE000  }
0x165: {  	v50 =	vor.u32 s11, v0;
	v5 =	vld.idx.msk [tilespmem:v5+s3+$0x0], $0xffff  }
0x166: {  	v51 =	vor.u32 s10, v1;
	_ =	sdelay $0x3  }
0x167: {  	[tilespmem:v50+s26+$0x0] =	vst.idx.msk $0xffff, v5  }
0x168: {  	v52 =	vor.u32 s11, v1;
	(v2sf) =	vpush @!p0 v4, $0x5;
	v5 =	vld.idx.msk [tilespmem:v51+s3+$0x0], $0xffff  }
0x169: {  	v53 =	vor.u32 s10, v2;
	_ =	sdelay $0x3  }
0x16a: {  	[tilespmem:v52+s26+$0x0] =	vst.idx.msk $0xffff, v5  }
0x16b: {  	v54 =	vor.u32 s11, v2;
	v5 =	vld.idx.msk [tilespmem:v53+s3+$0x0], $0xffff  }
0x16c: {  	v55 =	vor.u32 s10, v3;
	_ =	sdelay $0x3  }
0x16d: {  	[tilespmem:v54+s26+$0x0] =	vst.idx.msk $0xffff, v5  }
0x16e: {  	v56 =	vor.u32 s11, v3;
	v5 =	vld.idx.msk [tilespmem:v55+s3+$0x0], $0xffff;
	_ =	sdelay $0x2  }
0x16f: {  	s16 =	spop @!p0 (v2sf)  }
0x170: {  	s16 =	sand.u32 @!p0 $0xFFFFF80, s16  }
0x171: {  	s13 =	sand.u32 $0x7F, s25;
	s18 =	simm.s32 @!p0 $0xA200;
	s16 =	sadd.s32 @!p0 s1, s16;
	[tilespmem:v56+s26+$0x0] =	vst.idx.msk $0xffff, v5  }
0x172: {  	[tilespmem:s18], [sflag:$0x6] =	stream.strided.gather @!p0 [hbm4b:s16+s28], $0x1000, s29, s28, $0x38;
	[tilespmem:$0x12200] =	vst v63  }
0x173: {  	s20 =	simm.s32 @!p0 $0xB200;
	v5 =	vor.u32 s13, v0;
	s16 =	sadd.s32 @!p0 $0x3D0A00, s16  }
0x174: {  	[tilespmem:s20], [sflag:$0x6] =	stream.strided.gather @!p0 [hbm4b:s16+s28], $0x1000, s29, s28, $0x38;
	[tilespmem:$0x12200] =	vst v63  }
0x175: {  	_ =	swait.ge [sflag:s22], $0x2000  }
0x176: {  	[sflag:s22] =	ssyncset.done $0x0  }
0x177: {  	[sflag:s22] =	ssyncadd.s32 $0xFFFFE000;
	s22 =	sor.u32 $0xE, s12  }
0x178: {  	v5 =	vld.idx.msk [tilespmem:v5+s15+$0x0], $0xffff;
	v57 =	vor.u32 s22, v0  }
0x179: {  	v58 =	vor.u32 s13, v1;
	_ =	sdelay $0x3  }
0x17a: {  	[tilespmem:v57+s26+$0x0] =	vst.idx.msk $0xffff, v5  }
0x17b: {  	(v2sf) =	vpush @!p0 v4, $0x6;
	v59 =	vor.u32 s22, v1;
	v5 =	vld.idx.msk [tilespmem:v58+s15+$0x0], $0xffff  }
0x17c: {  	v4 =	vor.u32 s13, v2;
	_ =	sdelay $0x3  }
0x17d: {  	[tilespmem:v59+s26+$0x0] =	vst.idx.msk $0xffff, v5  }
0x17e: {  	v5 =	vor.u32 s22, v2;
	v4 =	vld.idx.msk [tilespmem:v4+s15+$0x0], $0xffff  }
0x17f: {  	v60 =	vor.u32 s13, v3;
	_ =	sdelay $0x3  }
0x180: {  	[tilespmem:v5+s26+$0x0] =	vst.idx.msk $0xffff, v4  }
0x181: {  	v5 =	vor.u32 s22, v3;
	v4 =	vld.idx.msk [tilespmem:v60+s15+$0x0], $0xffff;
	_ =	sdelay $0x2  }
0x182: {  	s16 =	spop @!p0 (v2sf)  }
0x183: {  	s16 =	sand.u32 @!p0 $0xFFFFF80, s16  }
0x184: {  	s14 =	sand.u32 $0x7F, s14;
	s18 =	simm.s32 @!p0 $0xC200;
	s16 =	sadd.s32 @!p0 s1, s16;
	[tilespmem:v5+s26+$0x0] =	vst.idx.msk $0xffff, v4  }
0x185: {  	[tilespmem:s18], [sflag:$0x7] =	stream.strided.gather @!p0 [hbm4b:s16+s28], $0x1000, s29, s28, $0x38;
	[tilespmem:$0x12200] =	vst v63  }
0x186: {  	s30 =	simm.s32 $0x8;
	v4 =	vor.u32 s14, v0;
	s16 =	sadd.s32 @!p0 $0x3D0A00, s16;
	s18 =	simm.s32 @!p0 $0xD200  }
0x187: {  	[tilespmem:s18], [sflag:$0x7] =	stream.strided.gather @!p0 [hbm4b:s16+s28], $0x1000, s29, s28, $0x38;
	[tilespmem:$0x12200] =	vst v63  }
0x188: {  	_ =	swait.ge [sflag:s30], $0x2000  }
0x189: {  	[sflag:s30] =	ssyncset.done $0x0  }
0x18a: {  	s12 =	sor.u32 $0xF, s12;
	s28 =	simm.s32 $0xE200;
	[sflag:s30] =	ssyncadd.s32 $0xFFFFE000  }
0x18b: {  	v5 =	vor.u32 s12, v0;
	v4 =	vld.idx.msk [tilespmem:v4+s28+$0x0], $0xffff  }
0x18c: {  	v61 =	vor.u32 s14, v1;
	_ =	sdelay $0x3  }
0x18d: {  	[tilespmem:v5+s26+$0x0] =	vst.idx.msk $0xffff, v4  }
0x18e: {  	v5 =	vor.u32 s12, v1;
	v4 =	vld.idx.msk [tilespmem:v61+s28+$0x0], $0xffff  }
0x18f: {  	v62 =	vor.u32 s14, v2;
	_ =	sdelay $0x3  }
0x190: {  	[tilespmem:v5+s26+$0x0] =	vst.idx.msk $0xffff, v4  }
0x191: {  	v5 =	vor.u32 s12, v2;
	v4 =	vld.idx.msk [tilespmem:v62+s28+$0x0], $0xffff  }
0x192: {  	v63 =	vor.u32 s14, v3;
	_ =	sdelay $0x3  }
0x193: {  	[tilespmem:v5+s26+$0x0] =	vst.idx.msk $0xffff, v4  }
0x194: {  	v5 =	vor.u32 s12, v3;
	v4 =	vld.idx.msk [tilespmem:v63+s28+$0x0], $0xffff  }
0x195: {  	s31 =	rddreg [dreg:$0x8]  }
0x196: {  	p0 =	sne.s32 s31, $0x7  }
0x197: {  	s10 =	sand.u32 @!p0 $0x180, s4;
	s14 =	simm.s32 @!p0 $0x20000  }
0x198: {  	s16 =	simm.s32 @!p0 $0x10200;
	s4 =	sadd.s32 $0x10, s4;
	s12 =	rddreg [dreg:$0x4]  }
0x199: {  	p1 =	sne.s32 s4, $0x200;
	s10 =	sadd.s32 @!p0 s10, s12;
	s12 =	simm.s32 @!p0 $0x400;
	[tilespmem:v5+s26+$0x0] =	vst.idx.msk $0xffff, v4  }
0x19a: {  	[hbm4b:s10+s12] =	stream.strided.scatter @!p0 [tilespmem:s16], [sflag:$0x9], $0x2000, s14, s12, $0x38;
	[tilespmem:$0x12200] =	vst v63  }
.Ltmp0:
0x19b: {  	s5 =	sadd.s32 $0x10, s5;
	(pc) =	sbr.rel @p1 .LBB2_2-.Ltmp0, $4  }
0x19c: {  	s6 =	sadd.s32 $0x1, s6;
	s24 =	simm.s32 $0x7200;
	s10 =	simm.s32 @!p0 $0x9  }
0x19d: {  	s0 =	simm.s32 $0x1;
	s25 =	simm.s32 $0x9200;
	_ =	swait.ge @!p0 [sflag:s10], $0x2000  }
0x19e: {  	s19 =	simm.s32 $0x5200;
	s20 =	simm.s32 $0x3200;
	[sflag:s10] =	ssyncset.done @!p0 $0x0  }
0x19f: {  	s29 =	simm.s32 $0xB200;
	s18 =	simm.s32 $0x1200;
	[sflag:s10] =	ssyncadd.s32 @!p0 $0xFFFFE000  }
0x1a0: {  	s2 =	rddreg [dreg:$0x7]  }
0x1a1: {  	s4 =	rddreg [dreg:$0x6];
	s2 =	sadd.s32 $0x1, s2  }
0x1a2: {  	p0 =	sne.s32 s2, s4  }
.Ltmp1:
0x1a3: {  	_ = 	snop;
	(pc) =	sbr.rel @p0 .LBB2_1-.Ltmp1, $4  }
0x1a4: {  	_ = 	snop  }
0x1a5: {  	s3 =	simm.s32 $0x200  }
0x1a6: {  	s6 =	simm.s32 $0x2200;
	s9 =	simm.s32 $0x4200;
	s10 =	simm.s32 $0x6200  }
0x1a7: {  	s11 =	simm.s32 $0x8200;
	s12 =	simm.s32 $0xA200;
	s13 =	simm.s32 $0xC200  }
0x1a8: {  	_ =	sfence.sel $0x180000  }
0x1a9: {  	[bflag:$0x0] =	sbarrier.arrive $0xFFFF  }
0x1aa: {  	_ =	strace $0x90000047  }
0x1ab: {  	s0 =	stileid.u32;
	[bflag:$0x2] =	sbarrier.arrive $0xFFFF  }
0x1ac: {  	p0 =	sne.s32 s0, $0x0;
	s0 =	rddreg [dreg:$0x3]  }
0x1ad: {  	s0 =	sadd.s32 @!p0 $0x100000, s0  }
0x1ae: {  	[sflag:s0] =	ssyncadd.tile.s32 @!p0 $0x1;
	_ =	shalt  }
.Lfunc_end2:
_tile_overlayer_lowered:
.L_overlay_start_2:
0x1af: {  	(tag) =	ssettag $0x2  }
0x1b0: {  	s0 =	rddreg [dreg:$0x0];
	s2 =	stileid.u32  }
0x1b1: {  	s1 =	rddreg [dreg:$0x1];
	p0 =	sne.s32 s2, $0x0  }
0x1b2: {  	s3 =	rddreg [dreg:$0x2];
	[bflag:$0x3] =	sbarrier.arrive $0xFFFF;
	s2 =	simm.s32 @!p0 $0x1C09  }
0x1b3: {  	[timem:s3], [sflag:s2] =	dma.local @!p0 [hbm:s0], s1  }
0x1b4: {  	s0 =	simm.s32 @!p0 $0x9  }
0x1b5: {  	_ =	swait.ge @!p0 [sflag:s0], s1  }
0x1b6: {  	s1 =	ssub.s32 @!p0 $0x0, s1;
	[sflag:s0] =	ssyncset.done @!p0 $0x0  }
0x1b7: {  	[sflag:s0] =	ssyncadd.s32 @!p0 s1  }
0x1b8: {  	[bflag:$0x3] =	sbarrier.arrive $0xFFFF  }
0x1b9: {  	_ =	shalt  }

</sc_bundles>
